<compile_context>
chip_gen: v7x
topology: tpu7x:2x2x1
jax: 0.10.2.dev20260603
libtpu: 0.0.44.dev20260713+nightly
codegen_flags: <defaults>
</compile_context>

<pallas_src>
import functools

import jax
import jax.numpy as jnp
from jax import lax
from jax.experimental import pallas as pl
from jax.experimental.pallas import tpu as pltpu
from jax.experimental.pallas import tpu_sc as plsc

NC = 2
NS = 16
LANE = 128



@functools.lru_cache(maxsize=None)
def _deg_kernel(N_pad, E_pad, CR):
    NW = NC * NS
    rows_w = E_pad // LANE // NW
    n_chunks = rows_w // CR
    node_sl = N_pad // NS
    mesh = plsc.VectorSubcoreMesh(core_axis_name="c", subcore_axis_name="s")

    @functools.partial(
        pl.kernel, mesh=mesh,
        out_type=jax.ShapeDtypeStruct((NC * N_pad,), jnp.float32),
        scratch_types=[
            pltpu.VMEM((CR, LANE), jnp.int32),
            pltpu.VMEM((LANE,), jnp.float32),
            pltpu.VMEM((node_sl,), jnp.float32),
            pltpu.VMEM_SHARED((N_pad,), jnp.float32),
            pltpu.SemaphoreType.DMA,
        ],
    )
    def deg(dst_hbm, out_hbm, idx_v, ones_v, bounce_v, acc_sh, ssem):
        c = lax.axis_index("c")
        s = lax.axis_index("s")
        wid = s * NC + c
        noff = s * node_sl

        @pl.loop(0, node_sl, step=16)
        def _(i):
            bounce_v[pl.ds(i, 16)] = jnp.full((16,), 0.0, dtype=jnp.float32)

        pltpu.sync_copy(bounce_v, acc_sh.at[pl.ds(noff, node_sl)])

        @pl.loop(0, LANE, step=16)
        def _(i):
            ones_v[pl.ds(i, 16)] = jnp.full((16,), 1.0, dtype=jnp.float32)

        plsc.subcore_barrier()
        row_base = wid * rows_w

        @pl.loop(0, n_chunks)
        def _(k):
            pltpu.sync_copy(dst_hbm.at[pl.ds(row_base + k * CR, CR)], idx_v)

            @pl.loop(0, CR)
            def _(j):
                pltpu.async_copy(ones_v, acc_sh.at[idx_v.at[j]], ssem,
                                 add=True)

            @pl.loop(0, CR)
            def _(j):
                pltpu.make_async_copy(ones_v, acc_sh.at[idx_v.at[j]],
                                      ssem).wait()

        plsc.subcore_barrier()
        pltpu.sync_copy(acc_sh.at[pl.ds(noff, node_sl)], bounce_v)
        pltpu.sync_copy(bounce_v, out_hbm.at[pl.ds(c * N_pad + noff, node_sl)])

    return deg


@functools.lru_cache(maxsize=None)
def _segsum_kernel(n_vals, N_pad, E_pad, CR):
    NW = NC * NS
    rows_w = E_pad // LANE // NW
    n_chunks = rows_w // CR
    n_pairs = n_chunks // 2
    assert n_pairs * 2 == n_chunks
    node_sl = N_pad // NS
    mesh = plsc.VectorSubcoreMesh(core_axis_name="c", subcore_axis_name="s")

    scratch = [pltpu.VMEM((CR, LANE), jnp.int32) for _ in range(4)]
    scratch += [pltpu.VMEM((CR, LANE), jnp.float32)
                for _ in range(2 * n_vals)]
    scratch += [pltpu.VMEM((node_sl,), jnp.float32)]
    scratch += [pltpu.VMEM_SHARED((N_pad,), jnp.float32)
                for _ in range(2 * n_vals)]
    scratch += [pltpu.SemaphoreType.DMA] * 5

    @functools.partial(
        pl.kernel, mesh=mesh,
        out_type=[jax.ShapeDtypeStruct((NC * N_pad,), jnp.float32)] * n_vals,
        scratch_types=scratch,
    )
    def segsum(*refs):
        src_hbm, dst_hbm = refs[0], refs[1]
        vals_hbm = refs[2:2 + n_vals]
        outs = refs[2 + n_vals:2 + 2 * n_vals]
        r = list(refs[2 + 2 * n_vals:])
        sidx = [r[0], r[1]]
        didx = [r[2], r[3]]
        vbufs = [r[4:4 + n_vals], r[4 + n_vals:4 + 2 * n_vals]]
        b = 4 + 2 * n_vals
        bounce_v = r[b]
        vals_sh = r[b + 1:b + 1 + n_vals]
        acc_sh = r[b + 1 + n_vals:b + 1 + 2 * n_vals]
        sems = r[b + 1 + 2 * n_vals:]
        isem = [sems[0], sems[1]]
        gsem = sems[2]
        ssem = [sems[3], sems[4]]

        c = lax.axis_index("c")
        s = lax.axis_index("s")
        wid = s * NC + c
        noff = s * node_sl
        row_base = wid * rows_w

        def fire_idx(k, b):
            sl = pl.ds(row_base + k * CR, CR)
            pltpu.async_copy(src_hbm.at[sl], sidx[b], isem[b])
            pltpu.async_copy(dst_hbm.at[sl], didx[b], isem[b])

        def wait_idx(k, b):
            sl = pl.ds(row_base + k * CR, CR)
            pltpu.make_async_copy(src_hbm.at[sl], sidx[b], isem[b]).wait()
            pltpu.make_async_copy(dst_hbm.at[sl], didx[b], isem[b]).wait()

        def fire_gathers(b):
            @pl.loop(0, CR)
            def _(j):
                for t in range(n_vals):
                    pltpu.async_copy(vals_sh[t].at[sidx[b].at[j]],
                                     vbufs[b][t].at[j], gsem)

        def drain_gathers(b):
            @pl.loop(0, CR)
            def _(j):
                for t in range(n_vals):
                    pltpu.make_async_copy(vals_sh[t].at[sidx[b].at[j]],
                                          vbufs[b][t].at[j], gsem).wait()

        def fire_scatters(b):
            @pl.loop(0, CR)
            def _(j):
                for t in range(n_vals):
                    pltpu.async_copy(vbufs[b][t].at[j],
                                     acc_sh[t].at[didx[b].at[j]],
                                     ssem[b], add=True)

        def drain_scatters(b):
            @pl.loop(0, CR)
            def _(j):
                for t in range(n_vals):
                    pltpu.make_async_copy(vbufs[b][t].at[j],
                                          acc_sh[t].at[didx[b].at[j]],
                                          ssem[b]).wait()

        @pl.loop(0, node_sl, step=16)
        def _(i):
            bounce_v[pl.ds(i, 16)] = jnp.full((16,), 0.0, dtype=jnp.float32)

        for t in range(n_vals):
            pltpu.sync_copy(bounce_v, acc_sh[t].at[pl.ds(noff, node_sl)])
        for t in range(n_vals):
            pltpu.sync_copy(vals_hbm[t].at[pl.ds(noff, node_sl)], bounce_v)
            pltpu.sync_copy(bounce_v, vals_sh[t].at[pl.ds(noff, node_sl)])
        plsc.subcore_barrier()

        fire_idx(0, 0)

        @pl.loop(0, n_pairs)
        def _(p):
            k0 = 2 * p
            wait_idx(k0, 0)
            fire_gathers(0)

            @pl.when(p > 0)
            def _():
                drain_scatters(1)
            fire_idx(k0 + 1, 1)
            drain_gathers(0)
            fire_scatters(0)
            wait_idx(k0 + 1, 1)
            fire_gathers(1)
            drain_scatters(0)

            @pl.when(p + 1 < n_pairs)
            def _():
                fire_idx(k0 + 2, 0)
            drain_gathers(1)
            fire_scatters(1)

        drain_scatters(1)
        plsc.subcore_barrier()
        for t in range(n_vals):
            pltpu.sync_copy(acc_sh[t].at[pl.ds(noff, node_sl)], bounce_v)
            pltpu.sync_copy(bounce_v,
                            outs[t].at[pl.ds(c * N_pad + noff, node_sl)])

    return segsum



def _stage1(degp3, x2d):
    def body(degp_ref, x_ref, dinv_ref, xs_ref):
        deg = degp_ref[0] + degp_ref[1] + 1.0
        dinv = lax.rsqrt(deg)
        dinv = dinv * (1.5 - 0.5 * deg * dinv * dinv)
        dinv_ref[...] = dinv
        xs_ref[...] = dinv * x_ref[...]

    return pl.pallas_call(
        body,
        out_shape=[jax.ShapeDtypeStruct(x2d.shape, jnp.float32)] * 2,
    )(degp3, x2d)


def _stage2(tp3, dinv2d, xs2d):
    def body(tp_ref, dinv_ref, xs_ref, pp_ref, mm_ref):
        dinv = dinv_ref[...]
        s = dinv * (tp_ref[0] + tp_ref[1] + xs_ref[...])
        pp_ref[...] = dinv * jnp.maximum(s, 0.0)
        mm_ref[...] = dinv * jnp.minimum(s, 0.0)

    return pl.pallas_call(
        body,
        out_shape=[jax.ShapeDtypeStruct(dinv2d.shape, jnp.float32)] * 2,
    )(tp3, dinv2d, xs2d)


def _stage3(Pp3, Mp3, pp2d, mm2d, dinv2d, W1c, W2, b2r, Wfcr, bfcr, H):
    def body(Pp_ref, Mp_ref, pp_ref, mm_ref, dinv_ref, W1_ref, W2_ref,
             b2_ref, Wfc_ref, bfc_ref, out_ref):
        dinv = dinv_ref[...]
        Pf = dinv * (Pp_ref[0] + Pp_ref[1] + pp_ref[...])
        Mf = dinv * (Mp_ref[0] + Mp_ref[1] + mm_ref[...])
        wp = jnp.maximum(W1_ref[...], 0.0)
        wn = jnp.minimum(W1_ref[...], 0.0)
        u = jnp.sum(wp * W2_ref[...], axis=0, keepdims=True)
        v = jnp.sum(wn * W2_ref[...], axis=0, keepdims=True)
        acc = jnp.zeros_like(Pf) + bfc_ref[0, 0]
        for j in range(H):
            hj = jnp.maximum(Pf * u[0, j] + Mf * v[0, j] + b2_ref[0, j], 0.0)
            acc = acc + hj * Wfc_ref[0, j]
        out_ref[...] = acc

    return pl.pallas_call(
        body,
        out_shape=jax.ShapeDtypeStruct(dinv2d.shape, jnp.float32),
    )(Pp3, Mp3, pp2d, mm2d, dinv2d, W1c, W2, b2r, Wfcr, bfcr)



def kernel(x, edge_index, W1, b1, W2, b2, Wfc, bfc):
    N = x.shape[0]
    E = edge_index.shape[1]
    H = W1.shape[1]

    CR = 40
    DEG_CR = 80
    C = CR * LANE
    n_chunks = 2 * -(-E // (NC * NS * 2 * C))
    E_pad = NC * NS * n_chunks * C
    N_pad = -(-N // 256) * 256
    if E_pad > E and N_pad == N:
        N_pad += 256
    R = N_pad // LANE

    xf = x[:, 0]
    x2d = jnp.pad(xf, (0, N_pad - N)).reshape(R, LANE)
    src = edge_index[0]
    dst = edge_index[1]
    pad_e = E_pad - E
    if pad_e:
        fill = jnp.arange(pad_e, dtype=edge_index.dtype)
        src = jnp.concatenate([src, fill % jnp.int32(min(N, LANE))])
        dst = jnp.concatenate([dst, jnp.int32(N) + fill % jnp.int32(N_pad - N)])
    src2d = src.reshape(E_pad // LANE, LANE)
    dst2d = dst.reshape(E_pad // LANE, LANE)

    degp = _deg_kernel(N_pad, E_pad, DEG_CR)(dst2d)
    degp3 = degp.reshape(NC, R, LANE)
    dinv2d, xs2d = _stage1(degp3, x2d)

    (tp,) = _segsum_kernel(1, N_pad, E_pad, CR)(src2d, dst2d,
                                                xs2d.reshape(-1))
    pp2d, mm2d = _stage2(tp.reshape(NC, R, LANE), dinv2d, xs2d)

    Pp, Mp = _segsum_kernel(2, N_pad, E_pad, CR)(src2d, dst2d,
                                                 pp2d.reshape(-1),
                                                 mm2d.reshape(-1))
    out2d = _stage3(Pp.reshape(NC, R, LANE), Mp.reshape(NC, R, LANE),
                    pp2d, mm2d, dinv2d,
                    W1.reshape(H, 1), W2, b2.reshape(1, H),
                    Wfc.reshape(1, H), bfc.reshape(1, 1), H)
    return out2d.reshape(-1)[:N]

# --- scband reference (transcript-rebuilt; emitter-appended) ---
"""Pipeline reference for scband-reversi-gnn-14748917694868 (READ-ONLY COPY).

The authoritative reference and input builder live on the scoring server;
editing this copy changes nothing except your own understanding.
"""

import jax, jax.numpy as jnp
import numpy as np

N = 100000
E = 1600000
H = 32
OUT = 1

def _gcn_conv(x, edge_index, W, b):
    num_nodes = x.shape[0]
    loop = jnp.arange(num_nodes, dtype=edge_index.dtype)
    src = jnp.concatenate([edge_index[0], loop])
    dst = jnp.concatenate([edge_index[1], loop])
    h = x @ W
    deg = jnp.zeros((num_nodes,), dtype=h.dtype).at[dst].add(1.0)
    dinv = jnp.where(deg > 0, deg ** -0.5, 0.0)
    norm = dinv[src] * dinv[dst]
    msg = h[src] * norm[:, None]
    out = jnp.zeros((num_nodes, W.shape[1]), dtype=h.dtype).at[dst].add(msg)
    return out + b

def setup_inputs(seed: int = 0):
    key = jax.random.key(seed)
    ks = jax.random.split(key, 8)
    x = jax.random.normal(ks[0], (N, 1), dtype=jnp.float32)
    edge_index = jax.random.randint(ks[1], (2, E), 0, N, dtype=jnp.int32)
    W1 = jax.random.normal(ks[2], (1, H), dtype=jnp.float32) * (1.0 / np.sqrt(1))
    b1 = jnp.zeros((H,), dtype=jnp.float32)
    W2 = jax.random.normal(ks[3], (H, H), dtype=jnp.float32) * (1.0 / np.sqrt(H))
    b2 = jnp.zeros((H,), dtype=jnp.float32)
    Wfc = jax.random.normal(ks[4], (H, OUT), dtype=jnp.float32) * (1.0 / np.sqrt(H))
    bfc = jnp.zeros((OUT,), dtype=jnp.float32)
    return {"x": x, "edge_index": edge_index, "W1": W1, "b1": b1, "W2": W2, "b2": b2, "Wfc": Wfc, "bfc": bfc}

def reference(x, edge_index, W1, b1, W2, b2, Wfc, bfc):
    h = _gcn_conv(x, edge_index, W1, b1)
    h = jax.nn.relu(h)
    h = _gcn_conv(h, edge_index, W2, b2)
    h = jax.nn.relu(h)
    out = h @ Wfc + bfc
    return out.reshape(-1)

if __name__ == "__main__":
    import jax
    _d = setup_inputs()
    print(jax.jit(kernel)(*tuple(_d.values())))

</pallas_src>

<mosaic_0001>
#map = affine_map<(d0, d1) -> (0, 0)>
#map1 = affine_map<(d0, d1) -> (0)>
module attributes {stable_mosaic.version = 14 : i64} {
  func.func @deg(%arg0: i32, %arg1: i32, %arg2: memref<12800x128xi32, #tpu.memory_space<hbm>>, %arg3: memref<200192xf32, #tpu.memory_space<hbm>>, %arg4: memref<80x128xi32, #tpu.memory_space<vmem>>, %arg5: memref<128xf32, #tpu.memory_space<vmem>>, %arg6: memref<6256xf32, #tpu.memory_space<vmem>>, %arg7: memref<100096xf32, #tpu.memory_space<vmem_shared>>, %arg8: memref<!tpu.dma_semaphore, #tpu.memory_space<semaphore_mem>>) attributes {dimension_semantics = [#tpu.dimension_semantics<core_parallel>, #tpu.dimension_semantics<subcore_parallel>], iteration_bounds = array<i64: 2, 16>, scalar_prefetch = 0 : i64, scratch_operands = 5 : i64, tpu.core_type = #tpu.core_type<sc_vector_subcore>, window_params = [{transform_indices = #map}, {transform_indices = #map1}]} {
    %mul3A = arith.constant 2 : i32
    %mul3A_0 = arith.muli %arg1, %mul3A : i32
    %add3A = arith.addi %mul3A_0, %arg0 : i32
    %mul3A_1 = arith.constant 6256 : i32
    %mul3A_2 = arith.muli %arg1, %mul3A_1 : i32
    %scan3A = arith.constant 0 : i32
    %scan3A_3 = arith.constant 391 : i32
    %scan3A_4 = arith.addi %scan3A, %scan3A_3 : i32
    %scan3A_5 = arith.constant 1 : i32
    scf.for %scan3A_23 = %scan3A to %scan3A_4 step %scan3A_5  : i32 {
      %mul3A_24 = arith.constant 16 : i32
      %mul3A_25 = arith.muli %scan3A_23, %mul3A_24 : i32
      %add3A_26 = arith.constant 0 : i32
      %add3A_27 = arith.addi %add3A_26, %mul3A_25 : i32
      %broadcast_in_dim3A = arith.constant 0.000000e+00 : f32
      %broadcast_in_dim3A_28 = vector.broadcast %broadcast_in_dim3A : f32 to vector<16xf32>
      %swap3A = arith.index_cast %add3A_27 : i32 to index
      %swap3A_29 = tpu.vector_load %arg6[%swap3A] {strides = array<i32>} : memref<6256xf32, #tpu.memory_space<vmem>>, vector<16xf32>,
      %swap3A_30 = vector.shape_cast %swap3A_29 : vector<16xf32> to vector<16xf32>
      %swap3A_31 = vector.shape_cast %broadcast_in_dim3A_28 : vector<16xf32> to vector<16xf32>
      tpu.vector_store %arg6[%swap3A], %swap3A_31 {strides = array<i32>} : memref<6256xf32, #tpu.memory_space<vmem>>, vector<16xf32>,
    }
    %scan3A_6 = arith.constant 391 : i32
    "tpu.region"() ({
      %run_scoped3A = tpu.sem_alloc : memref<!tpu.dma_semaphore, #tpu.memory_space<semaphore_mem>>
      %dma_start3A = tpu.memref_slice %arg7[%mul3A_2] : memref<100096xf32, #tpu.memory_space<vmem_shared>> -> memref<6256xf32, #tpu.memory_space<vmem_shared>>
      %dma_start3A_23 = tpu.memref_slice %arg7[%mul3A_2] : memref<100096xf32, #tpu.memory_space<vmem_shared>> -> memref<6256xf32, #tpu.memory_space<vmem_shared>>
      tpu.enqueue_dma source(%arg6 : memref<6256xf32, #tpu.memory_space<vmem>>) target(%dma_start3A_23 : memref<6256xf32, #tpu.memory_space<vmem_shared>>) target_semaphore(%run_scoped3A : memref<!tpu.dma_semaphore, #tpu.memory_space<semaphore_mem>>)
      %dma_wait3A = tpu.memref_slice %arg7[%mul3A_2] : memref<100096xf32, #tpu.memory_space<vmem_shared>> -> memref<6256xf32, #tpu.memory_space<vmem_shared>>
      %dma_wait3A_24 = tpu.memref_slice %arg7[%mul3A_2] : memref<100096xf32, #tpu.memory_space<vmem_shared>> -> memref<6256xf32, #tpu.memory_space<vmem_shared>>
      tpu.wait_dma2 semaphore(%run_scoped3A : memref<!tpu.dma_semaphore, #tpu.memory_space<semaphore_mem>>) src(%arg6 : memref<6256xf32, #tpu.memory_space<vmem>>) dst(%dma_wait3A_24 : memref<6256xf32, #tpu.memory_space<vmem_shared>>)
      tpu.yield
    }) : () -> ()
    %scan3A_7 = arith.constant 0 : i32
    %scan3A_8 = arith.constant 8 : i32
    %scan3A_9 = arith.addi %scan3A_7, %scan3A_8 : i32
    %scan3A_10 = arith.constant 1 : i32
    scf.for %scan3A_23 = %scan3A_7 to %scan3A_9 step %scan3A_10  : i32 {
      %mul3A_24 = arith.constant 16 : i32
      %mul3A_25 = arith.muli %scan3A_23, %mul3A_24 : i32
      %add3A_26 = arith.constant 0 : i32
      %add3A_27 = arith.addi %add3A_26, %mul3A_25 : i32
      %broadcast_in_dim3A = arith.constant 1.000000e+00 : f32
      %broadcast_in_dim3A_28 = vector.broadcast %broadcast_in_dim3A : f32 to vector<16xf32>
      %swap3A = arith.index_cast %add3A_27 : i32 to index
      %swap3A_29 = tpu.vector_load %arg5[%swap3A] {strides = array<i32>} : memref<128xf32, #tpu.memory_space<vmem>>, vector<16xf32>,
      %swap3A_30 = vector.shape_cast %swap3A_29 : vector<16xf32> to vector<16xf32>
      %swap3A_31 = vector.shape_cast %broadcast_in_dim3A_28 : vector<16xf32> to vector<16xf32>
      tpu.vector_store %arg5[%swap3A], %swap3A_31 {strides = array<i32>} : memref<128xf32, #tpu.memory_space<vmem>>, vector<16xf32>,
    }
    %scan3A_11 = arith.constant 8 : i32
    %barrier3A = arith.constant 0 : index
    tpu.barrier barrier_id(%barrier3A)
    %mul3A_12 = arith.constant 400 : i32
    %mul3A_13 = arith.muli %add3A, %mul3A_12 : i32
    %scan3A_14 = arith.constant 0 : i32
    %scan3A_15 = arith.constant 5 : i32
    %scan3A_16 = arith.addi %scan3A_14, %scan3A_15 : i32
    %scan3A_17 = arith.constant 1 : i32
    scf.for %scan3A_23 = %scan3A_14 to %scan3A_16 step %scan3A_17  : i32 {
      %mul3A_24 = arith.constant 1 : i32
      %mul3A_25 = arith.muli %scan3A_23, %mul3A_24 : i32
      %add3A_26 = arith.constant 0 : i32
      %add3A_27 = arith.addi %add3A_26, %mul3A_25 : i32
      %mul3A_28 = arith.constant 80 : i32
      %mul3A_29 = arith.muli %add3A_27, %mul3A_28 : i32
      %add3A_30 = arith.addi %mul3A_13, %mul3A_29 : i32
      "tpu.region"() ({
        %run_scoped3A = tpu.sem_alloc : memref<!tpu.dma_semaphore, #tpu.memory_space<semaphore_mem>>
        %dma_start3A = arith.constant 0 : i32
        %dma_start3A_41 = tpu.memref_slice %arg2[%add3A_30, %dma_start3A] : memref<12800x128xi32, #tpu.memory_space<hbm>> -> memref<80x128xi32, #tpu.memory_space<hbm>>
        %dma_start3A_42 = arith.constant 0 : i32
        %dma_start3A_43 = tpu.memref_slice %arg2[%add3A_30, %dma_start3A_42] : memref<12800x128xi32, #tpu.memory_space<hbm>> -> memref<80x128xi32, #tpu.memory_space<hbm>>
        tpu.enqueue_dma source(%dma_start3A_43 : memref<80x128xi32, #tpu.memory_space<hbm>>) target(%arg4 : memref<80x128xi32, #tpu.memory_space<vmem>>) target_semaphore(%run_scoped3A : memref<!tpu.dma_semaphore, #tpu.memory_space<semaphore_mem>>)
        %dma_wait3A = arith.constant 0 : i32
        %dma_wait3A_44 = tpu.memref_slice %arg2[%add3A_30, %dma_wait3A] : memref<12800x128xi32, #tpu.memory_space<hbm>> -> memref<80x128xi32, #tpu.memory_space<hbm>>
        %dma_wait3A_45 = arith.constant 0 : i32
        %dma_wait3A_46 = tpu.memref_slice %arg2[%add3A_30, %dma_wait3A_45] : memref<12800x128xi32, #tpu.memory_space<hbm>> -> memref<80x128xi32, #tpu.memory_space<hbm>>
        tpu.wait_dma2 semaphore(%run_scoped3A : memref<!tpu.dma_semaphore, #tpu.memory_space<semaphore_mem>>) src(%dma_wait3A_46 : memref<80x128xi32, #tpu.memory_space<hbm>>) dst(%arg4 : memref<80x128xi32, #tpu.memory_space<vmem>>)
        tpu.yield
      }) : () -> ()
      %scan3A_31 = arith.constant 0 : i32
      %scan3A_32 = arith.constant 80 : i32
      %scan3A_33 = arith.addi %scan3A_31, %scan3A_32 : i32
      %scan3A_34 = arith.constant 1 : i32
      scf.for %scan3A_41 = %scan3A_31 to %scan3A_33 step %scan3A_34  : i32 {
        %mul3A_42 = arith.constant 1 : i32
        %mul3A_43 = arith.muli %scan3A_41, %mul3A_42 : i32
        %add3A_44 = arith.constant 0 : i32
        %add3A_45 = arith.addi %add3A_44, %mul3A_43 : i32
        %dma_start3A = arith.constant 0 : i32
        %dma_start3A_46 = tpu.memref_slice %arg4[%add3A_45, %dma_start3A] : memref<80x128xi32, #tpu.memory_space<vmem>> -> memref<1x128xi32, #tpu.memory_space<vmem>>
        %dma_start3A_47 = tpu.memref_squeeze %dma_start3A_46 : memref<1x128xi32, #tpu.memory_space<vmem>> -> memref<128xi32, #tpu.memory_space<vmem>>
        %dma_start3A_48 = arith.constant 0 : i32
        %dma_start3A_49 = tpu.memref_slice %arg7[%dma_start3A_48] : memref<100096xf32, #tpu.memory_space<vmem_shared>> -> memref<100096xf32, #tpu.memory_space<vmem_shared>>
        tpu.enqueue_indirect_dma source(%arg5 : memref<128xf32, #tpu.memory_space<vmem>>) target(%dma_start3A_49 : memref<100096xf32, #tpu.memory_space<vmem_shared>>) offsets(%dma_start3A_47 : memref<128xi32, #tpu.memory_space<vmem>>) semaphore(%arg8 : memref<!tpu.dma_semaphore, #tpu.memory_space<semaphore_mem>>) {add = true}
      }
      %scan3A_35 = arith.constant 80 : i32
      %scan3A_36 = arith.constant 0 : i32
      %scan3A_37 = arith.constant 80 : i32
      %scan3A_38 = arith.addi %scan3A_36, %scan3A_37 : i32
      %scan3A_39 = arith.constant 1 : i32
      scf.for %scan3A_41 = %scan3A_36 to %scan3A_38 step %scan3A_39  : i32 {
        %mul3A_42 = arith.constant 1 : i32
        %mul3A_43 = arith.muli %scan3A_41, %mul3A_42 : i32
        %add3A_44 = arith.constant 0 : i32
        %add3A_45 = arith.addi %add3A_44, %mul3A_43 : i32
        %dma_wait3A = arith.constant 0 : i32
        %dma_wait3A_46 = tpu.memref_slice %arg4[%add3A_45, %dma_wait3A] : memref<80x128xi32, #tpu.memory_space<vmem>> -> memref<1x128xi32, #tpu.memory_space<vmem>>
        %dma_wait3A_47 = tpu.memref_squeeze %dma_wait3A_46 : memref<1x128xi32, #tpu.memory_space<vmem>> -> memref<128xi32, #tpu.memory_space<vmem>>
        %dma_wait3A_48 = arith.constant 0 : i32
        %dma_wait3A_49 = tpu.memref_slice %arg7[%dma_wait3A_48] : memref<100096xf32, #tpu.memory_space<vmem_shared>> -> memref<100096xf32, #tpu.memory_space<vmem_shared>>
        tpu.wait_indirect_dma semaphore(%arg8 : memref<!tpu.dma_semaphore, #tpu.memory_space<semaphore_mem>>) src(%arg5 : memref<128xf32, #tpu.memory_space<vmem>>) dst(%dma_wait3A_49 : memref<100096xf32, #tpu.memory_space<vmem_shared>>)
      }
      %scan3A_40 = arith.constant 80 : i32
    }
    %scan3A_18 = arith.constant 5 : i32
    %barrier3A_19 = arith.constant 0 : index
    tpu.barrier barrier_id(%barrier3A_19)
    "tpu.region"() ({
      %run_scoped3A = tpu.sem_alloc : memref<!tpu.dma_semaphore, #tpu.memory_space<semaphore_mem>>
      %dma_start3A = tpu.memref_slice %arg7[%mul3A_2] : memref<100096xf32, #tpu.memory_space<vmem_shared>> -> memref<6256xf32, #tpu.memory_space<vmem_shared>>
      %dma_start3A_23 = tpu.memref_slice %arg7[%mul3A_2] : memref<100096xf32, #tpu.memory_space<vmem_shared>> -> memref<6256xf32, #tpu.memory_space<vmem_shared>>
      tpu.enqueue_dma source(%dma_start3A_23 : memref<6256xf32, #tpu.memory_space<vmem_shared>>) target(%arg6 : memref<6256xf32, #tpu.memory_space<vmem>>) target_semaphore(%run_scoped3A : memref<!tpu.dma_semaphore, #tpu.memory_space<semaphore_mem>>)
      %dma_wait3A = tpu.memref_slice %arg7[%mul3A_2] : memref<100096xf32, #tpu.memory_space<vmem_shared>> -> memref<6256xf32, #tpu.memory_space<vmem_shared>>
      %dma_wait3A_24 = tpu.memref_slice %arg7[%mul3A_2] : memref<100096xf32, #tpu.memory_space<vmem_shared>> -> memref<6256xf32, #tpu.memory_space<vmem_shared>>
      tpu.wait_dma2 semaphore(%run_scoped3A : memref<!tpu.dma_semaphore, #tpu.memory_space<semaphore_mem>>) src(%dma_wait3A_24 : memref<6256xf32, #tpu.memory_space<vmem_shared>>) dst(%arg6 : memref<6256xf32, #tpu.memory_space<vmem>>)
      tpu.yield
    }) : () -> ()
    %mul3A_20 = arith.constant 100096 : i32
    %mul3A_21 = arith.muli %arg0, %mul3A_20 : i32
    %add3A_22 = arith.addi %mul3A_21, %mul3A_2 : i32
    "tpu.region"() ({
      %run_scoped3A = tpu.sem_alloc : memref<!tpu.dma_semaphore, #tpu.memory_space<semaphore_mem>>
      %dma_start3A = tpu.memref_slice %arg3[%add3A_22] : memref<200192xf32, #tpu.memory_space<hbm>> -> memref<6256xf32, #tpu.memory_space<hbm>>
      %dma_start3A_23 = tpu.memref_slice %arg3[%add3A_22] : memref<200192xf32, #tpu.memory_space<hbm>> -> memref<6256xf32, #tpu.memory_space<hbm>>
      tpu.enqueue_dma source(%arg6 : memref<6256xf32, #tpu.memory_space<vmem>>) target(%dma_start3A_23 : memref<6256xf32, #tpu.memory_space<hbm>>) target_semaphore(%run_scoped3A : memref<!tpu.dma_semaphore, #tpu.memory_space<semaphore_mem>>)
      %dma_wait3A = tpu.memref_slice %arg3[%add3A_22] : memref<200192xf32, #tpu.memory_space<hbm>> -> memref<6256xf32, #tpu.memory_space<hbm>>
      %dma_wait3A_24 = tpu.memref_slice %arg3[%add3A_22] : memref<200192xf32, #tpu.memory_space<hbm>> -> memref<6256xf32, #tpu.memory_space<hbm>>
      tpu.wait_dma2 semaphore(%run_scoped3A : memref<!tpu.dma_semaphore, #tpu.memory_space<semaphore_mem>>) src(%arg6 : memref<6256xf32, #tpu.memory_space<vmem>>) dst(%dma_wait3A_24 : memref<6256xf32, #tpu.memory_space<hbm>>)
      tpu.yield
    }) : () -> ()
    return
  }
}

#map = affine_map<(d0, d1) -> (0, 0)>
#map1 = affine_map<(d0, d1) -> (0)>
module attributes {stable_mosaic.version = 14 : i64} {
  func.func @segsum(%arg0: i32, %arg1: i32, %arg2: memref<12800x128xi32, #tpu.memory_space<hbm>>, %arg3: memref<12800x128xi32, #tpu.memory_space<hbm>>, %arg4: memref<100096xf32, #tpu.memory_space<hbm>>, %arg5: memref<100096xf32, #tpu.memory_space<hbm>>, %arg6: memref<200192xf32, #tpu.memory_space<hbm>>, %arg7: memref<200192xf32, #tpu.memory_space<hbm>>, %arg8: memref<40x128xi32, #tpu.memory_space<vmem>>, %arg9: memref<40x128xi32, #tpu.memory_space<vmem>>, %arg10: memref<40x128xi32, #tpu.memory_space<vmem>>, %arg11: memref<40x128xi32, #tpu.memory_space<vmem>>, %arg12: memref<40x128xf32, #tpu.memory_space<vmem>>, %arg13: memref<40x128xf32, #tpu.memory_space<vmem>>, %arg14: memref<40x128xf32, #tpu.memory_space<vmem>>, %arg15: memref<40x128xf32, #tpu.memory_space<vmem>>, %arg16: memref<6256xf32, #tpu.memory_space<vmem>>, %arg17: memref<100096xf32, #tpu.memory_space<vmem_shared>>, %arg18: memref<100096xf32, #tpu.memory_space<vmem_shared>>, %arg19: memref<100096xf32, #tpu.memory_space<vmem_shared>>, %arg20: memref<100096xf32, #tpu.memory_space<vmem_shared>>, %arg21: memref<!tpu.dma_semaphore, #tpu.memory_space<semaphore_mem>>, %arg22: memref<!tpu.dma_semaphore, #tpu.memory_space<semaphore_mem>>, %arg23: memref<!tpu.dma_semaphore, #tpu.memory_space<semaphore_mem>>, %arg24: memref<!tpu.dma_semaphore, #tpu.memory_space<semaphore_mem>>, %arg25: memref<!tpu.dma_semaphore, #tpu.memory_space<semaphore_mem>>) attributes {dimension_semantics = [#tpu.dimension_semantics<core_parallel>, #tpu.dimension_semantics<subcore_parallel>], iteration_bounds = array<i64: 2, 16>, scalar_prefetch = 0 : i64, scratch_operands = 18 : i64, tpu.core_type = #tpu.core_type<sc_vector_subcore>, window_params = [{transform_indices = #map}, {transform_indices = #map}, {transform_indices = #map1}, {transform_indices = #map1}, {transform_indices = #map1}, {transform_indices = #map1}]} {
    %mul3A = arith.constant 2 : i32
    %mul3A_0 = arith.muli %arg1, %mul3A : i32
    %add3A = arith.addi %mul3A_0, %arg0 : i32
    %mul3A_1 = arith.constant 6256 : i32
    %mul3A_2 = arith.muli %arg1, %mul3A_1 : i32
    %mul3A_3 = arith.constant 400 : i32
    %mul3A_4 = arith.muli %add3A, %mul3A_3 : i32
    %scan3A = arith.constant 0 : i32
    %scan3A_5 = arith.constant 391 : i32
    %scan3A_6 = arith.addi %scan3A, %scan3A_5 : i32
    %scan3A_7 = arith.constant 1 : i32
    scf.for %scan3A_35 = %scan3A to %scan3A_6 step %scan3A_7  : i32 {
      %mul3A_36 = arith.constant 16 : i32
      %mul3A_37 = arith.muli %scan3A_35, %mul3A_36 : i32
      %add3A_38 = arith.constant 0 : i32
      %add3A_39 = arith.addi %add3A_38, %mul3A_37 : i32
      %broadcast_in_dim3A = arith.constant 0.000000e+00 : f32
      %broadcast_in_dim3A_40 = vector.broadcast %broadcast_in_dim3A : f32 to vector<16xf32>
      %swap3A = arith.index_cast %add3A_39 : i32 to index
      %swap3A_41 = tpu.vector_load %arg16[%swap3A] {strides = array<i32>} : memref<6256xf32, #tpu.memory_space<vmem>>, vector<16xf32>,
      %swap3A_42 = vector.shape_cast %swap3A_41 : vector<16xf32> to vector<16xf32>
      %swap3A_43 = vector.shape_cast %broadcast_in_dim3A_40 : vector<16xf32> to vector<16xf32>
      tpu.vector_store %arg16[%swap3A], %swap3A_43 {strides = array<i32>} : memref<6256xf32, #tpu.memory_space<vmem>>, vector<16xf32>,
    }
    %scan3A_8 = arith.constant 391 : i32
    "tpu.region"() ({
      %run_scoped3A = tpu.sem_alloc : memref<!tpu.dma_semaphore, #tpu.memory_space<semaphore_mem>>
      %dma_start3A_35 = tpu.memref_slice %arg19[%mul3A_2] : memref<100096xf32, #tpu.memory_space<vmem_shared>> -> memref<6256xf32, #tpu.memory_space<vmem_shared>>
      %dma_start3A_36 = tpu.memref_slice %arg19[%mul3A_2] : memref<100096xf32, #tpu.memory_space<vmem_shared>> -> memref<6256xf32, #tpu.memory_space<vmem_shared>>
      tpu.enqueue_dma source(%arg16 : memref<6256xf32, #tpu.memory_space<vmem>>) target(%dma_start3A_36 : memref<6256xf32, #tpu.memory_space<vmem_shared>>) target_semaphore(%run_scoped3A : memref<!tpu.dma_semaphore, #tpu.memory_space<semaphore_mem>>)
      %dma_wait3A = tpu.memref_slice %arg19[%mul3A_2] : memref<100096xf32, #tpu.memory_space<vmem_shared>> -> memref<6256xf32, #tpu.memory_space<vmem_shared>>
      %dma_wait3A_37 = tpu.memref_slice %arg19[%mul3A_2] : memref<100096xf32, #tpu.memory_space<vmem_shared>> -> memref<6256xf32, #tpu.memory_space<vmem_shared>>
      tpu.wait_dma2 semaphore(%run_scoped3A : memref<!tpu.dma_semaphore, #tpu.memory_space<semaphore_mem>>) src(%arg16 : memref<6256xf32, #tpu.memory_space<vmem>>) dst(%dma_wait3A_37 : memref<6256xf32, #tpu.memory_space<vmem_shared>>)
      tpu.yield
    }) : () -> ()
    "tpu.region"() ({
      %run_scoped3A = tpu.sem_alloc : memref<!tpu.dma_semaphore, #tpu.memory_space<semaphore_mem>>
      %dma_start3A_35 = tpu.memref_slice %arg20[%mul3A_2] : memref<100096xf32, #tpu.memory_space<vmem_shared>> -> memref<6256xf32, #tpu.memory_space<vmem_shared>>
      %dma_start3A_36 = tpu.memref_slice %arg20[%mul3A_2] : memref<100096xf32, #tpu.memory_space<vmem_shared>> -> memref<6256xf32, #tpu.memory_space<vmem_shared>>
      tpu.enqueue_dma source(%arg16 : memref<6256xf32, #tpu.memory_space<vmem>>) target(%dma_start3A_36 : memref<6256xf32, #tpu.memory_space<vmem_shared>>) target_semaphore(%run_scoped3A : memref<!tpu.dma_semaphore, #tpu.memory_space<semaphore_mem>>)
      %dma_wait3A = tpu.memref_slice %arg20[%mul3A_2] : memref<100096xf32, #tpu.memory_space<vmem_shared>> -> memref<6256xf32, #tpu.memory_space<vmem_shared>>
      %dma_wait3A_37 = tpu.memref_slice %arg20[%mul3A_2] : memref<100096xf32, #tpu.memory_space<vmem_shared>> -> memref<6256xf32, #tpu.memory_space<vmem_shared>>
      tpu.wait_dma2 semaphore(%run_scoped3A : memref<!tpu.dma_semaphore, #tpu.memory_space<semaphore_mem>>) src(%arg16 : memref<6256xf32, #tpu.memory_space<vmem>>) dst(%dma_wait3A_37 : memref<6256xf32, #tpu.memory_space<vmem_shared>>)
      tpu.yield
    }) : () -> ()
    "tpu.region"() ({
      %run_scoped3A = tpu.sem_alloc : memref<!tpu.dma_semaphore, #tpu.memory_space<semaphore_mem>>
      %dma_start3A_35 = tpu.memref_slice %arg4[%mul3A_2] : memref<100096xf32, #tpu.memory_space<hbm>> -> memref<6256xf32, #tpu.memory_space<hbm>>
      %dma_start3A_36 = tpu.memref_slice %arg4[%mul3A_2] : memref<100096xf32, #tpu.memory_space<hbm>> -> memref<6256xf32, #tpu.memory_space<hbm>>
      tpu.enqueue_dma source(%dma_start3A_36 : memref<6256xf32, #tpu.memory_space<hbm>>) target(%arg16 : memref<6256xf32, #tpu.memory_space<vmem>>) target_semaphore(%run_scoped3A : memref<!tpu.dma_semaphore, #tpu.memory_space<semaphore_mem>>)
      %dma_wait3A = tpu.memref_slice %arg4[%mul3A_2] : memref<100096xf32, #tpu.memory_space<hbm>> -> memref<6256xf32, #tpu.memory_space<hbm>>
      %dma_wait3A_37 = tpu.memref_slice %arg4[%mul3A_2] : memref<100096xf32, #tpu.memory_space<hbm>> -> memref<6256xf32, #tpu.memory_space<hbm>>
      tpu.wait_dma2 semaphore(%run_scoped3A : memref<!tpu.dma_semaphore, #tpu.memory_space<semaphore_mem>>) src(%dma_wait3A_37 : memref<6256xf32, #tpu.memory_space<hbm>>) dst(%arg16 : memref<6256xf32, #tpu.memory_space<vmem>>)
      tpu.yield
    }) : () -> ()
    "tpu.region"() ({
      %run_scoped3A = tpu.sem_alloc : memref<!tpu.dma_semaphore, #tpu.memory_space<semaphore_mem>>
      %dma_start3A_35 = tpu.memref_slice %arg17[%mul3A_2] : memref<100096xf32, #tpu.memory_space<vmem_shared>> -> memref<6256xf32, #tpu.memory_space<vmem_shared>>
      %dma_start3A_36 = tpu.memref_slice %arg17[%mul3A_2] : memref<100096xf32, #tpu.memory_space<vmem_shared>> -> memref<6256xf32, #tpu.memory_space<vmem_shared>>
      tpu.enqueue_dma source(%arg16 : memref<6256xf32, #tpu.memory_space<vmem>>) target(%dma_start3A_36 : memref<6256xf32, #tpu.memory_space<vmem_shared>>) target_semaphore(%run_scoped3A : memref<!tpu.dma_semaphore, #tpu.memory_space<semaphore_mem>>)
      %dma_wait3A = tpu.memref_slice %arg17[%mul3A_2] : memref<100096xf32, #tpu.memory_space<vmem_shared>> -> memref<6256xf32, #tpu.memory_space<vmem_shared>>
      %dma_wait3A_37 = tpu.memref_slice %arg17[%mul3A_2] : memref<100096xf32, #tpu.memory_space<vmem_shared>> -> memref<6256xf32, #tpu.memory_space<vmem_shared>>
      tpu.wait_dma2 semaphore(%run_scoped3A : memref<!tpu.dma_semaphore, #tpu.memory_space<semaphore_mem>>) src(%arg16 : memref<6256xf32, #tpu.memory_space<vmem>>) dst(%dma_wait3A_37 : memref<6256xf32, #tpu.memory_space<vmem_shared>>)
      tpu.yield
    }) : () -> ()
    "tpu.region"() ({
      %run_scoped3A = tpu.sem_alloc : memref<!tpu.dma_semaphore, #tpu.memory_space<semaphore_mem>>
      %dma_start3A_35 = tpu.memref_slice %arg5[%mul3A_2] : memref<100096xf32, #tpu.memory_space<hbm>> -> memref<6256xf32, #tpu.memory_space<hbm>>
      %dma_start3A_36 = tpu.memref_slice %arg5[%mul3A_2] : memref<100096xf32, #tpu.memory_space<hbm>> -> memref<6256xf32, #tpu.memory_space<hbm>>
      tpu.enqueue_dma source(%dma_start3A_36 : memref<6256xf32, #tpu.memory_space<hbm>>) target(%arg16 : memref<6256xf32, #tpu.memory_space<vmem>>) target_semaphore(%run_scoped3A : memref<!tpu.dma_semaphore, #tpu.memory_space<semaphore_mem>>)
      %dma_wait3A = tpu.memref_slice %arg5[%mul3A_2] : memref<100096xf32, #tpu.memory_space<hbm>> -> memref<6256xf32, #tpu.memory_space<hbm>>
      %dma_wait3A_37 = tpu.memref_slice %arg5[%mul3A_2] : memref<100096xf32, #tpu.memory_space<hbm>> -> memref<6256xf32, #tpu.memory_space<hbm>>
      tpu.wait_dma2 semaphore(%run_scoped3A : memref<!tpu.dma_semaphore, #tpu.memory_space<semaphore_mem>>) src(%dma_wait3A_37 : memref<6256xf32, #tpu.memory_space<hbm>>) dst(%arg16 : memref<6256xf32, #tpu.memory_space<vmem>>)
      tpu.yield
    }) : () -> ()
    "tpu.region"() ({
      %run_scoped3A = tpu.sem_alloc : memref<!tpu.dma_semaphore, #tpu.memory_space<semaphore_mem>>
      %dma_start3A_35 = tpu.memref_slice %arg18[%mul3A_2] : memref<100096xf32, #tpu.memory_space<vmem_shared>> -> memref<6256xf32, #tpu.memory_space<vmem_shared>>
      %dma_start3A_36 = tpu.memref_slice %arg18[%mul3A_2] : memref<100096xf32, #tpu.memory_space<vmem_shared>> -> memref<6256xf32, #tpu.memory_space<vmem_shared>>
      tpu.enqueue_dma source(%arg16 : memref<6256xf32, #tpu.memory_space<vmem>>) target(%dma_start3A_36 : memref<6256xf32, #tpu.memory_space<vmem_shared>>) target_semaphore(%run_scoped3A : memref<!tpu.dma_semaphore, #tpu.memory_space<semaphore_mem>>)
      %dma_wait3A = tpu.memref_slice %arg18[%mul3A_2] : memref<100096xf32, #tpu.memory_space<vmem_shared>> -> memref<6256xf32, #tpu.memory_space<vmem_shared>>
      %dma_wait3A_37 = tpu.memref_slice %arg18[%mul3A_2] : memref<100096xf32, #tpu.memory_space<vmem_shared>> -> memref<6256xf32, #tpu.memory_space<vmem_shared>>
      tpu.wait_dma2 semaphore(%run_scoped3A : memref<!tpu.dma_semaphore, #tpu.memory_space<semaphore_mem>>) src(%arg16 : memref<6256xf32, #tpu.memory_space<vmem>>) dst(%dma_wait3A_37 : memref<6256xf32, #tpu.memory_space<vmem_shared>>)
      tpu.yield
    }) : () -> ()
    %barrier3A = arith.constant 0 : index
    tpu.barrier barrier_id(%barrier3A)
    %add3A_9 = arith.constant 0 : i32
    %add3A_10 = arith.addi %mul3A_4, %add3A_9 : i32
    %dma_start3A = arith.constant 0 : i32
    %dma_start3A_11 = tpu.memref_slice %arg2[%add3A_10, %dma_start3A] : memref<12800x128xi32, #tpu.memory_space<hbm>> -> memref<40x128xi32, #tpu.memory_space<hbm>>
    %dma_start3A_12 = arith.constant 0 : i32
    %dma_start3A_13 = tpu.memref_slice %arg2[%add3A_10, %dma_start3A_12] : memref<12800x128xi32, #tpu.memory_space<hbm>> -> memref<40x128xi32, #tpu.memory_space<hbm>>
    tpu.enqueue_dma source(%dma_start3A_13 : memref<40x128xi32, #tpu.memory_space<hbm>>) target(%arg8 : memref<40x128xi32, #tpu.memory_space<vmem>>) target_semaphore(%arg21 : memref<!tpu.dma_semaphore, #tpu.memory_space<semaphore_mem>>)
    %dma_start3A_14 = arith.constant 0 : i32
    %dma_start3A_15 = tpu.memref_slice %arg3[%add3A_10, %dma_start3A_14] : memref<12800x128xi32, #tpu.memory_space<hbm>> -> memref<40x128xi32, #tpu.memory_space<hbm>>
    %dma_start3A_16 = arith.constant 0 : i32
    %dma_start3A_17 = tpu.memref_slice %arg3[%add3A_10, %dma_start3A_16] : memref<12800x128xi32, #tpu.memory_space<hbm>> -> memref<40x128xi32, #tpu.memory_space<hbm>>
    tpu.enqueue_dma source(%dma_start3A_17 : memref<40x128xi32, #tpu.memory_space<hbm>>) target(%arg10 : memref<40x128xi32, #tpu.memory_space<vmem>>) target_semaphore(%arg21 : memref<!tpu.dma_semaphore, #tpu.memory_space<semaphore_mem>>)
    %scan3A_18 = arith.constant 0 : i32
    %scan3A_19 = arith.constant 5 : i32
    %scan3A_20 = arith.addi %scan3A_18, %scan3A_19 : i32
    %scan3A_21 = arith.constant 1 : i32
    scf.for %scan3A_35 = %scan3A_18 to %scan3A_20 step %scan3A_21  : i32 {
      %mul3A_36 = arith.constant 1 : i32
      %mul3A_37 = arith.muli %scan3A_35, %mul3A_36 : i32
      %add3A_38 = arith.constant 0 : i32
      %add3A_39 = arith.addi %add3A_38, %mul3A_37 : i32
      %mul3A_40 = arith.constant 2 : i32
      %mul3A_41 = arith.muli %mul3A_40, %add3A_39 : i32
      %mul3A_42 = arith.constant 40 : i32
      %mul3A_43 = arith.muli %mul3A_41, %mul3A_42 : i32
      %add3A_44 = arith.addi %mul3A_4, %mul3A_43 : i32
      %dma_wait3A = arith.constant 0 : i32
      %dma_wait3A_45 = tpu.memref_slice %arg2[%add3A_44, %dma_wait3A] : memref<12800x128xi32, #tpu.memory_space<hbm>> -> memref<40x128xi32, #tpu.memory_space<hbm>>
      %dma_wait3A_46 = arith.constant 0 : i32
      %dma_wait3A_47 = tpu.memref_slice %arg2[%add3A_44, %dma_wait3A_46] : memref<12800x128xi32, #tpu.memory_space<hbm>> -> memref<40x128xi32, #tpu.memory_space<hbm>>
      tpu.wait_dma2 semaphore(%arg21 : memref<!tpu.dma_semaphore, #tpu.memory_space<semaphore_mem>>) src(%dma_wait3A_47 : memref<40x128xi32, #tpu.memory_space<hbm>>) dst(%arg8 : memref<40x128xi32, #tpu.memory_space<vmem>>)
      %dma_wait3A_48 = arith.constant 0 : i32
      %dma_wait3A_49 = tpu.memref_slice %arg3[%add3A_44, %dma_wait3A_48] : memref<12800x128xi32, #tpu.memory_space<hbm>> -> memref<40x128xi32, #tpu.memory_space<hbm>>
      %dma_wait3A_50 = arith.constant 0 : i32
      %dma_wait3A_51 = tpu.memref_slice %arg3[%add3A_44, %dma_wait3A_50] : memref<12800x128xi32, #tpu.memory_space<hbm>> -> memref<40x128xi32, #tpu.memory_space<hbm>>
      tpu.wait_dma2 semaphore(%arg21 : memref<!tpu.dma_semaphore, #tpu.memory_space<semaphore_mem>>) src(%dma_wait3A_51 : memref<40x128xi32, #tpu.memory_space<hbm>>) dst(%arg10 : memref<40x128xi32, #tpu.memory_space<vmem>>)
      %scan3A_52 = arith.constant 0 : i32
      %scan3A_53 = arith.constant 40 : i32
      %scan3A_54 = arith.addi %scan3A_52, %scan3A_53 : i32
      %scan3A_55 = arith.constant 1 : i32
      scf.for %scan3A_121 = %scan3A_52 to %scan3A_54 step %scan3A_55  : i32 {
        %mul3A_122 = arith.constant 1 : i32
        %mul3A_123 = arith.muli %scan3A_121, %mul3A_122 : i32
        %add3A_124 = arith.constant 0 : i32
        %add3A_125 = arith.addi %add3A_124, %mul3A_123 : i32
        %dma_start3A_126 = arith.constant 0 : i32
        %dma_start3A_127 = tpu.memref_slice %arg12[%add3A_125, %dma_start3A_126] : memref<40x128xf32, #tpu.memory_space<vmem>> -> memref<1x128xf32, #tpu.memory_space<vmem>>
        %dma_start3A_128 = tpu.memref_squeeze %dma_start3A_127 : memref<1x128xf32, #tpu.memory_space<vmem>> -> memref<128xf32, #tpu.memory_space<vmem>>
        %dma_start3A_129 = arith.constant 0 : i32
        %dma_start3A_130 = tpu.memref_slice %arg8[%add3A_125, %dma_start3A_129] : memref<40x128xi32, #tpu.memory_space<vmem>> -> memref<1x128xi32, #tpu.memory_space<vmem>>
        %dma_start3A_131 = tpu.memref_squeeze %dma_start3A_130 : memref<1x128xi32, #tpu.memory_space<vmem>> -> memref<128xi32, #tpu.memory_space<vmem>>
        %dma_start3A_132 = arith.constant 0 : i32
        %dma_start3A_133 = tpu.memref_slice %arg17[%dma_start3A_132] : memref<100096xf32, #tpu.memory_space<vmem_shared>> -> memref<100096xf32, #tpu.memory_space<vmem_shared>>
        tpu.enqueue_indirect_dma source(%dma_start3A_133 : memref<100096xf32, #tpu.memory_space<vmem_shared>>) target(%dma_start3A_128 : memref<128xf32, #tpu.memory_space<vmem>>) offsets(%dma_start3A_131 : memref<128xi32, #tpu.memory_space<vmem>>) semaphore(%arg23 : memref<!tpu.dma_semaphore, #tpu.memory_space<semaphore_mem>>)
        %dma_start3A_134 = arith.constant 0 : i32
        %dma_start3A_135 = tpu.memref_slice %arg13[%add3A_125, %dma_start3A_134] : memref<40x128xf32, #tpu.memory_space<vmem>> -> memref<1x128xf32, #tpu.memory_space<vmem>>
        %dma_start3A_136 = tpu.memref_squeeze %dma_start3A_135 : memref<1x128xf32, #tpu.memory_space<vmem>> -> memref<128xf32, #tpu.memory_space<vmem>>
        %dma_start3A_137 = arith.constant 0 : i32
        %dma_start3A_138 = tpu.memref_slice %arg8[%add3A_125, %dma_start3A_137] : memref<40x128xi32, #tpu.memory_space<vmem>> -> memref<1x128xi32, #tpu.memory_space<vmem>>
        %dma_start3A_139 = tpu.memref_squeeze %dma_start3A_138 : memref<1x128xi32, #tpu.memory_space<vmem>> -> memref<128xi32, #tpu.memory_space<vmem>>
        %dma_start3A_140 = arith.constant 0 : i32
        %dma_start3A_141 = tpu.memref_slice %arg18[%dma_start3A_140] : memref<100096xf32, #tpu.memory_space<vmem_shared>> -> memref<100096xf32, #tpu.memory_space<vmem_shared>>
        tpu.enqueue_indirect_dma source(%dma_start3A_141 : memref<100096xf32, #tpu.memory_space<vmem_shared>>) target(%dma_start3A_136 : memref<128xf32, #tpu.memory_space<vmem>>) offsets(%dma_start3A_139 : memref<128xi32, #tpu.memory_space<vmem>>) semaphore(%arg23 : memref<!tpu.dma_semaphore, #tpu.memory_space<semaphore_mem>>)
      }
      %scan3A_56 = arith.constant 40 : i32
      %gt3A = arith.constant 0 : i32
      %gt3A_57 = arith.cmpi sgt, %add3A_39, %gt3A : i32
      %convert_element_type3A = arith.extui %gt3A_57 : i1 to i32
      %cond3A = arith.constant 0 : i32
      %cond3A_58 = arith.cmpi ne, %convert_element_type3A, %cond3A : i32
      scf.if %cond3A_58 {
        %scan3A_121 = arith.constant 0 : i32
        %scan3A_122 = arith.constant 40 : i32
        %scan3A_123 = arith.addi %scan3A_121, %scan3A_122 : i32
        %scan3A_124 = arith.constant 1 : i32
        scf.for %scan3A_126 = %scan3A_121 to %scan3A_123 step %scan3A_124  : i32 {
          %mul3A_127 = arith.constant 1 : i32
          %mul3A_128 = arith.muli %scan3A_126, %mul3A_127 : i32
          %add3A_129 = arith.constant 0 : i32
          %add3A_130 = arith.addi %add3A_129, %mul3A_128 : i32
          %dma_wait3A_131 = arith.constant 0 : i32
          %dma_wait3A_132 = tpu.memref_slice %arg14[%add3A_130, %dma_wait3A_131] : memref<40x128xf32, #tpu.memory_space<vmem>> -> memref<1x128xf32, #tpu.memory_space<vmem>>
          %dma_wait3A_133 = tpu.memref_squeeze %dma_wait3A_132 : memref<1x128xf32, #tpu.memory_space<vmem>> -> memref<128xf32, #tpu.memory_space<vmem>>
          %dma_wait3A_134 = arith.constant 0 : i32
          %dma_wait3A_135 = tpu.memref_slice %arg11[%add3A_130, %dma_wait3A_134] : memref<40x128xi32, #tpu.memory_space<vmem>> -> memref<1x128xi32, #tpu.memory_space<vmem>>
          %dma_wait3A_136 = tpu.memref_squeeze %dma_wait3A_135 : memref<1x128xi32, #tpu.memory_space<vmem>> -> memref<128xi32, #tpu.memory_space<vmem>>
          %dma_wait3A_137 = arith.constant 0 : i32
          %dma_wait3A_138 = tpu.memref_slice %arg19[%dma_wait3A_137] : memref<100096xf32, #tpu.memory_space<vmem_shared>> -> memref<100096xf32, #tpu.memory_space<vmem_shared>>
          tpu.wait_indirect_dma semaphore(%arg25 : memref<!tpu.dma_semaphore, #tpu.memory_space<semaphore_mem>>) src(%dma_wait3A_133 : memref<128xf32, #tpu.memory_space<vmem>>) dst(%dma_wait3A_138 : memref<100096xf32, #tpu.memory_space<vmem_shared>>)
          %dma_wait3A_139 = arith.constant 0 : i32
          %dma_wait3A_140 = tpu.memref_slice %arg15[%add3A_130, %dma_wait3A_139] : memref<40x128xf32, #tpu.memory_space<vmem>> -> memref<1x128xf32, #tpu.memory_space<vmem>>
          %dma_wait3A_141 = tpu.memref_squeeze %dma_wait3A_140 : memref<1x128xf32, #tpu.memory_space<vmem>> -> memref<128xf32, #tpu.memory_space<vmem>>
          %dma_wait3A_142 = arith.constant 0 : i32
          %dma_wait3A_143 = tpu.memref_slice %arg11[%add3A_130, %dma_wait3A_142] : memref<40x128xi32, #tpu.memory_space<vmem>> -> memref<1x128xi32, #tpu.memory_space<vmem>>
          %dma_wait3A_144 = tpu.memref_squeeze %dma_wait3A_143 : memref<1x128xi32, #tpu.memory_space<vmem>> -> memref<128xi32, #tpu.memory_space<vmem>>
          %dma_wait3A_145 = arith.constant 0 : i32
          %dma_wait3A_146 = tpu.memref_slice %arg20[%dma_wait3A_145] : memref<100096xf32, #tpu.memory_space<vmem_shared>> -> memref<100096xf32, #tpu.memory_space<vmem_shared>>
          tpu.wait_indirect_dma semaphore(%arg25 : memref<!tpu.dma_semaphore, #tpu.memory_space<semaphore_mem>>) src(%dma_wait3A_141 : memref<128xf32, #tpu.memory_space<vmem>>) dst(%dma_wait3A_146 : memref<100096xf32, #tpu.memory_space<vmem_shared>>)
        }
        %scan3A_125 = arith.constant 40 : i32
      } else {
      }
      %add3A_59 = arith.constant 1 : i32
      %add3A_60 = arith.addi %mul3A_41, %add3A_59 : i32
      %mul3A_61 = arith.constant 40 : i32
      %mul3A_62 = arith.muli %add3A_60, %mul3A_61 : i32
      %add3A_63 = arith.addi %mul3A_4, %mul3A_62 : i32
      %dma_start3A_64 = arith.constant 0 : i32
      %dma_start3A_65 = tpu.memref_slice %arg2[%add3A_63, %dma_start3A_64] : memref<12800x128xi32, #tpu.memory_space<hbm>> -> memref<40x128xi32, #tpu.memory_space<hbm>>
      %dma_start3A_66 = arith.constant 0 : i32
      %dma_start3A_67 = tpu.memref_slice %arg2[%add3A_63, %dma_start3A_66] : memref<12800x128xi32, #tpu.memory_space<hbm>> -> memref<40x128xi32, #tpu.memory_space<hbm>>
      tpu.enqueue_dma source(%dma_start3A_67 : memref<40x128xi32, #tpu.memory_space<hbm>>) target(%arg9 : memref<40x128xi32, #tpu.memory_space<vmem>>) target_semaphore(%arg22 : memref<!tpu.dma_semaphore, #tpu.memory_space<semaphore_mem>>)
      %dma_start3A_68 = arith.constant 0 : i32
      %dma_start3A_69 = tpu.memref_slice %arg3[%add3A_63, %dma_start3A_68] : memref<12800x128xi32, #tpu.memory_space<hbm>> -> memref<40x128xi32, #tpu.memory_space<hbm>>
      %dma_start3A_70 = arith.constant 0 : i32
      %dma_start3A_71 = tpu.memref_slice %arg3[%add3A_63, %dma_start3A_70] : memref<12800x128xi32, #tpu.memory_space<hbm>> -> memref<40x128xi32, #tpu.memory_space<hbm>>
      tpu.enqueue_dma source(%dma_start3A_71 : memref<40x128xi32, #tpu.memory_space<hbm>>) target(%arg11 : memref<40x128xi32, #tpu.memory_space<vmem>>) target_semaphore(%arg22 : memref<!tpu.dma_semaphore, #tpu.memory_space<semaphore_mem>>)
      %scan3A_72 = arith.constant 0 : i32
      %scan3A_73 = arith.constant 40 : i32
      %scan3A_74 = arith.addi %scan3A_72, %scan3A_73 : i32
      %scan3A_75 = arith.constant 1 : i32
      scf.for %scan3A_121 = %scan3A_72 to %scan3A_74 step %scan3A_75  : i32 {
        %mul3A_122 = arith.constant 1 : i32
        %mul3A_123 = arith.muli %scan3A_121, %mul3A_122 : i32
        %add3A_124 = arith.constant 0 : i32
        %add3A_125 = arith.addi %add3A_124, %mul3A_123 : i32
        %dma_wait3A_126 = arith.constant 0 : i32
        %dma_wait3A_127 = tpu.memref_slice %arg12[%add3A_125, %dma_wait3A_126] : memref<40x128xf32, #tpu.memory_space<vmem>> -> memref<1x128xf32, #tpu.memory_space<vmem>>
        %dma_wait3A_128 = tpu.memref_squeeze %dma_wait3A_127 : memref<1x128xf32, #tpu.memory_space<vmem>> -> memref<128xf32, #tpu.memory_space<vmem>>
        %dma_wait3A_129 = arith.constant 0 : i32
        %dma_wait3A_130 = tpu.memref_slice %arg8[%add3A_125, %dma_wait3A_129] : memref<40x128xi32, #tpu.memory_space<vmem>> -> memref<1x128xi32, #tpu.memory_space<vmem>>
        %dma_wait3A_131 = tpu.memref_squeeze %dma_wait3A_130 : memref<1x128xi32, #tpu.memory_space<vmem>> -> memref<128xi32, #tpu.memory_space<vmem>>
        %dma_wait3A_132 = arith.constant 0 : i32
        %dma_wait3A_133 = tpu.memref_slice %arg17[%dma_wait3A_132] : memref<100096xf32, #tpu.memory_space<vmem_shared>> -> memref<100096xf32, #tpu.memory_space<vmem_shared>>
        tpu.wait_indirect_dma semaphore(%arg23 : memref<!tpu.dma_semaphore, #tpu.memory_space<semaphore_mem>>) src(%dma_wait3A_133 : memref<100096xf32, #tpu.memory_space<vmem_shared>>) dst(%dma_wait3A_128 : memref<128xf32, #tpu.memory_space<vmem>>)
        %dma_wait3A_134 = arith.constant 0 : i32
        %dma_wait3A_135 = tpu.memref_slice %arg13[%add3A_125, %dma_wait3A_134] : memref<40x128xf32, #tpu.memory_space<vmem>> -> memref<1x128xf32, #tpu.memory_space<vmem>>
        %dma_wait3A_136 = tpu.memref_squeeze %dma_wait3A_135 : memref<1x128xf32, #tpu.memory_space<vmem>> -> memref<128xf32, #tpu.memory_space<vmem>>
        %dma_wait3A_137 = arith.constant 0 : i32
        %dma_wait3A_138 = tpu.memref_slice %arg8[%add3A_125, %dma_wait3A_137] : memref<40x128xi32, #tpu.memory_space<vmem>> -> memref<1x128xi32, #tpu.memory_space<vmem>>
        %dma_wait3A_139 = tpu.memref_squeeze %dma_wait3A_138 : memref<1x128xi32, #tpu.memory_space<vmem>> -> memref<128xi32, #tpu.memory_space<vmem>>
        %dma_wait3A_140 = arith.constant 0 : i32
        %dma_wait3A_141 = tpu.memref_slice %arg18[%dma_wait3A_140] : memref<100096xf32, #tpu.memory_space<vmem_shared>> -> memref<100096xf32, #tpu.memory_space<vmem_shared>>
        tpu.wait_indirect_dma semaphore(%arg23 : memref<!tpu.dma_semaphore, #tpu.memory_space<semaphore_mem>>) src(%dma_wait3A_141 : memref<100096xf32, #tpu.memory_space<vmem_shared>>) dst(%dma_wait3A_136 : memref<128xf32, #tpu.memory_space<vmem>>)
      }
      %scan3A_76 = arith.constant 40 : i32
      %scan3A_77 = arith.constant 0 : i32
      %scan3A_78 = arith.constant 40 : i32
      %scan3A_79 = arith.addi %scan3A_77, %scan3A_78 : i32
      %scan3A_80 = arith.constant 1 : i32
      scf.for %scan3A_121 = %scan3A_77 to %scan3A_79 step %scan3A_80  : i32 {
        %mul3A_122 = arith.constant 1 : i32
        %mul3A_123 = arith.muli %scan3A_121, %mul3A_122 : i32
        %add3A_124 = arith.constant 0 : i32
        %add3A_125 = arith.addi %add3A_124, %mul3A_123 : i32
        %dma_start3A_126 = arith.constant 0 : i32
        %dma_start3A_127 = tpu.memref_slice %arg12[%add3A_125, %dma_start3A_126] : memref<40x128xf32, #tpu.memory_space<vmem>> -> memref<1x128xf32, #tpu.memory_space<vmem>>
        %dma_start3A_128 = tpu.memref_squeeze %dma_start3A_127 : memref<1x128xf32, #tpu.memory_space<vmem>> -> memref<128xf32, #tpu.memory_space<vmem>>
        %dma_start3A_129 = arith.constant 0 : i32
        %dma_start3A_130 = tpu.memref_slice %arg10[%add3A_125, %dma_start3A_129] : memref<40x128xi32, #tpu.memory_space<vmem>> -> memref<1x128xi32, #tpu.memory_space<vmem>>
        %dma_start3A_131 = tpu.memref_squeeze %dma_start3A_130 : memref<1x128xi32, #tpu.memory_space<vmem>> -> memref<128xi32, #tpu.memory_space<vmem>>
        %dma_start3A_132 = arith.constant 0 : i32
        %dma_start3A_133 = tpu.memref_slice %arg19[%dma_start3A_132] : memref<100096xf32, #tpu.memory_space<vmem_shared>> -> memref<100096xf32, #tpu.memory_space<vmem_shared>>
        tpu.enqueue_indirect_dma source(%dma_start3A_128 : memref<128xf32, #tpu.memory_space<vmem>>) target(%dma_start3A_133 : memref<100096xf32, #tpu.memory_space<vmem_shared>>) offsets(%dma_start3A_131 : memref<128xi32, #tpu.memory_space<vmem>>) semaphore(%arg24 : memref<!tpu.dma_semaphore, #tpu.memory_space<semaphore_mem>>) {add = true}
        %dma_start3A_134 = arith.constant 0 : i32
        %dma_start3A_135 = tpu.memref_slice %arg13[%add3A_125, %dma_start3A_134] : memref<40x128xf32, #tpu.memory_space<vmem>> -> memref<1x128xf32, #tpu.memory_space<vmem>>
        %dma_start3A_136 = tpu.memref_squeeze %dma_start3A_135 : memref<1x128xf32, #tpu.memory_space<vmem>> -> memref<128xf32, #tpu.memory_space<vmem>>
        %dma_start3A_137 = arith.constant 0 : i32
        %dma_start3A_138 = tpu.memref_slice %arg10[%add3A_125, %dma_start3A_137] : memref<40x128xi32, #tpu.memory_space<vmem>> -> memref<1x128xi32, #tpu.memory_space<vmem>>
        %dma_start3A_139 = tpu.memref_squeeze %dma_start3A_138 : memref<1x128xi32, #tpu.memory_space<vmem>> -> memref<128xi32, #tpu.memory_space<vmem>>
        %dma_start3A_140 = arith.constant 0 : i32
        %dma_start3A_141 = tpu.memref_slice %arg20[%dma_start3A_140] : memref<100096xf32, #tpu.memory_space<vmem_shared>> -> memref<100096xf32, #tpu.memory_space<vmem_shared>>
        tpu.enqueue_indirect_dma source(%dma_start3A_136 : memref<128xf32, #tpu.memory_space<vmem>>) target(%dma_start3A_141 : memref<100096xf32, #tpu.memory_space<vmem_shared>>) offsets(%dma_start3A_139 : memref<128xi32, #tpu.memory_space<vmem>>) semaphore(%arg24 : memref<!tpu.dma_semaphore, #tpu.memory_space<semaphore_mem>>) {add = true}
      }
      %scan3A_81 = arith.constant 40 : i32
      %add3A_82 = arith.constant 1 : i32
      %add3A_83 = arith.addi %mul3A_41, %add3A_82 : i32
      %mul3A_84 = arith.constant 40 : i32
      %mul3A_85 = arith.muli %add3A_83, %mul3A_84 : i32
      %add3A_86 = arith.addi %mul3A_4, %mul3A_85 : i32
      %dma_wait3A_87 = arith.constant 0 : i32
      %dma_wait3A_88 = tpu.memref_slice %arg2[%add3A_86, %dma_wait3A_87] : memref<12800x128xi32, #tpu.memory_space<hbm>> -> memref<40x128xi32, #tpu.memory_space<hbm>>
      %dma_wait3A_89 = arith.constant 0 : i32
      %dma_wait3A_90 = tpu.memref_slice %arg2[%add3A_86, %dma_wait3A_89] : memref<12800x128xi32, #tpu.memory_space<hbm>> -> memref<40x128xi32, #tpu.memory_space<hbm>>
      tpu.wait_dma2 semaphore(%arg22 : memref<!tpu.dma_semaphore, #tpu.memory_space<semaphore_mem>>) src(%dma_wait3A_90 : memref<40x128xi32, #tpu.memory_space<hbm>>) dst(%arg9 : memref<40x128xi32, #tpu.memory_space<vmem>>)
      %dma_wait3A_91 = arith.constant 0 : i32
      %dma_wait3A_92 = tpu.memref_slice %arg3[%add3A_86, %dma_wait3A_91] : memref<12800x128xi32, #tpu.memory_space<hbm>> -> memref<40x128xi32, #tpu.memory_space<hbm>>
      %dma_wait3A_93 = arith.constant 0 : i32
      %dma_wait3A_94 = tpu.memref_slice %arg3[%add3A_86, %dma_wait3A_93] : memref<12800x128xi32, #tpu.memory_space<hbm>> -> memref<40x128xi32, #tpu.memory_space<hbm>>
      tpu.wait_dma2 semaphore(%arg22 : memref<!tpu.dma_semaphore, #tpu.memory_space<semaphore_mem>>) src(%dma_wait3A_94 : memref<40x128xi32, #tpu.memory_space<hbm>>) dst(%arg11 : memref<40x128xi32, #tpu.memory_space<vmem>>)
      %scan3A_95 = arith.constant 0 : i32
      %scan3A_96 = arith.constant 40 : i32
      %scan3A_97 = arith.addi %scan3A_95, %scan3A_96 : i32
      %scan3A_98 = arith.constant 1 : i32
      scf.for %scan3A_121 = %scan3A_95 to %scan3A_97 step %scan3A_98  : i32 {
        %mul3A_122 = arith.constant 1 : i32
        %mul3A_123 = arith.muli %scan3A_121, %mul3A_122 : i32
        %add3A_124 = arith.constant 0 : i32
        %add3A_125 = arith.addi %add3A_124, %mul3A_123 : i32
        %dma_start3A_126 = arith.constant 0 : i32
        %dma_start3A_127 = tpu.memref_slice %arg14[%add3A_125, %dma_start3A_126] : memref<40x128xf32, #tpu.memory_space<vmem>> -> memref<1x128xf32, #tpu.memory_space<vmem>>
        %dma_start3A_128 = tpu.memref_squeeze %dma_start3A_127 : memref<1x128xf32, #tpu.memory_space<vmem>> -> memref<128xf32, #tpu.memory_space<vmem>>
        %dma_start3A_129 = arith.constant 0 : i32
        %dma_start3A_130 = tpu.memref_slice %arg9[%add3A_125, %dma_start3A_129] : memref<40x128xi32, #tpu.memory_space<vmem>> -> memref<1x128xi32, #tpu.memory_space<vmem>>
        %dma_start3A_131 = tpu.memref_squeeze %dma_start3A_130 : memref<1x128xi32, #tpu.memory_space<vmem>> -> memref<128xi32, #tpu.memory_space<vmem>>
        %dma_start3A_132 = arith.constant 0 : i32
        %dma_start3A_133 = tpu.memref_slice %arg17[%dma_start3A_132] : memref<100096xf32, #tpu.memory_space<vmem_shared>> -> memref<100096xf32, #tpu.memory_space<vmem_shared>>
        tpu.enqueue_indirect_dma source(%dma_start3A_133 : memref<100096xf32, #tpu.memory_space<vmem_shared>>) target(%dma_start3A_128 : memref<128xf32, #tpu.memory_space<vmem>>) offsets(%dma_start3A_131 : memref<128xi32, #tpu.memory_space<vmem>>) semaphore(%arg23 : memref<!tpu.dma_semaphore, #tpu.memory_space<semaphore_mem>>)
        %dma_start3A_134 = arith.constant 0 : i32
        %dma_start3A_135 = tpu.memref_slice %arg15[%add3A_125, %dma_start3A_134] : memref<40x128xf32, #tpu.memory_space<vmem>> -> memref<1x128xf32, #tpu.memory_space<vmem>>
        %dma_start3A_136 = tpu.memref_squeeze %dma_start3A_135 : memref<1x128xf32, #tpu.memory_space<vmem>> -> memref<128xf32, #tpu.memory_space<vmem>>
        %dma_start3A_137 = arith.constant 0 : i32
        %dma_start3A_138 = tpu.memref_slice %arg9[%add3A_125, %dma_start3A_137] : memref<40x128xi32, #tpu.memory_space<vmem>> -> memref<1x128xi32, #tpu.memory_space<vmem>>
        %dma_start3A_139 = tpu.memref_squeeze %dma_start3A_138 : memref<1x128xi32, #tpu.memory_space<vmem>> -> memref<128xi32, #tpu.memory_space<vmem>>
        %dma_start3A_140 = arith.constant 0 : i32
        %dma_start3A_141 = tpu.memref_slice %arg18[%dma_start3A_140] : memref<100096xf32, #tpu.memory_space<vmem_shared>> -> memref<100096xf32, #tpu.memory_space<vmem_shared>>
        tpu.enqueue_indirect_dma source(%dma_start3A_141 : memref<100096xf32, #tpu.memory_space<vmem_shared>>) target(%dma_start3A_136 : memref<128xf32, #tpu.memory_space<vmem>>) offsets(%dma_start3A_139 : memref<128xi32, #tpu.memory_space<vmem>>) semaphore(%arg23 : memref<!tpu.dma_semaphore, #tpu.memory_space<semaphore_mem>>)
      }
      %scan3A_99 = arith.constant 40 : i32
      %scan3A_100 = arith.constant 0 : i32
      %scan3A_101 = arith.constant 40 : i32
      %scan3A_102 = arith.addi %scan3A_100, %scan3A_101 : i32
      %scan3A_103 = arith.constant 1 : i32
      scf.for %scan3A_121 = %scan3A_100 to %scan3A_102 step %scan3A_103  : i32 {
        %mul3A_122 = arith.constant 1 : i32
        %mul3A_123 = arith.muli %scan3A_121, %mul3A_122 : i32
        %add3A_124 = arith.constant 0 : i32
        %add3A_125 = arith.addi %add3A_124, %mul3A_123 : i32
        %dma_wait3A_126 = arith.constant 0 : i32
        %dma_wait3A_127 = tpu.memref_slice %arg12[%add3A_125, %dma_wait3A_126] : memref<40x128xf32, #tpu.memory_space<vmem>> -> memref<1x128xf32, #tpu.memory_space<vmem>>
        %dma_wait3A_128 = tpu.memref_squeeze %dma_wait3A_127 : memref<1x128xf32, #tpu.memory_space<vmem>> -> memref<128xf32, #tpu.memory_space<vmem>>
        %dma_wait3A_129 = arith.constant 0 : i32
        %dma_wait3A_130 = tpu.memref_slice %arg10[%add3A_125, %dma_wait3A_129] : memref<40x128xi32, #tpu.memory_space<vmem>> -> memref<1x128xi32, #tpu.memory_space<vmem>>
        %dma_wait3A_131 = tpu.memref_squeeze %dma_wait3A_130 : memref<1x128xi32, #tpu.memory_space<vmem>> -> memref<128xi32, #tpu.memory_space<vmem>>
        %dma_wait3A_132 = arith.constant 0 : i32
        %dma_wait3A_133 = tpu.memref_slice %arg19[%dma_wait3A_132] : memref<100096xf32, #tpu.memory_space<vmem_shared>> -> memref<100096xf32, #tpu.memory_space<vmem_shared>>
        tpu.wait_indirect_dma semaphore(%arg24 : memref<!tpu.dma_semaphore, #tpu.memory_space<semaphore_mem>>) src(%dma_wait3A_128 : memref<128xf32, #tpu.memory_space<vmem>>) dst(%dma_wait3A_133 : memref<100096xf32, #tpu.memory_space<vmem_shared>>)
        %dma_wait3A_134 = arith.constant 0 : i32
        %dma_wait3A_135 = tpu.memref_slice %arg13[%add3A_125, %dma_wait3A_134] : memref<40x128xf32, #tpu.memory_space<vmem>> -> memref<1x128xf32, #tpu.memory_space<vmem>>
        %dma_wait3A_136 = tpu.memref_squeeze %dma_wait3A_135 : memref<1x128xf32, #tpu.memory_space<vmem>> -> memref<128xf32, #tpu.memory_space<vmem>>
        %dma_wait3A_137 = arith.constant 0 : i32
        %dma_wait3A_138 = tpu.memref_slice %arg10[%add3A_125, %dma_wait3A_137] : memref<40x128xi32, #tpu.memory_space<vmem>> -> memref<1x128xi32, #tpu.memory_space<vmem>>
        %dma_wait3A_139 = tpu.memref_squeeze %dma_wait3A_138 : memref<1x128xi32, #tpu.memory_space<vmem>> -> memref<128xi32, #tpu.memory_space<vmem>>
        %dma_wait3A_140 = arith.constant 0 : i32
        %dma_wait3A_141 = tpu.memref_slice %arg20[%dma_wait3A_140] : memref<100096xf32, #tpu.memory_space<vmem_shared>> -> memref<100096xf32, #tpu.memory_space<vmem_shared>>
        tpu.wait_indirect_dma semaphore(%arg24 : memref<!tpu.dma_semaphore, #tpu.memory_space<semaphore_mem>>) src(%dma_wait3A_136 : memref<128xf32, #tpu.memory_space<vmem>>) dst(%dma_wait3A_141 : memref<100096xf32, #tpu.memory_space<vmem_shared>>)
      }
      %scan3A_104 = arith.constant 40 : i32
      %add3A_105 = arith.constant 1 : i32
      %add3A_106 = arith.addi %add3A_39, %add3A_105 : i32
      %lt3A = arith.constant 5 : i32
      %lt3A_107 = arith.cmpi slt, %add3A_106, %lt3A : i32
      %convert_element_type3A_108 = arith.extui %lt3A_107 : i1 to i32
      %cond3A_109 = arith.constant 0 : i32
      %cond3A_110 = arith.cmpi ne, %convert_element_type3A_108, %cond3A_109 : i32
      scf.if %cond3A_110 {
        %add3A_121 = arith.constant 2 : i32
        %add3A_122 = arith.addi %mul3A_41, %add3A_121 : i32
        %mul3A_123 = arith.constant 40 : i32
        %mul3A_124 = arith.muli %add3A_122, %mul3A_123 : i32
        %add3A_125 = arith.addi %mul3A_4, %mul3A_124 : i32
        %dma_start3A_126 = arith.constant 0 : i32
        %dma_start3A_127 = tpu.memref_slice %arg2[%add3A_125, %dma_start3A_126] : memref<12800x128xi32, #tpu.memory_space<hbm>> -> memref<40x128xi32, #tpu.memory_space<hbm>>
        %dma_start3A_128 = arith.constant 0 : i32
        %dma_start3A_129 = tpu.memref_slice %arg2[%add3A_125, %dma_start3A_128] : memref<12800x128xi32, #tpu.memory_space<hbm>> -> memref<40x128xi32, #tpu.memory_space<hbm>>
        tpu.enqueue_dma source(%dma_start3A_129 : memref<40x128xi32, #tpu.memory_space<hbm>>) target(%arg8 : memref<40x128xi32, #tpu.memory_space<vmem>>) target_semaphore(%arg21 : memref<!tpu.dma_semaphore, #tpu.memory_space<semaphore_mem>>)
        %dma_start3A_130 = arith.constant 0 : i32
        %dma_start3A_131 = tpu.memref_slice %arg3[%add3A_125, %dma_start3A_130] : memref<12800x128xi32, #tpu.memory_space<hbm>> -> memref<40x128xi32, #tpu.memory_space<hbm>>
        %dma_start3A_132 = arith.constant 0 : i32
        %dma_start3A_133 = tpu.memref_slice %arg3[%add3A_125, %dma_start3A_132] : memref<12800x128xi32, #tpu.memory_space<hbm>> -> memref<40x128xi32, #tpu.memory_space<hbm>>
        tpu.enqueue_dma source(%dma_start3A_133 : memref<40x128xi32, #tpu.memory_space<hbm>>) target(%arg10 : memref<40x128xi32, #tpu.memory_space<vmem>>) target_semaphore(%arg21 : memref<!tpu.dma_semaphore, #tpu.memory_space<semaphore_mem>>)
      } else {
      }
      %scan3A_111 = arith.constant 0 : i32
      %scan3A_112 = arith.constant 40 : i32
      %scan3A_113 = arith.addi %scan3A_111, %scan3A_112 : i32
      %scan3A_114 = arith.constant 1 : i32
      scf.for %scan3A_121 = %scan3A_111 to %scan3A_113 step %scan3A_114  : i32 {
        %mul3A_122 = arith.constant 1 : i32
        %mul3A_123 = arith.muli %scan3A_121, %mul3A_122 : i32
        %add3A_124 = arith.constant 0 : i32
        %add3A_125 = arith.addi %add3A_124, %mul3A_123 : i32
        %dma_wait3A_126 = arith.constant 0 : i32
        %dma_wait3A_127 = tpu.memref_slice %arg14[%add3A_125, %dma_wait3A_126] : memref<40x128xf32, #tpu.memory_space<vmem>> -> memref<1x128xf32, #tpu.memory_space<vmem>>
        %dma_wait3A_128 = tpu.memref_squeeze %dma_wait3A_127 : memref<1x128xf32, #tpu.memory_space<vmem>> -> memref<128xf32, #tpu.memory_space<vmem>>
        %dma_wait3A_129 = arith.constant 0 : i32
        %dma_wait3A_130 = tpu.memref_slice %arg9[%add3A_125, %dma_wait3A_129] : memref<40x128xi32, #tpu.memory_space<vmem>> -> memref<1x128xi32, #tpu.memory_space<vmem>>
        %dma_wait3A_131 = tpu.memref_squeeze %dma_wait3A_130 : memref<1x128xi32, #tpu.memory_space<vmem>> -> memref<128xi32, #tpu.memory_space<vmem>>
        %dma_wait3A_132 = arith.constant 0 : i32
        %dma_wait3A_133 = tpu.memref_slice %arg17[%dma_wait3A_132] : memref<100096xf32, #tpu.memory_space<vmem_shared>> -> memref<100096xf32, #tpu.memory_space<vmem_shared>>
        tpu.wait_indirect_dma semaphore(%arg23 : memref<!tpu.dma_semaphore, #tpu.memory_space<semaphore_mem>>) src(%dma_wait3A_133 : memref<100096xf32, #tpu.memory_space<vmem_shared>>) dst(%dma_wait3A_128 : memref<128xf32, #tpu.memory_space<vmem>>)
        %dma_wait3A_134 = arith.constant 0 : i32
        %dma_wait3A_135 = tpu.memref_slice %arg15[%add3A_125, %dma_wait3A_134] : memref<40x128xf32, #tpu.memory_space<vmem>> -> memref<1x128xf32, #tpu.memory_space<vmem>>
        %dma_wait3A_136 = tpu.memref_squeeze %dma_wait3A_135 : memref<1x128xf32, #tpu.memory_space<vmem>> -> memref<128xf32, #tpu.memory_space<vmem>>
        %dma_wait3A_137 = arith.constant 0 : i32
        %dma_wait3A_138 = tpu.memref_slice %arg9[%add3A_125, %dma_wait3A_137] : memref<40x128xi32, #tpu.memory_space<vmem>> -> memref<1x128xi32, #tpu.memory_space<vmem>>
        %dma_wait3A_139 = tpu.memref_squeeze %dma_wait3A_138 : memref<1x128xi32, #tpu.memory_space<vmem>> -> memref<128xi32, #tpu.memory_space<vmem>>
        %dma_wait3A_140 = arith.constant 0 : i32
        %dma_wait3A_141 = tpu.memref_slice %arg18[%dma_wait3A_140] : memref<100096xf32, #tpu.memory_space<vmem_shared>> -> memref<100096xf32, #tpu.memory_space<vmem_shared>>
        tpu.wait_indirect_dma semaphore(%arg23 : memref<!tpu.dma_semaphore, #tpu.memory_space<semaphore_mem>>) src(%dma_wait3A_141 : memref<100096xf32, #tpu.memory_space<vmem_shared>>) dst(%dma_wait3A_136 : memref<128xf32, #tpu.memory_space<vmem>>)
      }
      %scan3A_115 = arith.constant 40 : i32
      %scan3A_116 = arith.constant 0 : i32
      %scan3A_117 = arith.constant 40 : i32
      %scan3A_118 = arith.addi %scan3A_116, %scan3A_117 : i32
      %scan3A_119 = arith.constant 1 : i32
      scf.for %scan3A_121 = %scan3A_116 to %scan3A_118 step %scan3A_119  : i32 {
        %mul3A_122 = arith.constant 1 : i32
        %mul3A_123 = arith.muli %scan3A_121, %mul3A_122 : i32
        %add3A_124 = arith.constant 0 : i32
        %add3A_125 = arith.addi %add3A_124, %mul3A_123 : i32
        %dma_start3A_126 = arith.constant 0 : i32
        %dma_start3A_127 = tpu.memref_slice %arg14[%add3A_125, %dma_start3A_126] : memref<40x128xf32, #tpu.memory_space<vmem>> -> memref<1x128xf32, #tpu.memory_space<vmem>>
        %dma_start3A_128 = tpu.memref_squeeze %dma_start3A_127 : memref<1x128xf32, #tpu.memory_space<vmem>> -> memref<128xf32, #tpu.memory_space<vmem>>
        %dma_start3A_129 = arith.constant 0 : i32
        %dma_start3A_130 = tpu.memref_slice %arg11[%add3A_125, %dma_start3A_129] : memref<40x128xi32, #tpu.memory_space<vmem>> -> memref<1x128xi32, #tpu.memory_space<vmem>>
        %dma_start3A_131 = tpu.memref_squeeze %dma_start3A_130 : memref<1x128xi32, #tpu.memory_space<vmem>> -> memref<128xi32, #tpu.memory_space<vmem>>
        %dma_start3A_132 = arith.constant 0 : i32
        %dma_start3A_133 = tpu.memref_slice %arg19[%dma_start3A_132] : memref<100096xf32, #tpu.memory_space<vmem_shared>> -> memref<100096xf32, #tpu.memory_space<vmem_shared>>
        tpu.enqueue_indirect_dma source(%dma_start3A_128 : memref<128xf32, #tpu.memory_space<vmem>>) target(%dma_start3A_133 : memref<100096xf32, #tpu.memory_space<vmem_shared>>) offsets(%dma_start3A_131 : memref<128xi32, #tpu.memory_space<vmem>>) semaphore(%arg25 : memref<!tpu.dma_semaphore, #tpu.memory_space<semaphore_mem>>) {add = true}
        %dma_start3A_134 = arith.constant 0 : i32
        %dma_start3A_135 = tpu.memref_slice %arg15[%add3A_125, %dma_start3A_134] : memref<40x128xf32, #tpu.memory_space<vmem>> -> memref<1x128xf32, #tpu.memory_space<vmem>>
        %dma_start3A_136 = tpu.memref_squeeze %dma_start3A_135 : memref<1x128xf32, #tpu.memory_space<vmem>> -> memref<128xf32, #tpu.memory_space<vmem>>
        %dma_start3A_137 = arith.constant 0 : i32
        %dma_start3A_138 = tpu.memref_slice %arg11[%add3A_125, %dma_start3A_137] : memref<40x128xi32, #tpu.memory_space<vmem>> -> memref<1x128xi32, #tpu.memory_space<vmem>>
        %dma_start3A_139 = tpu.memref_squeeze %dma_start3A_138 : memref<1x128xi32, #tpu.memory_space<vmem>> -> memref<128xi32, #tpu.memory_space<vmem>>
        %dma_start3A_140 = arith.constant 0 : i32
        %dma_start3A_141 = tpu.memref_slice %arg20[%dma_start3A_140] : memref<100096xf32, #tpu.memory_space<vmem_shared>> -> memref<100096xf32, #tpu.memory_space<vmem_shared>>
        tpu.enqueue_indirect_dma source(%dma_start3A_136 : memref<128xf32, #tpu.memory_space<vmem>>) target(%dma_start3A_141 : memref<100096xf32, #tpu.memory_space<vmem_shared>>) offsets(%dma_start3A_139 : memref<128xi32, #tpu.memory_space<vmem>>) semaphore(%arg25 : memref<!tpu.dma_semaphore, #tpu.memory_space<semaphore_mem>>) {add = true}
      }
      %scan3A_120 = arith.constant 40 : i32
    }
    %scan3A_22 = arith.constant 5 : i32
    %scan3A_23 = arith.constant 0 : i32
    %scan3A_24 = arith.constant 40 : i32
    %scan3A_25 = arith.addi %scan3A_23, %scan3A_24 : i32
    %scan3A_26 = arith.constant 1 : i32
    scf.for %scan3A_35 = %scan3A_23 to %scan3A_25 step %scan3A_26  : i32 {
      %mul3A_36 = arith.constant 1 : i32
      %mul3A_37 = arith.muli %scan3A_35, %mul3A_36 : i32
      %add3A_38 = arith.constant 0 : i32
      %add3A_39 = arith.addi %add3A_38, %mul3A_37 : i32
      %dma_wait3A = arith.constant 0 : i32
      %dma_wait3A_40 = tpu.memref_slice %arg14[%add3A_39, %dma_wait3A] : memref<40x128xf32, #tpu.memory_space<vmem>> -> memref<1x128xf32, #tpu.memory_space<vmem>>
      %dma_wait3A_41 = tpu.memref_squeeze %dma_wait3A_40 : memref<1x128xf32, #tpu.memory_space<vmem>> -> memref<128xf32, #tpu.memory_space<vmem>>
      %dma_wait3A_42 = arith.constant 0 : i32
      %dma_wait3A_43 = tpu.memref_slice %arg11[%add3A_39, %dma_wait3A_42] : memref<40x128xi32, #tpu.memory_space<vmem>> -> memref<1x128xi32, #tpu.memory_space<vmem>>
      %dma_wait3A_44 = tpu.memref_squeeze %dma_wait3A_43 : memref<1x128xi32, #tpu.memory_space<vmem>> -> memref<128xi32, #tpu.memory_space<vmem>>
      %dma_wait3A_45 = arith.constant 0 : i32
      %dma_wait3A_46 = tpu.memref_slice %arg19[%dma_wait3A_45] : memref<100096xf32, #tpu.memory_space<vmem_shared>> -> memref<100096xf32, #tpu.memory_space<vmem_shared>>
      tpu.wait_indirect_dma semaphore(%arg25 : memref<!tpu.dma_semaphore, #tpu.memory_space<semaphore_mem>>) src(%dma_wait3A_41 : memref<128xf32, #tpu.memory_space<vmem>>) dst(%dma_wait3A_46 : memref<100096xf32, #tpu.memory_space<vmem_shared>>)
      %dma_wait3A_47 = arith.constant 0 : i32
      %dma_wait3A_48 = tpu.memref_slice %arg15[%add3A_39, %dma_wait3A_47] : memref<40x128xf32, #tpu.memory_space<vmem>> -> memref<1x128xf32, #tpu.memory_space<vmem>>
      %dma_wait3A_49 = tpu.memref_squeeze %dma_wait3A_48 : memref<1x128xf32, #tpu.memory_space<vmem>> -> memref<128xf32, #tpu.memory_space<vmem>>
      %dma_wait3A_50 = arith.constant 0 : i32
      %dma_wait3A_51 = tpu.memref_slice %arg11[%add3A_39, %dma_wait3A_50] : memref<40x128xi32, #tpu.memory_space<vmem>> -> memref<1x128xi32, #tpu.memory_space<vmem>>
      %dma_wait3A_52 = tpu.memref_squeeze %dma_wait3A_51 : memref<1x128xi32, #tpu.memory_space<vmem>> -> memref<128xi32, #tpu.memory_space<vmem>>
      %dma_wait3A_53 = arith.constant 0 : i32
      %dma_wait3A_54 = tpu.memref_slice %arg20[%dma_wait3A_53] : memref<100096xf32, #tpu.memory_space<vmem_shared>> -> memref<100096xf32, #tpu.memory_space<vmem_shared>>
      tpu.wait_indirect_dma semaphore(%arg25 : memref<!tpu.dma_semaphore, #tpu.memory_space<semaphore_mem>>) src(%dma_wait3A_49 : memref<128xf32, #tpu.memory_space<vmem>>) dst(%dma_wait3A_54 : memref<100096xf32, #tpu.memory_space<vmem_shared>>)
    }
    %scan3A_27 = arith.constant 40 : i32
    %barrier3A_28 = arith.constant 0 : index
    tpu.barrier barrier_id(%barrier3A_28)
    "tpu.region"() ({
      %run_scoped3A = tpu.sem_alloc : memref<!tpu.dma_semaphore, #tpu.memory_space<semaphore_mem>>
      %dma_start3A_35 = tpu.memref_slice %arg19[%mul3A_2] : memref<100096xf32, #tpu.memory_space<vmem_shared>> -> memref<6256xf32, #tpu.memory_space<vmem_shared>>
      %dma_start3A_36 = tpu.memref_slice %arg19[%mul3A_2] : memref<100096xf32, #tpu.memory_space<vmem_shared>> -> memref<6256xf32, #tpu.memory_space<vmem_shared>>
      tpu.enqueue_dma source(%dma_start3A_36 : memref<6256xf32, #tpu.memory_space<vmem_shared>>) target(%arg16 : memref<6256xf32, #tpu.memory_space<vmem>>) target_semaphore(%run_scoped3A : memref<!tpu.dma_semaphore, #tpu.memory_space<semaphore_mem>>)
      %dma_wait3A = tpu.memref_slice %arg19[%mul3A_2] : memref<100096xf32, #tpu.memory_space<vmem_shared>> -> memref<6256xf32, #tpu.memory_space<vmem_shared>>
      %dma_wait3A_37 = tpu.memref_slice %arg19[%mul3A_2] : memref<100096xf32, #tpu.memory_space<vmem_shared>> -> memref<6256xf32, #tpu.memory_space<vmem_shared>>
      tpu.wait_dma2 semaphore(%run_scoped3A : memref<!tpu.dma_semaphore, #tpu.memory_space<semaphore_mem>>) src(%dma_wait3A_37 : memref<6256xf32, #tpu.memory_space<vmem_shared>>) dst(%arg16 : memref<6256xf32, #tpu.memory_space<vmem>>)
      tpu.yield
    }) : () -> ()
    %mul3A_29 = arith.constant 100096 : i32
    %mul3A_30 = arith.muli %arg0, %mul3A_29 : i32
    %add3A_31 = arith.addi %mul3A_30, %mul3A_2 : i32
    "tpu.region"() ({
      %run_scoped3A = tpu.sem_alloc : memref<!tpu.dma_semaphore, #tpu.memory_space<semaphore_mem>>
      %dma_start3A_35 = tpu.memref_slice %arg6[%add3A_31] : memref<200192xf32, #tpu.memory_space<hbm>> -> memref<6256xf32, #tpu.memory_space<hbm>>
      %dma_start3A_36 = tpu.memref_slice %arg6[%add3A_31] : memref<200192xf32, #tpu.memory_space<hbm>> -> memref<6256xf32, #tpu.memory_space<hbm>>
      tpu.enqueue_dma source(%arg16 : memref<6256xf32, #tpu.memory_space<vmem>>) target(%dma_start3A_36 : memref<6256xf32, #tpu.memory_space<hbm>>) target_semaphore(%run_scoped3A : memref<!tpu.dma_semaphore, #tpu.memory_space<semaphore_mem>>)
      %dma_wait3A = tpu.memref_slice %arg6[%add3A_31] : memref<200192xf32, #tpu.memory_space<hbm>> -> memref<6256xf32, #tpu.memory_space<hbm>>
      %dma_wait3A_37 = tpu.memref_slice %arg6[%add3A_31] : memref<200192xf32, #tpu.memory_space<hbm>> -> memref<6256xf32, #tpu.memory_space<hbm>>
      tpu.wait_dma2 semaphore(%run_scoped3A : memref<!tpu.dma_semaphore, #tpu.memory_space<semaphore_mem>>) src(%arg16 : memref<6256xf32, #tpu.memory_space<vmem>>) dst(%dma_wait3A_37 : memref<6256xf32, #tpu.memory_space<hbm>>)
      tpu.yield
    }) : () -> ()
    "tpu.region"() ({
      %run_scoped3A = tpu.sem_alloc : memref<!tpu.dma_semaphore, #tpu.memory_space<semaphore_mem>>
      %dma_start3A_35 = tpu.memref_slice %arg20[%mul3A_2] : memref<100096xf32, #tpu.memory_space<vmem_shared>> -> memref<6256xf32, #tpu.memory_space<vmem_shared>>
      %dma_start3A_36 = tpu.memref_slice %arg20[%mul3A_2] : memref<100096xf32, #tpu.memory_space<vmem_shared>> -> memref<6256xf32, #tpu.memory_space<vmem_shared>>
      tpu.enqueue_dma source(%dma_start3A_36 : memref<6256xf32, #tpu.memory_space<vmem_shared>>) target(%arg16 : memref<6256xf32, #tpu.memory_space<vmem>>) target_semaphore(%run_scoped3A : memref<!tpu.dma_semaphore, #tpu.memory_space<semaphore_mem>>)
      %dma_wait3A = tpu.memref_slice %arg20[%mul3A_2] : memref<100096xf32, #tpu.memory_space<vmem_shared>> -> memref<6256xf32, #tpu.memory_space<vmem_shared>>
      %dma_wait3A_37 = tpu.memref_slice %arg20[%mul3A_2] : memref<100096xf32, #tpu.memory_space<vmem_shared>> -> memref<6256xf32, #tpu.memory_space<vmem_shared>>
      tpu.wait_dma2 semaphore(%run_scoped3A : memref<!tpu.dma_semaphore, #tpu.memory_space<semaphore_mem>>) src(%dma_wait3A_37 : memref<6256xf32, #tpu.memory_space<vmem_shared>>) dst(%arg16 : memref<6256xf32, #tpu.memory_space<vmem>>)
      tpu.yield
    }) : () -> ()
    %mul3A_32 = arith.constant 100096 : i32
    %mul3A_33 = arith.muli %arg0, %mul3A_32 : i32
    %add3A_34 = arith.addi %mul3A_33, %mul3A_2 : i32
    "tpu.region"() ({
      %run_scoped3A = tpu.sem_alloc : memref<!tpu.dma_semaphore, #tpu.memory_space<semaphore_mem>>
      %dma_start3A_35 = tpu.memref_slice %arg7[%add3A_34] : memref<200192xf32, #tpu.memory_space<hbm>> -> memref<6256xf32, #tpu.memory_space<hbm>>
      %dma_start3A_36 = tpu.memref_slice %arg7[%add3A_34] : memref<200192xf32, #tpu.memory_space<hbm>> -> memref<6256xf32, #tpu.memory_space<hbm>>
      tpu.enqueue_dma source(%arg16 : memref<6256xf32, #tpu.memory_space<vmem>>) target(%dma_start3A_36 : memref<6256xf32, #tpu.memory_space<hbm>>) target_semaphore(%run_scoped3A : memref<!tpu.dma_semaphore, #tpu.memory_space<semaphore_mem>>)
      %dma_wait3A = tpu.memref_slice %arg7[%add3A_34] : memref<200192xf32, #tpu.memory_space<hbm>> -> memref<6256xf32, #tpu.memory_space<hbm>>
      %dma_wait3A_37 = tpu.memref_slice %arg7[%add3A_34] : memref<200192xf32, #tpu.memory_space<hbm>> -> memref<6256xf32, #tpu.memory_space<hbm>>
      tpu.wait_dma2 semaphore(%run_scoped3A : memref<!tpu.dma_semaphore, #tpu.memory_space<semaphore_mem>>) src(%arg16 : memref<6256xf32, #tpu.memory_space<vmem>>) dst(%dma_wait3A_37 : memref<6256xf32, #tpu.memory_space<hbm>>)
      tpu.yield
    }) : () -> ()
    return
  }
}

#map = affine_map<(d0, d1) -> (0, 0)>
#map1 = affine_map<(d0, d1) -> (0)>
module attributes {stable_mosaic.version = 14 : i64} {
  func.func @segsum(%arg0: i32, %arg1: i32, %arg2: memref<12800x128xi32, #tpu.memory_space<hbm>>, %arg3: memref<12800x128xi32, #tpu.memory_space<hbm>>, %arg4: memref<100096xf32, #tpu.memory_space<hbm>>, %arg5: memref<200192xf32, #tpu.memory_space<hbm>>, %arg6: memref<40x128xi32, #tpu.memory_space<vmem>>, %arg7: memref<40x128xi32, #tpu.memory_space<vmem>>, %arg8: memref<40x128xi32, #tpu.memory_space<vmem>>, %arg9: memref<40x128xi32, #tpu.memory_space<vmem>>, %arg10: memref<40x128xf32, #tpu.memory_space<vmem>>, %arg11: memref<40x128xf32, #tpu.memory_space<vmem>>, %arg12: memref<6256xf32, #tpu.memory_space<vmem>>, %arg13: memref<100096xf32, #tpu.memory_space<vmem_shared>>, %arg14: memref<100096xf32, #tpu.memory_space<vmem_shared>>, %arg15: memref<!tpu.dma_semaphore, #tpu.memory_space<semaphore_mem>>, %arg16: memref<!tpu.dma_semaphore, #tpu.memory_space<semaphore_mem>>, %arg17: memref<!tpu.dma_semaphore, #tpu.memory_space<semaphore_mem>>, %arg18: memref<!tpu.dma_semaphore, #tpu.memory_space<semaphore_mem>>, %arg19: memref<!tpu.dma_semaphore, #tpu.memory_space<semaphore_mem>>) attributes {dimension_semantics = [#tpu.dimension_semantics<core_parallel>, #tpu.dimension_semantics<subcore_parallel>], iteration_bounds = array<i64: 2, 16>, scalar_prefetch = 0 : i64, scratch_operands = 14 : i64, tpu.core_type = #tpu.core_type<sc_vector_subcore>, window_params = [{transform_indices = #map}, {transform_indices = #map}, {transform_indices = #map1}, {transform_indices = #map1}]} {
    %mul3A = arith.constant 2 : i32
    %mul3A_0 = arith.muli %arg1, %mul3A : i32
    %add3A = arith.addi %mul3A_0, %arg0 : i32
    %mul3A_1 = arith.constant 6256 : i32
    %mul3A_2 = arith.muli %arg1, %mul3A_1 : i32
    %mul3A_3 = arith.constant 400 : i32
    %mul3A_4 = arith.muli %add3A, %mul3A_3 : i32
    %scan3A = arith.constant 0 : i32
    %scan3A_5 = arith.constant 391 : i32
    %scan3A_6 = arith.addi %scan3A, %scan3A_5 : i32
    %scan3A_7 = arith.constant 1 : i32
    scf.for %scan3A_32 = %scan3A to %scan3A_6 step %scan3A_7  : i32 {
      %mul3A_33 = arith.constant 16 : i32
      %mul3A_34 = arith.muli %scan3A_32, %mul3A_33 : i32
      %add3A_35 = arith.constant 0 : i32
      %add3A_36 = arith.addi %add3A_35, %mul3A_34 : i32
      %broadcast_in_dim3A = arith.constant 0.000000e+00 : f32
      %broadcast_in_dim3A_37 = vector.broadcast %broadcast_in_dim3A : f32 to vector<16xf32>
      %swap3A = arith.index_cast %add3A_36 : i32 to index
      %swap3A_38 = tpu.vector_load %arg12[%swap3A] {strides = array<i32>} : memref<6256xf32, #tpu.memory_space<vmem>>, vector<16xf32>,
      %swap3A_39 = vector.shape_cast %swap3A_38 : vector<16xf32> to vector<16xf32>
      %swap3A_40 = vector.shape_cast %broadcast_in_dim3A_37 : vector<16xf32> to vector<16xf32>
      tpu.vector_store %arg12[%swap3A], %swap3A_40 {strides = array<i32>} : memref<6256xf32, #tpu.memory_space<vmem>>, vector<16xf32>,
    }
    %scan3A_8 = arith.constant 391 : i32
    "tpu.region"() ({
      %run_scoped3A = tpu.sem_alloc : memref<!tpu.dma_semaphore, #tpu.memory_space<semaphore_mem>>
      %dma_start3A_32 = tpu.memref_slice %arg14[%mul3A_2] : memref<100096xf32, #tpu.memory_space<vmem_shared>> -> memref<6256xf32, #tpu.memory_space<vmem_shared>>
      %dma_start3A_33 = tpu.memref_slice %arg14[%mul3A_2] : memref<100096xf32, #tpu.memory_space<vmem_shared>> -> memref<6256xf32, #tpu.memory_space<vmem_shared>>
      tpu.enqueue_dma source(%arg12 : memref<6256xf32, #tpu.memory_space<vmem>>) target(%dma_start3A_33 : memref<6256xf32, #tpu.memory_space<vmem_shared>>) target_semaphore(%run_scoped3A : memref<!tpu.dma_semaphore, #tpu.memory_space<semaphore_mem>>)
      %dma_wait3A = tpu.memref_slice %arg14[%mul3A_2] : memref<100096xf32, #tpu.memory_space<vmem_shared>> -> memref<6256xf32, #tpu.memory_space<vmem_shared>>
      %dma_wait3A_34 = tpu.memref_slice %arg14[%mul3A_2] : memref<100096xf32, #tpu.memory_space<vmem_shared>> -> memref<6256xf32, #tpu.memory_space<vmem_shared>>
      tpu.wait_dma2 semaphore(%run_scoped3A : memref<!tpu.dma_semaphore, #tpu.memory_space<semaphore_mem>>) src(%arg12 : memref<6256xf32, #tpu.memory_space<vmem>>) dst(%dma_wait3A_34 : memref<6256xf32, #tpu.memory_space<vmem_shared>>)
      tpu.yield
    }) : () -> ()
    "tpu.region"() ({
      %run_scoped3A = tpu.sem_alloc : memref<!tpu.dma_semaphore, #tpu.memory_space<semaphore_mem>>
      %dma_start3A_32 = tpu.memref_slice %arg4[%mul3A_2] : memref<100096xf32, #tpu.memory_space<hbm>> -> memref<6256xf32, #tpu.memory_space<hbm>>
      %dma_start3A_33 = tpu.memref_slice %arg4[%mul3A_2] : memref<100096xf32, #tpu.memory_space<hbm>> -> memref<6256xf32, #tpu.memory_space<hbm>>
      tpu.enqueue_dma source(%dma_start3A_33 : memref<6256xf32, #tpu.memory_space<hbm>>) target(%arg12 : memref<6256xf32, #tpu.memory_space<vmem>>) target_semaphore(%run_scoped3A : memref<!tpu.dma_semaphore, #tpu.memory_space<semaphore_mem>>)
      %dma_wait3A = tpu.memref_slice %arg4[%mul3A_2] : memref<100096xf32, #tpu.memory_space<hbm>> -> memref<6256xf32, #tpu.memory_space<hbm>>
      %dma_wait3A_34 = tpu.memref_slice %arg4[%mul3A_2] : memref<100096xf32, #tpu.memory_space<hbm>> -> memref<6256xf32, #tpu.memory_space<hbm>>
      tpu.wait_dma2 semaphore(%run_scoped3A : memref<!tpu.dma_semaphore, #tpu.memory_space<semaphore_mem>>) src(%dma_wait3A_34 : memref<6256xf32, #tpu.memory_space<hbm>>) dst(%arg12 : memref<6256xf32, #tpu.memory_space<vmem>>)
      tpu.yield
    }) : () -> ()
    "tpu.region"() ({
      %run_scoped3A = tpu.sem_alloc : memref<!tpu.dma_semaphore, #tpu.memory_space<semaphore_mem>>
      %dma_start3A_32 = tpu.memref_slice %arg13[%mul3A_2] : memref<100096xf32, #tpu.memory_space<vmem_shared>> -> memref<6256xf32, #tpu.memory_space<vmem_shared>>
      %dma_start3A_33 = tpu.memref_slice %arg13[%mul3A_2] : memref<100096xf32, #tpu.memory_space<vmem_shared>> -> memref<6256xf32, #tpu.memory_space<vmem_shared>>
      tpu.enqueue_dma source(%arg12 : memref<6256xf32, #tpu.memory_space<vmem>>) target(%dma_start3A_33 : memref<6256xf32, #tpu.memory_space<vmem_shared>>) target_semaphore(%run_scoped3A : memref<!tpu.dma_semaphore, #tpu.memory_space<semaphore_mem>>)
      %dma_wait3A = tpu.memref_slice %arg13[%mul3A_2] : memref<100096xf32, #tpu.memory_space<vmem_shared>> -> memref<6256xf32, #tpu.memory_space<vmem_shared>>
      %dma_wait3A_34 = tpu.memref_slice %arg13[%mul3A_2] : memref<100096xf32, #tpu.memory_space<vmem_shared>> -> memref<6256xf32, #tpu.memory_space<vmem_shared>>
      tpu.wait_dma2 semaphore(%run_scoped3A : memref<!tpu.dma_semaphore, #tpu.memory_space<semaphore_mem>>) src(%arg12 : memref<6256xf32, #tpu.memory_space<vmem>>) dst(%dma_wait3A_34 : memref<6256xf32, #tpu.memory_space<vmem_shared>>)
      tpu.yield
    }) : () -> ()
    %barrier3A = arith.constant 0 : index
    tpu.barrier barrier_id(%barrier3A)
    %add3A_9 = arith.constant 0 : i32
    %add3A_10 = arith.addi %mul3A_4, %add3A_9 : i32
    %dma_start3A = arith.constant 0 : i32
    %dma_start3A_11 = tpu.memref_slice %arg2[%add3A_10, %dma_start3A] : memref<12800x128xi32, #tpu.memory_space<hbm>> -> memref<40x128xi32, #tpu.memory_space<hbm>>
    %dma_start3A_12 = arith.constant 0 : i32
    %dma_start3A_13 = tpu.memref_slice %arg2[%add3A_10, %dma_start3A_12] : memref<12800x128xi32, #tpu.memory_space<hbm>> -> memref<40x128xi32, #tpu.memory_space<hbm>>
    tpu.enqueue_dma source(%dma_start3A_13 : memref<40x128xi32, #tpu.memory_space<hbm>>) target(%arg6 : memref<40x128xi32, #tpu.memory_space<vmem>>) target_semaphore(%arg15 : memref<!tpu.dma_semaphore, #tpu.memory_space<semaphore_mem>>)
    %dma_start3A_14 = arith.constant 0 : i32
    %dma_start3A_15 = tpu.memref_slice %arg3[%add3A_10, %dma_start3A_14] : memref<12800x128xi32, #tpu.memory_space<hbm>> -> memref<40x128xi32, #tpu.memory_space<hbm>>
    %dma_start3A_16 = arith.constant 0 : i32
    %dma_start3A_17 = tpu.memref_slice %arg3[%add3A_10, %dma_start3A_16] : memref<12800x128xi32, #tpu.memory_space<hbm>> -> memref<40x128xi32, #tpu.memory_space<hbm>>
    tpu.enqueue_dma source(%dma_start3A_17 : memref<40x128xi32, #tpu.memory_space<hbm>>) target(%arg8 : memref<40x128xi32, #tpu.memory_space<vmem>>) target_semaphore(%arg15 : memref<!tpu.dma_semaphore, #tpu.memory_space<semaphore_mem>>)
    %scan3A_18 = arith.constant 0 : i32
    %scan3A_19 = arith.constant 5 : i32
    %scan3A_20 = arith.addi %scan3A_18, %scan3A_19 : i32
    %scan3A_21 = arith.constant 1 : i32
    scf.for %scan3A_32 = %scan3A_18 to %scan3A_20 step %scan3A_21  : i32 {
      %mul3A_33 = arith.constant 1 : i32
      %mul3A_34 = arith.muli %scan3A_32, %mul3A_33 : i32
      %add3A_35 = arith.constant 0 : i32
      %add3A_36 = arith.addi %add3A_35, %mul3A_34 : i32
      %mul3A_37 = arith.constant 2 : i32
      %mul3A_38 = arith.muli %mul3A_37, %add3A_36 : i32
      %mul3A_39 = arith.constant 40 : i32
      %mul3A_40 = arith.muli %mul3A_38, %mul3A_39 : i32
      %add3A_41 = arith.addi %mul3A_4, %mul3A_40 : i32
      %dma_wait3A = arith.constant 0 : i32
      %dma_wait3A_42 = tpu.memref_slice %arg2[%add3A_41, %dma_wait3A] : memref<12800x128xi32, #tpu.memory_space<hbm>> -> memref<40x128xi32, #tpu.memory_space<hbm>>
      %dma_wait3A_43 = arith.constant 0 : i32
      %dma_wait3A_44 = tpu.memref_slice %arg2[%add3A_41, %dma_wait3A_43] : memref<12800x128xi32, #tpu.memory_space<hbm>> -> memref<40x128xi32, #tpu.memory_space<hbm>>
      tpu.wait_dma2 semaphore(%arg15 : memref<!tpu.dma_semaphore, #tpu.memory_space<semaphore_mem>>) src(%dma_wait3A_44 : memref<40x128xi32, #tpu.memory_space<hbm>>) dst(%arg6 : memref<40x128xi32, #tpu.memory_space<vmem>>)
      %dma_wait3A_45 = arith.constant 0 : i32
      %dma_wait3A_46 = tpu.memref_slice %arg3[%add3A_41, %dma_wait3A_45] : memref<12800x128xi32, #tpu.memory_space<hbm>> -> memref<40x128xi32, #tpu.memory_space<hbm>>
      %dma_wait3A_47 = arith.constant 0 : i32
      %dma_wait3A_48 = tpu.memref_slice %arg3[%add3A_41, %dma_wait3A_47] : memref<12800x128xi32, #tpu.memory_space<hbm>> -> memref<40x128xi32, #tpu.memory_space<hbm>>
      tpu.wait_dma2 semaphore(%arg15 : memref<!tpu.dma_semaphore, #tpu.memory_space<semaphore_mem>>) src(%dma_wait3A_48 : memref<40x128xi32, #tpu.memory_space<hbm>>) dst(%arg8 : memref<40x128xi32, #tpu.memory_space<vmem>>)
      %scan3A_49 = arith.constant 0 : i32
      %scan3A_50 = arith.constant 40 : i32
      %scan3A_51 = arith.addi %scan3A_49, %scan3A_50 : i32
      %scan3A_52 = arith.constant 1 : i32
      scf.for %scan3A_118 = %scan3A_49 to %scan3A_51 step %scan3A_52  : i32 {
        %mul3A_119 = arith.constant 1 : i32
        %mul3A_120 = arith.muli %scan3A_118, %mul3A_119 : i32
        %add3A_121 = arith.constant 0 : i32
        %add3A_122 = arith.addi %add3A_121, %mul3A_120 : i32
        %dma_start3A_123 = arith.constant 0 : i32
        %dma_start3A_124 = tpu.memref_slice %arg10[%add3A_122, %dma_start3A_123] : memref<40x128xf32, #tpu.memory_space<vmem>> -> memref<1x128xf32, #tpu.memory_space<vmem>>
        %dma_start3A_125 = tpu.memref_squeeze %dma_start3A_124 : memref<1x128xf32, #tpu.memory_space<vmem>> -> memref<128xf32, #tpu.memory_space<vmem>>
        %dma_start3A_126 = arith.constant 0 : i32
        %dma_start3A_127 = tpu.memref_slice %arg6[%add3A_122, %dma_start3A_126] : memref<40x128xi32, #tpu.memory_space<vmem>> -> memref<1x128xi32, #tpu.memory_space<vmem>>
        %dma_start3A_128 = tpu.memref_squeeze %dma_start3A_127 : memref<1x128xi32, #tpu.memory_space<vmem>> -> memref<128xi32, #tpu.memory_space<vmem>>
        %dma_start3A_129 = arith.constant 0 : i32
        %dma_start3A_130 = tpu.memref_slice %arg13[%dma_start3A_129] : memref<100096xf32, #tpu.memory_space<vmem_shared>> -> memref<100096xf32, #tpu.memory_space<vmem_shared>>
        tpu.enqueue_indirect_dma source(%dma_start3A_130 : memref<100096xf32, #tpu.memory_space<vmem_shared>>) target(%dma_start3A_125 : memref<128xf32, #tpu.memory_space<vmem>>) offsets(%dma_start3A_128 : memref<128xi32, #tpu.memory_space<vmem>>) semaphore(%arg17 : memref<!tpu.dma_semaphore, #tpu.memory_space<semaphore_mem>>)
      }
      %scan3A_53 = arith.constant 40 : i32
      %gt3A = arith.constant 0 : i32
      %gt3A_54 = arith.cmpi sgt, %add3A_36, %gt3A : i32
      %convert_element_type3A = arith.extui %gt3A_54 : i1 to i32
      %cond3A = arith.constant 0 : i32
      %cond3A_55 = arith.cmpi ne, %convert_element_type3A, %cond3A : i32
      scf.if %cond3A_55 {
        %scan3A_118 = arith.constant 0 : i32
        %scan3A_119 = arith.constant 40 : i32
        %scan3A_120 = arith.addi %scan3A_118, %scan3A_119 : i32
        %scan3A_121 = arith.constant 1 : i32
        scf.for %scan3A_123 = %scan3A_118 to %scan3A_120 step %scan3A_121  : i32 {
          %mul3A_124 = arith.constant 1 : i32
          %mul3A_125 = arith.muli %scan3A_123, %mul3A_124 : i32
          %add3A_126 = arith.constant 0 : i32
          %add3A_127 = arith.addi %add3A_126, %mul3A_125 : i32
          %dma_wait3A_128 = arith.constant 0 : i32
          %dma_wait3A_129 = tpu.memref_slice %arg11[%add3A_127, %dma_wait3A_128] : memref<40x128xf32, #tpu.memory_space<vmem>> -> memref<1x128xf32, #tpu.memory_space<vmem>>
          %dma_wait3A_130 = tpu.memref_squeeze %dma_wait3A_129 : memref<1x128xf32, #tpu.memory_space<vmem>> -> memref<128xf32, #tpu.memory_space<vmem>>
          %dma_wait3A_131 = arith.constant 0 : i32
          %dma_wait3A_132 = tpu.memref_slice %arg9[%add3A_127, %dma_wait3A_131] : memref<40x128xi32, #tpu.memory_space<vmem>> -> memref<1x128xi32, #tpu.memory_space<vmem>>
          %dma_wait3A_133 = tpu.memref_squeeze %dma_wait3A_132 : memref<1x128xi32, #tpu.memory_space<vmem>> -> memref<128xi32, #tpu.memory_space<vmem>>
          %dma_wait3A_134 = arith.constant 0 : i32
          %dma_wait3A_135 = tpu.memref_slice %arg14[%dma_wait3A_134] : memref<100096xf32, #tpu.memory_space<vmem_shared>> -> memref<100096xf32, #tpu.memory_space<vmem_shared>>
          tpu.wait_indirect_dma semaphore(%arg19 : memref<!tpu.dma_semaphore, #tpu.memory_space<semaphore_mem>>) src(%dma_wait3A_130 : memref<128xf32, #tpu.memory_space<vmem>>) dst(%dma_wait3A_135 : memref<100096xf32, #tpu.memory_space<vmem_shared>>)
        }
        %scan3A_122 = arith.constant 40 : i32
      } else {
      }
      %add3A_56 = arith.constant 1 : i32
      %add3A_57 = arith.addi %mul3A_38, %add3A_56 : i32
      %mul3A_58 = arith.constant 40 : i32
      %mul3A_59 = arith.muli %add3A_57, %mul3A_58 : i32
      %add3A_60 = arith.addi %mul3A_4, %mul3A_59 : i32
      %dma_start3A_61 = arith.constant 0 : i32
      %dma_start3A_62 = tpu.memref_slice %arg2[%add3A_60, %dma_start3A_61] : memref<12800x128xi32, #tpu.memory_space<hbm>> -> memref<40x128xi32, #tpu.memory_space<hbm>>
      %dma_start3A_63 = arith.constant 0 : i32
      %dma_start3A_64 = tpu.memref_slice %arg2[%add3A_60, %dma_start3A_63] : memref<12800x128xi32, #tpu.memory_space<hbm>> -> memref<40x128xi32, #tpu.memory_space<hbm>>
      tpu.enqueue_dma source(%dma_start3A_64 : memref<40x128xi32, #tpu.memory_space<hbm>>) target(%arg7 : memref<40x128xi32, #tpu.memory_space<vmem>>) target_semaphore(%arg16 : memref<!tpu.dma_semaphore, #tpu.memory_space<semaphore_mem>>)
      %dma_start3A_65 = arith.constant 0 : i32
      %dma_start3A_66 = tpu.memref_slice %arg3[%add3A_60, %dma_start3A_65] : memref<12800x128xi32, #tpu.memory_space<hbm>> -> memref<40x128xi32, #tpu.memory_space<hbm>>
      %dma_start3A_67 = arith.constant 0 : i32
      %dma_start3A_68 = tpu.memref_slice %arg3[%add3A_60, %dma_start3A_67] : memref<12800x128xi32, #tpu.memory_space<hbm>> -> memref<40x128xi32, #tpu.memory_space<hbm>>
      tpu.enqueue_dma source(%dma_start3A_68 : memref<40x128xi32, #tpu.memory_space<hbm>>) target(%arg9 : memref<40x128xi32, #tpu.memory_space<vmem>>) target_semaphore(%arg16 : memref<!tpu.dma_semaphore, #tpu.memory_space<semaphore_mem>>)
      %scan3A_69 = arith.constant 0 : i32
      %scan3A_70 = arith.constant 40 : i32
      %scan3A_71 = arith.addi %scan3A_69, %scan3A_70 : i32
      %scan3A_72 = arith.constant 1 : i32
      scf.for %scan3A_118 = %scan3A_69 to %scan3A_71 step %scan3A_72  : i32 {
        %mul3A_119 = arith.constant 1 : i32
        %mul3A_120 = arith.muli %scan3A_118, %mul3A_119 : i32
        %add3A_121 = arith.constant 0 : i32
        %add3A_122 = arith.addi %add3A_121, %mul3A_120 : i32
        %dma_wait3A_123 = arith.constant 0 : i32
        %dma_wait3A_124 = tpu.memref_slice %arg10[%add3A_122, %dma_wait3A_123] : memref<40x128xf32, #tpu.memory_space<vmem>> -> memref<1x128xf32, #tpu.memory_space<vmem>>
        %dma_wait3A_125 = tpu.memref_squeeze %dma_wait3A_124 : memref<1x128xf32, #tpu.memory_space<vmem>> -> memref<128xf32, #tpu.memory_space<vmem>>
        %dma_wait3A_126 = arith.constant 0 : i32
        %dma_wait3A_127 = tpu.memref_slice %arg6[%add3A_122, %dma_wait3A_126] : memref<40x128xi32, #tpu.memory_space<vmem>> -> memref<1x128xi32, #tpu.memory_space<vmem>>
        %dma_wait3A_128 = tpu.memref_squeeze %dma_wait3A_127 : memref<1x128xi32, #tpu.memory_space<vmem>> -> memref<128xi32, #tpu.memory_space<vmem>>
        %dma_wait3A_129 = arith.constant 0 : i32
        %dma_wait3A_130 = tpu.memref_slice %arg13[%dma_wait3A_129] : memref<100096xf32, #tpu.memory_space<vmem_shared>> -> memref<100096xf32, #tpu.memory_space<vmem_shared>>
        tpu.wait_indirect_dma semaphore(%arg17 : memref<!tpu.dma_semaphore, #tpu.memory_space<semaphore_mem>>) src(%dma_wait3A_130 : memref<100096xf32, #tpu.memory_space<vmem_shared>>) dst(%dma_wait3A_125 : memref<128xf32, #tpu.memory_space<vmem>>)
      }
      %scan3A_73 = arith.constant 40 : i32
      %scan3A_74 = arith.constant 0 : i32
      %scan3A_75 = arith.constant 40 : i32
      %scan3A_76 = arith.addi %scan3A_74, %scan3A_75 : i32
      %scan3A_77 = arith.constant 1 : i32
      scf.for %scan3A_118 = %scan3A_74 to %scan3A_76 step %scan3A_77  : i32 {
        %mul3A_119 = arith.constant 1 : i32
        %mul3A_120 = arith.muli %scan3A_118, %mul3A_119 : i32
        %add3A_121 = arith.constant 0 : i32
        %add3A_122 = arith.addi %add3A_121, %mul3A_120 : i32
        %dma_start3A_123 = arith.constant 0 : i32
        %dma_start3A_124 = tpu.memref_slice %arg10[%add3A_122, %dma_start3A_123] : memref<40x128xf32, #tpu.memory_space<vmem>> -> memref<1x128xf32, #tpu.memory_space<vmem>>
        %dma_start3A_125 = tpu.memref_squeeze %dma_start3A_124 : memref<1x128xf32, #tpu.memory_space<vmem>> -> memref<128xf32, #tpu.memory_space<vmem>>
        %dma_start3A_126 = arith.constant 0 : i32
        %dma_start3A_127 = tpu.memref_slice %arg8[%add3A_122, %dma_start3A_126] : memref<40x128xi32, #tpu.memory_space<vmem>> -> memref<1x128xi32, #tpu.memory_space<vmem>>
        %dma_start3A_128 = tpu.memref_squeeze %dma_start3A_127 : memref<1x128xi32, #tpu.memory_space<vmem>> -> memref<128xi32, #tpu.memory_space<vmem>>
        %dma_start3A_129 = arith.constant 0 : i32
        %dma_start3A_130 = tpu.memref_slice %arg14[%dma_start3A_129] : memref<100096xf32, #tpu.memory_space<vmem_shared>> -> memref<100096xf32, #tpu.memory_space<vmem_shared>>
        tpu.enqueue_indirect_dma source(%dma_start3A_125 : memref<128xf32, #tpu.memory_space<vmem>>) target(%dma_start3A_130 : memref<100096xf32, #tpu.memory_space<vmem_shared>>) offsets(%dma_start3A_128 : memref<128xi32, #tpu.memory_space<vmem>>) semaphore(%arg18 : memref<!tpu.dma_semaphore, #tpu.memory_space<semaphore_mem>>) {add = true}
      }
      %scan3A_78 = arith.constant 40 : i32
      %add3A_79 = arith.constant 1 : i32
      %add3A_80 = arith.addi %mul3A_38, %add3A_79 : i32
      %mul3A_81 = arith.constant 40 : i32
      %mul3A_82 = arith.muli %add3A_80, %mul3A_81 : i32
      %add3A_83 = arith.addi %mul3A_4, %mul3A_82 : i32
      %dma_wait3A_84 = arith.constant 0 : i32
      %dma_wait3A_85 = tpu.memref_slice %arg2[%add3A_83, %dma_wait3A_84] : memref<12800x128xi32, #tpu.memory_space<hbm>> -> memref<40x128xi32, #tpu.memory_space<hbm>>
      %dma_wait3A_86 = arith.constant 0 : i32
      %dma_wait3A_87 = tpu.memref_slice %arg2[%add3A_83, %dma_wait3A_86] : memref<12800x128xi32, #tpu.memory_space<hbm>> -> memref<40x128xi32, #tpu.memory_space<hbm>>
      tpu.wait_dma2 semaphore(%arg16 : memref<!tpu.dma_semaphore, #tpu.memory_space<semaphore_mem>>) src(%dma_wait3A_87 : memref<40x128xi32, #tpu.memory_space<hbm>>) dst(%arg7 : memref<40x128xi32, #tpu.memory_space<vmem>>)
      %dma_wait3A_88 = arith.constant 0 : i32
      %dma_wait3A_89 = tpu.memref_slice %arg3[%add3A_83, %dma_wait3A_88] : memref<12800x128xi32, #tpu.memory_space<hbm>> -> memref<40x128xi32, #tpu.memory_space<hbm>>
      %dma_wait3A_90 = arith.constant 0 : i32
      %dma_wait3A_91 = tpu.memref_slice %arg3[%add3A_83, %dma_wait3A_90] : memref<12800x128xi32, #tpu.memory_space<hbm>> -> memref<40x128xi32, #tpu.memory_space<hbm>>
      tpu.wait_dma2 semaphore(%arg16 : memref<!tpu.dma_semaphore, #tpu.memory_space<semaphore_mem>>) src(%dma_wait3A_91 : memref<40x128xi32, #tpu.memory_space<hbm>>) dst(%arg9 : memref<40x128xi32, #tpu.memory_space<vmem>>)
      %scan3A_92 = arith.constant 0 : i32
      %scan3A_93 = arith.constant 40 : i32
      %scan3A_94 = arith.addi %scan3A_92, %scan3A_93 : i32
      %scan3A_95 = arith.constant 1 : i32
      scf.for %scan3A_118 = %scan3A_92 to %scan3A_94 step %scan3A_95  : i32 {
        %mul3A_119 = arith.constant 1 : i32
        %mul3A_120 = arith.muli %scan3A_118, %mul3A_119 : i32
        %add3A_121 = arith.constant 0 : i32
        %add3A_122 = arith.addi %add3A_121, %mul3A_120 : i32
        %dma_start3A_123 = arith.constant 0 : i32
        %dma_start3A_124 = tpu.memref_slice %arg11[%add3A_122, %dma_start3A_123] : memref<40x128xf32, #tpu.memory_space<vmem>> -> memref<1x128xf32, #tpu.memory_space<vmem>>
        %dma_start3A_125 = tpu.memref_squeeze %dma_start3A_124 : memref<1x128xf32, #tpu.memory_space<vmem>> -> memref<128xf32, #tpu.memory_space<vmem>>
        %dma_start3A_126 = arith.constant 0 : i32
        %dma_start3A_127 = tpu.memref_slice %arg7[%add3A_122, %dma_start3A_126] : memref<40x128xi32, #tpu.memory_space<vmem>> -> memref<1x128xi32, #tpu.memory_space<vmem>>
        %dma_start3A_128 = tpu.memref_squeeze %dma_start3A_127 : memref<1x128xi32, #tpu.memory_space<vmem>> -> memref<128xi32, #tpu.memory_space<vmem>>
        %dma_start3A_129 = arith.constant 0 : i32
        %dma_start3A_130 = tpu.memref_slice %arg13[%dma_start3A_129] : memref<100096xf32, #tpu.memory_space<vmem_shared>> -> memref<100096xf32, #tpu.memory_space<vmem_shared>>
        tpu.enqueue_indirect_dma source(%dma_start3A_130 : memref<100096xf32, #tpu.memory_space<vmem_shared>>) target(%dma_start3A_125 : memref<128xf32, #tpu.memory_space<vmem>>) offsets(%dma_start3A_128 : memref<128xi32, #tpu.memory_space<vmem>>) semaphore(%arg17 : memref<!tpu.dma_semaphore, #tpu.memory_space<semaphore_mem>>)
      }
      %scan3A_96 = arith.constant 40 : i32
      %scan3A_97 = arith.constant 0 : i32
      %scan3A_98 = arith.constant 40 : i32
      %scan3A_99 = arith.addi %scan3A_97, %scan3A_98 : i32
      %scan3A_100 = arith.constant 1 : i32
      scf.for %scan3A_118 = %scan3A_97 to %scan3A_99 step %scan3A_100  : i32 {
        %mul3A_119 = arith.constant 1 : i32
        %mul3A_120 = arith.muli %scan3A_118, %mul3A_119 : i32
        %add3A_121 = arith.constant 0 : i32
        %add3A_122 = arith.addi %add3A_121, %mul3A_120 : i32
        %dma_wait3A_123 = arith.constant 0 : i32
        %dma_wait3A_124 = tpu.memref_slice %arg10[%add3A_122, %dma_wait3A_123] : memref<40x128xf32, #tpu.memory_space<vmem>> -> memref<1x128xf32, #tpu.memory_space<vmem>>
        %dma_wait3A_125 = tpu.memref_squeeze %dma_wait3A_124 : memref<1x128xf32, #tpu.memory_space<vmem>> -> memref<128xf32, #tpu.memory_space<vmem>>
        %dma_wait3A_126 = arith.constant 0 : i32
        %dma_wait3A_127 = tpu.memref_slice %arg8[%add3A_122, %dma_wait3A_126] : memref<40x128xi32, #tpu.memory_space<vmem>> -> memref<1x128xi32, #tpu.memory_space<vmem>>
        %dma_wait3A_128 = tpu.memref_squeeze %dma_wait3A_127 : memref<1x128xi32, #tpu.memory_space<vmem>> -> memref<128xi32, #tpu.memory_space<vmem>>
        %dma_wait3A_129 = arith.constant 0 : i32
        %dma_wait3A_130 = tpu.memref_slice %arg14[%dma_wait3A_129] : memref<100096xf32, #tpu.memory_space<vmem_shared>> -> memref<100096xf32, #tpu.memory_space<vmem_shared>>
        tpu.wait_indirect_dma semaphore(%arg18 : memref<!tpu.dma_semaphore, #tpu.memory_space<semaphore_mem>>) src(%dma_wait3A_125 : memref<128xf32, #tpu.memory_space<vmem>>) dst(%dma_wait3A_130 : memref<100096xf32, #tpu.memory_space<vmem_shared>>)
      }
      %scan3A_101 = arith.constant 40 : i32
      %add3A_102 = arith.constant 1 : i32
      %add3A_103 = arith.addi %add3A_36, %add3A_102 : i32
      %lt3A = arith.constant 5 : i32
      %lt3A_104 = arith.cmpi slt, %add3A_103, %lt3A : i32
      %convert_element_type3A_105 = arith.extui %lt3A_104 : i1 to i32
      %cond3A_106 = arith.constant 0 : i32
      %cond3A_107 = arith.cmpi ne, %convert_element_type3A_105, %cond3A_106 : i32
      scf.if %cond3A_107 {
        %add3A_118 = arith.constant 2 : i32
        %add3A_119 = arith.addi %mul3A_38, %add3A_118 : i32
        %mul3A_120 = arith.constant 40 : i32
        %mul3A_121 = arith.muli %add3A_119, %mul3A_120 : i32
        %add3A_122 = arith.addi %mul3A_4, %mul3A_121 : i32
        %dma_start3A_123 = arith.constant 0 : i32
        %dma_start3A_124 = tpu.memref_slice %arg2[%add3A_122, %dma_start3A_123] : memref<12800x128xi32, #tpu.memory_space<hbm>> -> memref<40x128xi32, #tpu.memory_space<hbm>>
        %dma_start3A_125 = arith.constant 0 : i32
        %dma_start3A_126 = tpu.memref_slice %arg2[%add3A_122, %dma_start3A_125] : memref<12800x128xi32, #tpu.memory_space<hbm>> -> memref<40x128xi32, #tpu.memory_space<hbm>>
        tpu.enqueue_dma source(%dma_start3A_126 : memref<40x128xi32, #tpu.memory_space<hbm>>) target(%arg6 : memref<40x128xi32, #tpu.memory_space<vmem>>) target_semaphore(%arg15 : memref<!tpu.dma_semaphore, #tpu.memory_space<semaphore_mem>>)
        %dma_start3A_127 = arith.constant 0 : i32
        %dma_start3A_128 = tpu.memref_slice %arg3[%add3A_122, %dma_start3A_127] : memref<12800x128xi32, #tpu.memory_space<hbm>> -> memref<40x128xi32, #tpu.memory_space<hbm>>
        %dma_start3A_129 = arith.constant 0 : i32
        %dma_start3A_130 = tpu.memref_slice %arg3[%add3A_122, %dma_start3A_129] : memref<12800x128xi32, #tpu.memory_space<hbm>> -> memref<40x128xi32, #tpu.memory_space<hbm>>
        tpu.enqueue_dma source(%dma_start3A_130 : memref<40x128xi32, #tpu.memory_space<hbm>>) target(%arg8 : memref<40x128xi32, #tpu.memory_space<vmem>>) target_semaphore(%arg15 : memref<!tpu.dma_semaphore, #tpu.memory_space<semaphore_mem>>)
      } else {
      }
      %scan3A_108 = arith.constant 0 : i32
      %scan3A_109 = arith.constant 40 : i32
      %scan3A_110 = arith.addi %scan3A_108, %scan3A_109 : i32
      %scan3A_111 = arith.constant 1 : i32
      scf.for %scan3A_118 = %scan3A_108 to %scan3A_110 step %scan3A_111  : i32 {
        %mul3A_119 = arith.constant 1 : i32
        %mul3A_120 = arith.muli %scan3A_118, %mul3A_119 : i32
        %add3A_121 = arith.constant 0 : i32
        %add3A_122 = arith.addi %add3A_121, %mul3A_120 : i32
        %dma_wait3A_123 = arith.constant 0 : i32
        %dma_wait3A_124 = tpu.memref_slice %arg11[%add3A_122, %dma_wait3A_123] : memref<40x128xf32, #tpu.memory_space<vmem>> -> memref<1x128xf32, #tpu.memory_space<vmem>>
        %dma_wait3A_125 = tpu.memref_squeeze %dma_wait3A_124 : memref<1x128xf32, #tpu.memory_space<vmem>> -> memref<128xf32, #tpu.memory_space<vmem>>
        %dma_wait3A_126 = arith.constant 0 : i32
        %dma_wait3A_127 = tpu.memref_slice %arg7[%add3A_122, %dma_wait3A_126] : memref<40x128xi32, #tpu.memory_space<vmem>> -> memref<1x128xi32, #tpu.memory_space<vmem>>
        %dma_wait3A_128 = tpu.memref_squeeze %dma_wait3A_127 : memref<1x128xi32, #tpu.memory_space<vmem>> -> memref<128xi32, #tpu.memory_space<vmem>>
        %dma_wait3A_129 = arith.constant 0 : i32
        %dma_wait3A_130 = tpu.memref_slice %arg13[%dma_wait3A_129] : memref<100096xf32, #tpu.memory_space<vmem_shared>> -> memref<100096xf32, #tpu.memory_space<vmem_shared>>
        tpu.wait_indirect_dma semaphore(%arg17 : memref<!tpu.dma_semaphore, #tpu.memory_space<semaphore_mem>>) src(%dma_wait3A_130 : memref<100096xf32, #tpu.memory_space<vmem_shared>>) dst(%dma_wait3A_125 : memref<128xf32, #tpu.memory_space<vmem>>)
      }
      %scan3A_112 = arith.constant 40 : i32
      %scan3A_113 = arith.constant 0 : i32
      %scan3A_114 = arith.constant 40 : i32
      %scan3A_115 = arith.addi %scan3A_113, %scan3A_114 : i32
      %scan3A_116 = arith.constant 1 : i32
      scf.for %scan3A_118 = %scan3A_113 to %scan3A_115 step %scan3A_116  : i32 {
        %mul3A_119 = arith.constant 1 : i32
        %mul3A_120 = arith.muli %scan3A_118, %mul3A_119 : i32
        %add3A_121 = arith.constant 0 : i32
        %add3A_122 = arith.addi %add3A_121, %mul3A_120 : i32
        %dma_start3A_123 = arith.constant 0 : i32
        %dma_start3A_124 = tpu.memref_slice %arg11[%add3A_122, %dma_start3A_123] : memref<40x128xf32, #tpu.memory_space<vmem>> -> memref<1x128xf32, #tpu.memory_space<vmem>>
        %dma_start3A_125 = tpu.memref_squeeze %dma_start3A_124 : memref<1x128xf32, #tpu.memory_space<vmem>> -> memref<128xf32, #tpu.memory_space<vmem>>
        %dma_start3A_126 = arith.constant 0 : i32
        %dma_start3A_127 = tpu.memref_slice %arg9[%add3A_122, %dma_start3A_126] : memref<40x128xi32, #tpu.memory_space<vmem>> -> memref<1x128xi32, #tpu.memory_space<vmem>>
        %dma_start3A_128 = tpu.memref_squeeze %dma_start3A_127 : memref<1x128xi32, #tpu.memory_space<vmem>> -> memref<128xi32, #tpu.memory_space<vmem>>
        %dma_start3A_129 = arith.constant 0 : i32
        %dma_start3A_130 = tpu.memref_slice %arg14[%dma_start3A_129] : memref<100096xf32, #tpu.memory_space<vmem_shared>> -> memref<100096xf32, #tpu.memory_space<vmem_shared>>
        tpu.enqueue_indirect_dma source(%dma_start3A_125 : memref<128xf32, #tpu.memory_space<vmem>>) target(%dma_start3A_130 : memref<100096xf32, #tpu.memory_space<vmem_shared>>) offsets(%dma_start3A_128 : memref<128xi32, #tpu.memory_space<vmem>>) semaphore(%arg19 : memref<!tpu.dma_semaphore, #tpu.memory_space<semaphore_mem>>) {add = true}
      }
      %scan3A_117 = arith.constant 40 : i32
    }
    %scan3A_22 = arith.constant 5 : i32
    %scan3A_23 = arith.constant 0 : i32
    %scan3A_24 = arith.constant 40 : i32
    %scan3A_25 = arith.addi %scan3A_23, %scan3A_24 : i32
    %scan3A_26 = arith.constant 1 : i32
    scf.for %scan3A_32 = %scan3A_23 to %scan3A_25 step %scan3A_26  : i32 {
      %mul3A_33 = arith.constant 1 : i32
      %mul3A_34 = arith.muli %scan3A_32, %mul3A_33 : i32
      %add3A_35 = arith.constant 0 : i32
      %add3A_36 = arith.addi %add3A_35, %mul3A_34 : i32
      %dma_wait3A = arith.constant 0 : i32
      %dma_wait3A_37 = tpu.memref_slice %arg11[%add3A_36, %dma_wait3A] : memref<40x128xf32, #tpu.memory_space<vmem>> -> memref<1x128xf32, #tpu.memory_space<vmem>>
      %dma_wait3A_38 = tpu.memref_squeeze %dma_wait3A_37 : memref<1x128xf32, #tpu.memory_space<vmem>> -> memref<128xf32, #tpu.memory_space<vmem>>
      %dma_wait3A_39 = arith.constant 0 : i32
      %dma_wait3A_40 = tpu.memref_slice %arg9[%add3A_36, %dma_wait3A_39] : memref<40x128xi32, #tpu.memory_space<vmem>> -> memref<1x128xi32, #tpu.memory_space<vmem>>
      %dma_wait3A_41 = tpu.memref_squeeze %dma_wait3A_40 : memref<1x128xi32, #tpu.memory_space<vmem>> -> memref<128xi32, #tpu.memory_space<vmem>>
      %dma_wait3A_42 = arith.constant 0 : i32
      %dma_wait3A_43 = tpu.memref_slice %arg14[%dma_wait3A_42] : memref<100096xf32, #tpu.memory_space<vmem_shared>> -> memref<100096xf32, #tpu.memory_space<vmem_shared>>
      tpu.wait_indirect_dma semaphore(%arg19 : memref<!tpu.dma_semaphore, #tpu.memory_space<semaphore_mem>>) src(%dma_wait3A_38 : memref<128xf32, #tpu.memory_space<vmem>>) dst(%dma_wait3A_43 : memref<100096xf32, #tpu.memory_space<vmem_shared>>)
    }
    %scan3A_27 = arith.constant 40 : i32
    %barrier3A_28 = arith.constant 0 : index
    tpu.barrier barrier_id(%barrier3A_28)
    "tpu.region"() ({
      %run_scoped3A = tpu.sem_alloc : memref<!tpu.dma_semaphore, #tpu.memory_space<semaphore_mem>>
      %dma_start3A_32 = tpu.memref_slice %arg14[%mul3A_2] : memref<100096xf32, #tpu.memory_space<vmem_shared>> -> memref<6256xf32, #tpu.memory_space<vmem_shared>>
      %dma_start3A_33 = tpu.memref_slice %arg14[%mul3A_2] : memref<100096xf32, #tpu.memory_space<vmem_shared>> -> memref<6256xf32, #tpu.memory_space<vmem_shared>>
      tpu.enqueue_dma source(%dma_start3A_33 : memref<6256xf32, #tpu.memory_space<vmem_shared>>) target(%arg12 : memref<6256xf32, #tpu.memory_space<vmem>>) target_semaphore(%run_scoped3A : memref<!tpu.dma_semaphore, #tpu.memory_space<semaphore_mem>>)
      %dma_wait3A = tpu.memref_slice %arg14[%mul3A_2] : memref<100096xf32, #tpu.memory_space<vmem_shared>> -> memref<6256xf32, #tpu.memory_space<vmem_shared>>
      %dma_wait3A_34 = tpu.memref_slice %arg14[%mul3A_2] : memref<100096xf32, #tpu.memory_space<vmem_shared>> -> memref<6256xf32, #tpu.memory_space<vmem_shared>>
      tpu.wait_dma2 semaphore(%run_scoped3A : memref<!tpu.dma_semaphore, #tpu.memory_space<semaphore_mem>>) src(%dma_wait3A_34 : memref<6256xf32, #tpu.memory_space<vmem_shared>>) dst(%arg12 : memref<6256xf32, #tpu.memory_space<vmem>>)
      tpu.yield
    }) : () -> ()
    %mul3A_29 = arith.constant 100096 : i32
    %mul3A_30 = arith.muli %arg0, %mul3A_29 : i32
    %add3A_31 = arith.addi %mul3A_30, %mul3A_2 : i32
    "tpu.region"() ({
      %run_scoped3A = tpu.sem_alloc : memref<!tpu.dma_semaphore, #tpu.memory_space<semaphore_mem>>
      %dma_start3A_32 = tpu.memref_slice %arg5[%add3A_31] : memref<200192xf32, #tpu.memory_space<hbm>> -> memref<6256xf32, #tpu.memory_space<hbm>>
      %dma_start3A_33 = tpu.memref_slice %arg5[%add3A_31] : memref<200192xf32, #tpu.memory_space<hbm>> -> memref<6256xf32, #tpu.memory_space<hbm>>
      tpu.enqueue_dma source(%arg12 : memref<6256xf32, #tpu.memory_space<vmem>>) target(%dma_start3A_33 : memref<6256xf32, #tpu.memory_space<hbm>>) target_semaphore(%run_scoped3A : memref<!tpu.dma_semaphore, #tpu.memory_space<semaphore_mem>>)
      %dma_wait3A = tpu.memref_slice %arg5[%add3A_31] : memref<200192xf32, #tpu.memory_space<hbm>> -> memref<6256xf32, #tpu.memory_space<hbm>>
      %dma_wait3A_34 = tpu.memref_slice %arg5[%add3A_31] : memref<200192xf32, #tpu.memory_space<hbm>> -> memref<6256xf32, #tpu.memory_space<hbm>>
      tpu.wait_dma2 semaphore(%run_scoped3A : memref<!tpu.dma_semaphore, #tpu.memory_space<semaphore_mem>>) src(%arg12 : memref<6256xf32, #tpu.memory_space<vmem>>) dst(%dma_wait3A_34 : memref<6256xf32, #tpu.memory_space<hbm>>)
      tpu.yield
    }) : () -> ()
    return
  }
}

module attributes {stable_mosaic.version = 14 : i64} {
  func.func @body(%arg0: memref<2x782x128xf32, #tpu.memory_space<vmem>>, %arg1: memref<782x128xf32, #tpu.memory_space<vmem>>, %arg2: memref<782x128xf32, #tpu.memory_space<vmem>>, %arg3: memref<782x128xf32, #tpu.memory_space<vmem>>) attributes {dimension_semantics = [], scalar_prefetch = 0 : i64, scratch_operands = 0 : i64, tpu.core_type = #tpu.core_type<tc>} {
    %get3A = arith.constant 0 : index
    %get3A_0 = arith.constant 0 : index
    %get3A_1 = arith.constant 0 : index
    %get3A_2 = vector.load %arg0[%get3A, %get3A_0, %get3A_1] : memref<2x782x128xf32, #tpu.memory_space<vmem>>, vector<1x782x128xf32>
    %get3A_3 = vector.shape_cast %get3A_2 : vector<1x782x128xf32> to vector<782x128xf32>
    %get3A_4 = arith.constant 1 : index
    %get3A_5 = arith.constant 0 : index
    %get3A_6 = arith.constant 0 : index
    %get3A_7 = vector.load %arg0[%get3A_4, %get3A_5, %get3A_6] : memref<2x782x128xf32, #tpu.memory_space<vmem>>, vector<1x782x128xf32>
    %get3A_8 = vector.shape_cast %get3A_7 : vector<1x782x128xf32> to vector<782x128xf32>
    %add3A = arith.addf %get3A_3, %get3A_8 : vector<782x128xf32>
    %add3A_9 = arith.constant 1.000000e+00 : f32
    %add3A_10 = vector.broadcast %add3A_9 : f32 to vector<782x128xf32>
    %add3A_11 = arith.addf %add3A, %add3A_10 : vector<782x128xf32>
    %rsqrt3A = math.rsqrt %add3A_11 : vector<782x128xf32>
    %mul3A = arith.constant 5.000000e-01 : f32
    %mul3A_12 = vector.broadcast %mul3A : f32 to vector<782x128xf32>
    %mul3A_13 = arith.mulf %mul3A_12, %add3A_11 : vector<782x128xf32>
    %mul3A_14 = arith.mulf %mul3A_13, %rsqrt3A : vector<782x128xf32>
    %mul3A_15 = arith.mulf %mul3A_14, %rsqrt3A : vector<782x128xf32>
    %sub3A = arith.constant 1.500000e+00 : f32
    %sub3A_16 = vector.broadcast %sub3A : f32 to vector<782x128xf32>
    %sub3A_17 = arith.subf %sub3A_16, %mul3A_15 : vector<782x128xf32>
    %mul3A_18 = arith.mulf %rsqrt3A, %sub3A_17 : vector<782x128xf32>
    %swap3A = arith.constant 0 : index
    %swap3A_19 = arith.constant 0 : index
    %swap3A_20 = vector.load %arg2[%swap3A, %swap3A_19] : memref<782x128xf32, #tpu.memory_space<vmem>>, vector<782x128xf32>
    tpu.vector_store %arg2[%swap3A, %swap3A_19], %mul3A_18 {strides = array<i32>} : memref<782x128xf32, #tpu.memory_space<vmem>>, vector<782x128xf32>,
    %get3A_21 = arith.constant 0 : index
    %get3A_22 = arith.constant 0 : index
    %get3A_23 = vector.load %arg1[%get3A_21, %get3A_22] : memref<782x128xf32, #tpu.memory_space<vmem>>, vector<782x128xf32>
    %mul3A_24 = arith.mulf %mul3A_18, %get3A_23 : vector<782x128xf32>
    %swap3A_25 = arith.constant 0 : index
    %swap3A_26 = arith.constant 0 : index
    %swap3A_27 = vector.load %arg3[%swap3A_25, %swap3A_26] : memref<782x128xf32, #tpu.memory_space<vmem>>, vector<782x128xf32>
    tpu.vector_store %arg3[%swap3A_25, %swap3A_26], %mul3A_24 {strides = array<i32>} : memref<782x128xf32, #tpu.memory_space<vmem>>, vector<782x128xf32>,
    return
  }
}

module attributes {stable_mosaic.version = 14 : i64} {
  func.func @body(%arg0: memref<2x782x128xf32, #tpu.memory_space<vmem>>, %arg1: memref<782x128xf32, #tpu.memory_space<vmem>>, %arg2: memref<782x128xf32, #tpu.memory_space<vmem>>, %arg3: memref<782x128xf32, #tpu.memory_space<vmem>>, %arg4: memref<782x128xf32, #tpu.memory_space<vmem>>) attributes {dimension_semantics = [], scalar_prefetch = 0 : i64, scratch_operands = 0 : i64, tpu.core_type = #tpu.core_type<tc>} {
    %get3A = arith.constant 0 : index
    %get3A_0 = arith.constant 0 : index
    %get3A_1 = vector.load %arg1[%get3A, %get3A_0] : memref<782x128xf32, #tpu.memory_space<vmem>>, vector<782x128xf32>
    %get3A_2 = arith.constant 0 : index
    %get3A_3 = arith.constant 0 : index
    %get3A_4 = arith.constant 0 : index
    %get3A_5 = vector.load %arg0[%get3A_2, %get3A_3, %get3A_4] : memref<2x782x128xf32, #tpu.memory_space<vmem>>, vector<1x782x128xf32>
    %get3A_6 = vector.shape_cast %get3A_5 : vector<1x782x128xf32> to vector<782x128xf32>
    %get3A_7 = arith.constant 1 : index
    %get3A_8 = arith.constant 0 : index
    %get3A_9 = arith.constant 0 : index
    %get3A_10 = vector.load %arg0[%get3A_7, %get3A_8, %get3A_9] : memref<2x782x128xf32, #tpu.memory_space<vmem>>, vector<1x782x128xf32>
    %get3A_11 = vector.shape_cast %get3A_10 : vector<1x782x128xf32> to vector<782x128xf32>
    %add3A = arith.addf %get3A_6, %get3A_11 : vector<782x128xf32>
    %get3A_12 = arith.constant 0 : index
    %get3A_13 = arith.constant 0 : index
    %get3A_14 = vector.load %arg2[%get3A_12, %get3A_13] : memref<782x128xf32, #tpu.memory_space<vmem>>, vector<782x128xf32>
    %add3A_15 = arith.addf %add3A, %get3A_14 : vector<782x128xf32>
    %mul3A = arith.mulf %get3A_1, %add3A_15 : vector<782x128xf32>
    %max3A = arith.constant 0.000000e+00 : f32
    %max3A_16 = vector.broadcast %max3A : f32 to vector<782x128xf32>
    %max3A_17 = arith.maximumf %mul3A, %max3A_16 : vector<782x128xf32>
    %mul3A_18 = arith.mulf %get3A_1, %max3A_17 : vector<782x128xf32>
    %swap3A = arith.constant 0 : index
    %swap3A_19 = arith.constant 0 : index
    %swap3A_20 = vector.load %arg3[%swap3A, %swap3A_19] : memref<782x128xf32, #tpu.memory_space<vmem>>, vector<782x128xf32>
    tpu.vector_store %arg3[%swap3A, %swap3A_19], %mul3A_18 {strides = array<i32>} : memref<782x128xf32, #tpu.memory_space<vmem>>, vector<782x128xf32>,
    %min3A = arith.constant 0.000000e+00 : f32
    %min3A_21 = vector.broadcast %min3A : f32 to vector<782x128xf32>
    %min3A_22 = arith.minimumf %mul3A, %min3A_21 : vector<782x128xf32>
    %mul3A_23 = arith.mulf %get3A_1, %min3A_22 : vector<782x128xf32>
    %swap3A_24 = arith.constant 0 : index
    %swap3A_25 = arith.constant 0 : index
    %swap3A_26 = vector.load %arg4[%swap3A_24, %swap3A_25] : memref<782x128xf32, #tpu.memory_space<vmem>>, vector<782x128xf32>
    tpu.vector_store %arg4[%swap3A_24, %swap3A_25], %mul3A_23 {strides = array<i32>} : memref<782x128xf32, #tpu.memory_space<vmem>>, vector<782x128xf32>,
    return
  }
}

module attributes {stable_mosaic.version = 14 : i64} {
  func.func @body(%arg0: memref<2x782x128xf32, #tpu.memory_space<vmem>>, %arg1: memref<2x782x128xf32, #tpu.memory_space<vmem>>, %arg2: memref<782x128xf32, #tpu.memory_space<vmem>>, %arg3: memref<782x128xf32, #tpu.memory_space<vmem>>, %arg4: memref<782x128xf32, #tpu.memory_space<vmem>>, %arg5: memref<32x1xf32, #tpu.memory_space<vmem>>, %arg6: memref<32x32xf32, #tpu.memory_space<vmem>>, %arg7: memref<1x32xf32, #tpu.memory_space<vmem>>, %arg8: memref<1x32xf32, #tpu.memory_space<vmem>>, %arg9: memref<1x1xf32, #tpu.memory_space<vmem>>, %arg10: memref<782x128xf32, #tpu.memory_space<vmem>>) attributes {dimension_semantics = [], scalar_prefetch = 0 : i64, scratch_operands = 0 : i64, tpu.core_type = #tpu.core_type<tc>} {
    %get3A = arith.constant 0 : index
    %get3A_0 = arith.constant 0 : index
    %get3A_1 = vector.load %arg4[%get3A, %get3A_0] : memref<782x128xf32, #tpu.memory_space<vmem>>, vector<782x128xf32>
    %get3A_2 = arith.constant 0 : index
    %get3A_3 = arith.constant 0 : index
    %get3A_4 = arith.constant 0 : index
    %get3A_5 = vector.load %arg0[%get3A_2, %get3A_3, %get3A_4] : memref<2x782x128xf32, #tpu.memory_space<vmem>>, vector<1x782x128xf32>
    %get3A_6 = vector.shape_cast %get3A_5 : vector<1x782x128xf32> to vector<782x128xf32>
    %get3A_7 = arith.constant 1 : index
    %get3A_8 = arith.constant 0 : index
    %get3A_9 = arith.constant 0 : index
    %get3A_10 = vector.load %arg0[%get3A_7, %get3A_8, %get3A_9] : memref<2x782x128xf32, #tpu.memory_space<vmem>>, vector<1x782x128xf32>
    %get3A_11 = vector.shape_cast %get3A_10 : vector<1x782x128xf32> to vector<782x128xf32>
    %add3A = arith.addf %get3A_6, %get3A_11 : vector<782x128xf32>
    %get3A_12 = arith.constant 0 : index
    %get3A_13 = arith.constant 0 : index
    %get3A_14 = vector.load %arg2[%get3A_12, %get3A_13] : memref<782x128xf32, #tpu.memory_space<vmem>>, vector<782x128xf32>
    %add3A_15 = arith.addf %add3A, %get3A_14 : vector<782x128xf32>
    %mul3A = arith.mulf %get3A_1, %add3A_15 : vector<782x128xf32>
    %get3A_16 = arith.constant 0 : index
    %get3A_17 = arith.constant 0 : index
    %get3A_18 = arith.constant 0 : index
    %get3A_19 = vector.load %arg1[%get3A_16, %get3A_17, %get3A_18] : memref<2x782x128xf32, #tpu.memory_space<vmem>>, vector<1x782x128xf32>
    %get3A_20 = vector.shape_cast %get3A_19 : vector<1x782x128xf32> to vector<782x128xf32>
    %get3A_21 = arith.constant 1 : index
    %get3A_22 = arith.constant 0 : index
    %get3A_23 = arith.constant 0 : index
    %get3A_24 = vector.load %arg1[%get3A_21, %get3A_22, %get3A_23] : memref<2x782x128xf32, #tpu.memory_space<vmem>>, vector<1x782x128xf32>
    %get3A_25 = vector.shape_cast %get3A_24 : vector<1x782x128xf32> to vector<782x128xf32>
    %add3A_26 = arith.addf %get3A_20, %get3A_25 : vector<782x128xf32>
    %get3A_27 = arith.constant 0 : index
    %get3A_28 = arith.constant 0 : index
    %get3A_29 = vector.load %arg3[%get3A_27, %get3A_28] : memref<782x128xf32, #tpu.memory_space<vmem>>, vector<782x128xf32>
    %add3A_30 = arith.addf %add3A_26, %get3A_29 : vector<782x128xf32>
    %mul3A_31 = arith.mulf %get3A_1, %add3A_30 : vector<782x128xf32>
    %get3A_32 = arith.constant 0 : index
    %get3A_33 = arith.constant 0 : index
    %get3A_34 = vector.load %arg5[%get3A_32, %get3A_33] : memref<32x1xf32, #tpu.memory_space<vmem>>, vector<32x1xf32>
    %max3A = arith.constant 0.000000e+00 : f32
    %max3A_35 = vector.broadcast %max3A : f32 to vector<32x1xf32>
    %max3A_36 = arith.maximumf %get3A_34, %max3A_35 : vector<32x1xf32>
    %get3A_37 = arith.constant 0 : index
    %get3A_38 = arith.constant 0 : index
    %get3A_39 = vector.load %arg5[%get3A_37, %get3A_38] : memref<32x1xf32, #tpu.memory_space<vmem>>, vector<32x1xf32>
    %min3A = arith.constant 0.000000e+00 : f32
    %min3A_40 = vector.broadcast %min3A : f32 to vector<32x1xf32>
    %min3A_41 = arith.minimumf %get3A_39, %min3A_40 : vector<32x1xf32>
    %get3A_42 = arith.constant 0 : index
    %get3A_43 = arith.constant 0 : index
    %get3A_44 = vector.load %arg6[%get3A_42, %get3A_43] : memref<32x32xf32, #tpu.memory_space<vmem>>, vector<32x32xf32>
    %mul3A_45 = vector.broadcast %max3A_36 : vector<32x1xf32> to vector<32x32xf32>
    %mul3A_46 = arith.mulf %mul3A_45, %get3A_44 : vector<32x32xf32>
    %reduce_sum3A = arith.constant dense<0.000000e+00> : vector<32xf32>
    %reduce_sum3A_47 = vector.multi_reduction <add>, %mul3A_46, %reduce_sum3A [0] : vector<32x32xf32> to vector<32xf32>
    %broadcast_in_dim3A = vector.shape_cast %reduce_sum3A_47 : vector<32xf32> to vector<1x32xf32>
    %get3A_48 = arith.constant 0 : index
    %get3A_49 = arith.constant 0 : index
    %get3A_50 = vector.load %arg6[%get3A_48, %get3A_49] : memref<32x32xf32, #tpu.memory_space<vmem>>, vector<32x32xf32>
    %mul3A_51 = vector.broadcast %min3A_41 : vector<32x1xf32> to vector<32x32xf32>
    %mul3A_52 = arith.mulf %mul3A_51, %get3A_50 : vector<32x32xf32>
    %reduce_sum3A_53 = arith.constant dense<0.000000e+00> : vector<32xf32>
    %reduce_sum3A_54 = vector.multi_reduction <add>, %mul3A_52, %reduce_sum3A_53 [0] : vector<32x32xf32> to vector<32xf32>
    %broadcast_in_dim3A_55 = vector.shape_cast %reduce_sum3A_54 : vector<32xf32> to vector<1x32xf32>
    %broadcast_in_dim3A_56 = arith.constant 0.000000e+00 : f32
    %broadcast_in_dim3A_57 = vector.broadcast %broadcast_in_dim3A_56 : f32 to vector<782x128xf32>
    %get3A_58 = arith.constant 0 : index
    %get3A_59 = arith.constant 0 : index
    %get3A_60 = vector.load %arg9[%get3A_58, %get3A_59] : memref<1x1xf32, #tpu.memory_space<vmem>>, vector<1x1xf32>
    %get3A_61 = vector.extract %get3A_60[0, 0] : f32 from vector<1x1xf32>
    %add3A_62 = vector.broadcast %get3A_61 : f32 to vector<782x128xf32>
    %add3A_63 = arith.addf %broadcast_in_dim3A_57, %add3A_62 : vector<782x128xf32>
    %slice3A = vector.extract_strided_slice %broadcast_in_dim3A {offsets = [0, 0], sizes = [1, 1], strides = [1, 1]} : vector<1x32xf32> to vector<1x1xf32>
    %squeeze3A = vector.extract %slice3A[0, 0] : f32 from vector<1x1xf32>
    %mul3A_64 = vector.broadcast %squeeze3A : f32 to vector<782x128xf32>
    %mul3A_65 = arith.mulf %mul3A, %mul3A_64 : vector<782x128xf32>
    %slice3A_66 = vector.extract_strided_slice %broadcast_in_dim3A_55 {offsets = [0, 0], sizes = [1, 1], strides = [1, 1]} : vector<1x32xf32> to vector<1x1xf32>
    %squeeze3A_67 = vector.extract %slice3A_66[0, 0] : f32 from vector<1x1xf32>
    %mul3A_68 = vector.broadcast %squeeze3A_67 : f32 to vector<782x128xf32>
    %mul3A_69 = arith.mulf %mul3A_31, %mul3A_68 : vector<782x128xf32>
    %add3A_70 = arith.addf %mul3A_65, %mul3A_69 : vector<782x128xf32>
    %get3A_71 = arith.constant 0 : index
    %get3A_72 = arith.constant 0 : index
    %get3A_73 = vector.load %arg7[%get3A_71, %get3A_72] : memref<1x32xf32, #tpu.memory_space<vmem>>, vector<1x1xf32>
    %get3A_74 = vector.extract %get3A_73[0, 0] : f32 from vector<1x1xf32>
    %add3A_75 = vector.broadcast %get3A_74 : f32 to vector<782x128xf32>
    %add3A_76 = arith.addf %add3A_70, %add3A_75 : vector<782x128xf32>
    %max3A_77 = arith.constant 0.000000e+00 : f32
    %max3A_78 = vector.broadcast %max3A_77 : f32 to vector<782x128xf32>
    %max3A_79 = arith.maximumf %add3A_76, %max3A_78 : vector<782x128xf32>
    %get3A_80 = arith.constant 0 : index
    %get3A_81 = arith.constant 0 : index
    %get3A_82 = vector.load %arg8[%get3A_80, %get3A_81] : memref<1x32xf32, #tpu.memory_space<vmem>>, vector<1x1xf32>
    %get3A_83 = vector.extract %get3A_82[0, 0] : f32 from vector<1x1xf32>
    %mul3A_84 = vector.broadcast %get3A_83 : f32 to vector<782x128xf32>
    %mul3A_85 = arith.mulf %max3A_79, %mul3A_84 : vector<782x128xf32>
    %add3A_86 = arith.addf %add3A_63, %mul3A_85 : vector<782x128xf32>
    %slice3A_87 = vector.extract_strided_slice %broadcast_in_dim3A {offsets = [0, 1], sizes = [1, 1], strides = [1, 1]} : vector<1x32xf32> to vector<1x1xf32>
    %squeeze3A_88 = vector.extract %slice3A_87[0, 0] : f32 from vector<1x1xf32>
    %mul3A_89 = vector.broadcast %squeeze3A_88 : f32 to vector<782x128xf32>
    %mul3A_90 = arith.mulf %mul3A, %mul3A_89 : vector<782x128xf32>
    %slice3A_91 = vector.extract_strided_slice %broadcast_in_dim3A_55 {offsets = [0, 1], sizes = [1, 1], strides = [1, 1]} : vector<1x32xf32> to vector<1x1xf32>
    %squeeze3A_92 = vector.extract %slice3A_91[0, 0] : f32 from vector<1x1xf32>
    %mul3A_93 = vector.broadcast %squeeze3A_92 : f32 to vector<782x128xf32>
    %mul3A_94 = arith.mulf %mul3A_31, %mul3A_93 : vector<782x128xf32>
    %add3A_95 = arith.addf %mul3A_90, %mul3A_94 : vector<782x128xf32>
    %get3A_96 = arith.constant 0 : index
    %get3A_97 = arith.constant 1 : index
    %get3A_98 = vector.load %arg7[%get3A_96, %get3A_97] : memref<1x32xf32, #tpu.memory_space<vmem>>, vector<1x1xf32>
    %get3A_99 = vector.extract %get3A_98[0, 0] : f32 from vector<1x1xf32>
    %add3A_100 = vector.broadcast %get3A_99 : f32 to vector<782x128xf32>
    %add3A_101 = arith.addf %add3A_95, %add3A_100 : vector<782x128xf32>
    %max3A_102 = arith.constant 0.000000e+00 : f32
    %max3A_103 = vector.broadcast %max3A_102 : f32 to vector<782x128xf32>
    %max3A_104 = arith.maximumf %add3A_101, %max3A_103 : vector<782x128xf32>
    %get3A_105 = arith.constant 0 : index
    %get3A_106 = arith.constant 1 : index
    %get3A_107 = vector.load %arg8[%get3A_105, %get3A_106] : memref<1x32xf32, #tpu.memory_space<vmem>>, vector<1x1xf32>
    %get3A_108 = vector.extract %get3A_107[0, 0] : f32 from vector<1x1xf32>
    %mul3A_109 = vector.broadcast %get3A_108 : f32 to vector<782x128xf32>
    %mul3A_110 = arith.mulf %max3A_104, %mul3A_109 : vector<782x128xf32>
    %add3A_111 = arith.addf %add3A_86, %mul3A_110 : vector<782x128xf32>
    %slice3A_112 = vector.extract_strided_slice %broadcast_in_dim3A {offsets = [0, 2], sizes = [1, 1], strides = [1, 1]} : vector<1x32xf32> to vector<1x1xf32>
    %squeeze3A_113 = vector.extract %slice3A_112[0, 0] : f32 from vector<1x1xf32>
    %mul3A_114 = vector.broadcast %squeeze3A_113 : f32 to vector<782x128xf32>
    %mul3A_115 = arith.mulf %mul3A, %mul3A_114 : vector<782x128xf32>
    %slice3A_116 = vector.extract_strided_slice %broadcast_in_dim3A_55 {offsets = [0, 2], sizes = [1, 1], strides = [1, 1]} : vector<1x32xf32> to vector<1x1xf32>
    %squeeze3A_117 = vector.extract %slice3A_116[0, 0] : f32 from vector<1x1xf32>
    %mul3A_118 = vector.broadcast %squeeze3A_117 : f32 to vector<782x128xf32>
    %mul3A_119 = arith.mulf %mul3A_31, %mul3A_118 : vector<782x128xf32>
    %add3A_120 = arith.addf %mul3A_115, %mul3A_119 : vector<782x128xf32>
    %get3A_121 = arith.constant 0 : index
    %get3A_122 = arith.constant 2 : index
    %get3A_123 = vector.load %arg7[%get3A_121, %get3A_122] : memref<1x32xf32, #tpu.memory_space<vmem>>, vector<1x1xf32>
    %get3A_124 = vector.extract %get3A_123[0, 0] : f32 from vector<1x1xf32>
    %add3A_125 = vector.broadcast %get3A_124 : f32 to vector<782x128xf32>
    %add3A_126 = arith.addf %add3A_120, %add3A_125 : vector<782x128xf32>
    %max3A_127 = arith.constant 0.000000e+00 : f32
    %max3A_128 = vector.broadcast %max3A_127 : f32 to vector<782x128xf32>
    %max3A_129 = arith.maximumf %add3A_126, %max3A_128 : vector<782x128xf32>
    %get3A_130 = arith.constant 0 : index
    %get3A_131 = arith.constant 2 : index
    %get3A_132 = vector.load %arg8[%get3A_130, %get3A_131] : memref<1x32xf32, #tpu.memory_space<vmem>>, vector<1x1xf32>
    %get3A_133 = vector.extract %get3A_132[0, 0] : f32 from vector<1x1xf32>
    %mul3A_134 = vector.broadcast %get3A_133 : f32 to vector<782x128xf32>
    %mul3A_135 = arith.mulf %max3A_129, %mul3A_134 : vector<782x128xf32>
    %add3A_136 = arith.addf %add3A_111, %mul3A_135 : vector<782x128xf32>
    %slice3A_137 = vector.extract_strided_slice %broadcast_in_dim3A {offsets = [0, 3], sizes = [1, 1], strides = [1, 1]} : vector<1x32xf32> to vector<1x1xf32>
    %squeeze3A_138 = vector.extract %slice3A_137[0, 0] : f32 from vector<1x1xf32>
    %mul3A_139 = vector.broadcast %squeeze3A_138 : f32 to vector<782x128xf32>
    %mul3A_140 = arith.mulf %mul3A, %mul3A_139 : vector<782x128xf32>
    %slice3A_141 = vector.extract_strided_slice %broadcast_in_dim3A_55 {offsets = [0, 3], sizes = [1, 1], strides = [1, 1]} : vector<1x32xf32> to vector<1x1xf32>
    %squeeze3A_142 = vector.extract %slice3A_141[0, 0] : f32 from vector<1x1xf32>
    %mul3A_143 = vector.broadcast %squeeze3A_142 : f32 to vector<782x128xf32>
    %mul3A_144 = arith.mulf %mul3A_31, %mul3A_143 : vector<782x128xf32>
    %add3A_145 = arith.addf %mul3A_140, %mul3A_144 : vector<782x128xf32>
    %get3A_146 = arith.constant 0 : index
    %get3A_147 = arith.constant 3 : index
    %get3A_148 = vector.load %arg7[%get3A_146, %get3A_147] : memref<1x32xf32, #tpu.memory_space<vmem>>, vector<1x1xf32>
    %get3A_149 = vector.extract %get3A_148[0, 0] : f32 from vector<1x1xf32>
    %add3A_150 = vector.broadcast %get3A_149 : f32 to vector<782x128xf32>
    %add3A_151 = arith.addf %add3A_145, %add3A_150 : vector<782x128xf32>
    %max3A_152 = arith.constant 0.000000e+00 : f32
    %max3A_153 = vector.broadcast %max3A_152 : f32 to vector<782x128xf32>
    %max3A_154 = arith.maximumf %add3A_151, %max3A_153 : vector<782x128xf32>
    %get3A_155 = arith.constant 0 : index
    %get3A_156 = arith.constant 3 : index
    %get3A_157 = vector.load %arg8[%get3A_155, %get3A_156] : memref<1x32xf32, #tpu.memory_space<vmem>>, vector<1x1xf32>
    %get3A_158 = vector.extract %get3A_157[0, 0] : f32 from vector<1x1xf32>
    %mul3A_159 = vector.broadcast %get3A_158 : f32 to vector<782x128xf32>
    %mul3A_160 = arith.mulf %max3A_154, %mul3A_159 : vector<782x128xf32>
    %add3A_161 = arith.addf %add3A_136, %mul3A_160 : vector<782x128xf32>
    %slice3A_162 = vector.extract_strided_slice %broadcast_in_dim3A {offsets = [0, 4], sizes = [1, 1], strides = [1, 1]} : vector<1x32xf32> to vector<1x1xf32>
    %squeeze3A_163 = vector.extract %slice3A_162[0, 0] : f32 from vector<1x1xf32>
    %mul3A_164 = vector.broadcast %squeeze3A_163 : f32 to vector<782x128xf32>
    %mul3A_165 = arith.mulf %mul3A, %mul3A_164 : vector<782x128xf32>
    %slice3A_166 = vector.extract_strided_slice %broadcast_in_dim3A_55 {offsets = [0, 4], sizes = [1, 1], strides = [1, 1]} : vector<1x32xf32> to vector<1x1xf32>
    %squeeze3A_167 = vector.extract %slice3A_166[0, 0] : f32 from vector<1x1xf32>
    %mul3A_168 = vector.broadcast %squeeze3A_167 : f32 to vector<782x128xf32>
    %mul3A_169 = arith.mulf %mul3A_31, %mul3A_168 : vector<782x128xf32>
    %add3A_170 = arith.addf %mul3A_165, %mul3A_169 : vector<782x128xf32>
    %get3A_171 = arith.constant 0 : index
    %get3A_172 = arith.constant 4 : index
    %get3A_173 = vector.load %arg7[%get3A_171, %get3A_172] : memref<1x32xf32, #tpu.memory_space<vmem>>, vector<1x1xf32>
    %get3A_174 = vector.extract %get3A_173[0, 0] : f32 from vector<1x1xf32>
    %add3A_175 = vector.broadcast %get3A_174 : f32 to vector<782x128xf32>
    %add3A_176 = arith.addf %add3A_170, %add3A_175 : vector<782x128xf32>
    %max3A_177 = arith.constant 0.000000e+00 : f32
    %max3A_178 = vector.broadcast %max3A_177 : f32 to vector<782x128xf32>
    %max3A_179 = arith.maximumf %add3A_176, %max3A_178 : vector<782x128xf32>
    %get3A_180 = arith.constant 0 : index
    %get3A_181 = arith.constant 4 : index
    %get3A_182 = vector.load %arg8[%get3A_180, %get3A_181] : memref<1x32xf32, #tpu.memory_space<vmem>>, vector<1x1xf32>
    %get3A_183 = vector.extract %get3A_182[0, 0] : f32 from vector<1x1xf32>
    %mul3A_184 = vector.broadcast %get3A_183 : f32 to vector<782x128xf32>
    %mul3A_185 = arith.mulf %max3A_179, %mul3A_184 : vector<782x128xf32>
    %add3A_186 = arith.addf %add3A_161, %mul3A_185 : vector<782x128xf32>
    %slice3A_187 = vector.extract_strided_slice %broadcast_in_dim3A {offsets = [0, 5], sizes = [1, 1], strides = [1, 1]} : vector<1x32xf32> to vector<1x1xf32>
    %squeeze3A_188 = vector.extract %slice3A_187[0, 0] : f32 from vector<1x1xf32>
    %mul3A_189 = vector.broadcast %squeeze3A_188 : f32 to vector<782x128xf32>
    %mul3A_190 = arith.mulf %mul3A, %mul3A_189 : vector<782x128xf32>
    %slice3A_191 = vector.extract_strided_slice %broadcast_in_dim3A_55 {offsets = [0, 5], sizes = [1, 1], strides = [1, 1]} : vector<1x32xf32> to vector<1x1xf32>
    %squeeze3A_192 = vector.extract %slice3A_191[0, 0] : f32 from vector<1x1xf32>
    %mul3A_193 = vector.broadcast %squeeze3A_192 : f32 to vector<782x128xf32>
    %mul3A_194 = arith.mulf %mul3A_31, %mul3A_193 : vector<782x128xf32>
    %add3A_195 = arith.addf %mul3A_190, %mul3A_194 : vector<782x128xf32>
    %get3A_196 = arith.constant 0 : index
    %get3A_197 = arith.constant 5 : index
    %get3A_198 = vector.load %arg7[%get3A_196, %get3A_197] : memref<1x32xf32, #tpu.memory_space<vmem>>, vector<1x1xf32>
    %get3A_199 = vector.extract %get3A_198[0, 0] : f32 from vector<1x1xf32>
    %add3A_200 = vector.broadcast %get3A_199 : f32 to vector<782x128xf32>
    %add3A_201 = arith.addf %add3A_195, %add3A_200 : vector<782x128xf32>
    %max3A_202 = arith.constant 0.000000e+00 : f32
    %max3A_203 = vector.broadcast %max3A_202 : f32 to vector<782x128xf32>
    %max3A_204 = arith.maximumf %add3A_201, %max3A_203 : vector<782x128xf32>
    %get3A_205 = arith.constant 0 : index
    %get3A_206 = arith.constant 5 : index
    %get3A_207 = vector.load %arg8[%get3A_205, %get3A_206] : memref<1x32xf32, #tpu.memory_space<vmem>>, vector<1x1xf32>
    %get3A_208 = vector.extract %get3A_207[0, 0] : f32 from vector<1x1xf32>
    %mul3A_209 = vector.broadcast %get3A_208 : f32 to vector<782x128xf32>
    %mul3A_210 = arith.mulf %max3A_204, %mul3A_209 : vector<782x128xf32>
    %add3A_211 = arith.addf %add3A_186, %mul3A_210 : vector<782x128xf32>
    %slice3A_212 = vector.extract_strided_slice %broadcast_in_dim3A {offsets = [0, 6], sizes = [1, 1], strides = [1, 1]} : vector<1x32xf32> to vector<1x1xf32>
    %squeeze3A_213 = vector.extract %slice3A_212[0, 0] : f32 from vector<1x1xf32>
    %mul3A_214 = vector.broadcast %squeeze3A_213 : f32 to vector<782x128xf32>
    %mul3A_215 = arith.mulf %mul3A, %mul3A_214 : vector<782x128xf32>
    %slice3A_216 = vector.extract_strided_slice %broadcast_in_dim3A_55 {offsets = [0, 6], sizes = [1, 1], strides = [1, 1]} : vector<1x32xf32> to vector<1x1xf32>
    %squeeze3A_217 = vector.extract %slice3A_216[0, 0] : f32 from vector<1x1xf32>
    %mul3A_218 = vector.broadcast %squeeze3A_217 : f32 to vector<782x128xf32>
    %mul3A_219 = arith.mulf %mul3A_31, %mul3A_218 : vector<782x128xf32>
    %add3A_220 = arith.addf %mul3A_215, %mul3A_219 : vector<782x128xf32>
    %get3A_221 = arith.constant 0 : index
    %get3A_222 = arith.constant 6 : index
    %get3A_223 = vector.load %arg7[%get3A_221, %get3A_222] : memref<1x32xf32, #tpu.memory_space<vmem>>, vector<1x1xf32>
    %get3A_224 = vector.extract %get3A_223[0, 0] : f32 from vector<1x1xf32>
    %add3A_225 = vector.broadcast %get3A_224 : f32 to vector<782x128xf32>
    %add3A_226 = arith.addf %add3A_220, %add3A_225 : vector<782x128xf32>
    %max3A_227 = arith.constant 0.000000e+00 : f32
    %max3A_228 = vector.broadcast %max3A_227 : f32 to vector<782x128xf32>
    %max3A_229 = arith.maximumf %add3A_226, %max3A_228 : vector<782x128xf32>
    %get3A_230 = arith.constant 0 : index
    %get3A_231 = arith.constant 6 : index
    %get3A_232 = vector.load %arg8[%get3A_230, %get3A_231] : memref<1x32xf32, #tpu.memory_space<vmem>>, vector<1x1xf32>
    %get3A_233 = vector.extract %get3A_232[0, 0] : f32 from vector<1x1xf32>
    %mul3A_234 = vector.broadcast %get3A_233 : f32 to vector<782x128xf32>
    %mul3A_235 = arith.mulf %max3A_229, %mul3A_234 : vector<782x128xf32>
    %add3A_236 = arith.addf %add3A_211, %mul3A_235 : vector<782x128xf32>
    %slice3A_237 = vector.extract_strided_slice %broadcast_in_dim3A {offsets = [0, 7], sizes = [1, 1], strides = [1, 1]} : vector<1x32xf32> to vector<1x1xf32>
    %squeeze3A_238 = vector.extract %slice3A_237[0, 0] : f32 from vector<1x1xf32>
    %mul3A_239 = vector.broadcast %squeeze3A_238 : f32 to vector<782x128xf32>
    %mul3A_240 = arith.mulf %mul3A, %mul3A_239 : vector<782x128xf32>
    %slice3A_241 = vector.extract_strided_slice %broadcast_in_dim3A_55 {offsets = [0, 7], sizes = [1, 1], strides = [1, 1]} : vector<1x32xf32> to vector<1x1xf32>
    %squeeze3A_242 = vector.extract %slice3A_241[0, 0] : f32 from vector<1x1xf32>
    %mul3A_243 = vector.broadcast %squeeze3A_242 : f32 to vector<782x128xf32>
    %mul3A_244 = arith.mulf %mul3A_31, %mul3A_243 : vector<782x128xf32>
    %add3A_245 = arith.addf %mul3A_240, %mul3A_244 : vector<782x128xf32>
    %get3A_246 = arith.constant 0 : index
    %get3A_247 = arith.constant 7 : index
    %get3A_248 = vector.load %arg7[%get3A_246, %get3A_247] : memref<1x32xf32, #tpu.memory_space<vmem>>, vector<1x1xf32>
    %get3A_249 = vector.extract %get3A_248[0, 0] : f32 from vector<1x1xf32>
    %add3A_250 = vector.broadcast %get3A_249 : f32 to vector<782x128xf32>
    %add3A_251 = arith.addf %add3A_245, %add3A_250 : vector<782x128xf32>
    %max3A_252 = arith.constant 0.000000e+00 : f32
    %max3A_253 = vector.broadcast %max3A_252 : f32 to vector<782x128xf32>
    %max3A_254 = arith.maximumf %add3A_251, %max3A_253 : vector<782x128xf32>
    %get3A_255 = arith.constant 0 : index
    %get3A_256 = arith.constant 7 : index
    %get3A_257 = vector.load %arg8[%get3A_255, %get3A_256] : memref<1x32xf32, #tpu.memory_space<vmem>>, vector<1x1xf32>
    %get3A_258 = vector.extract %get3A_257[0, 0] : f32 from vector<1x1xf32>
    %mul3A_259 = vector.broadcast %get3A_258 : f32 to vector<782x128xf32>
    %mul3A_260 = arith.mulf %max3A_254, %mul3A_259 : vector<782x128xf32>
    %add3A_261 = arith.addf %add3A_236, %mul3A_260 : vector<782x128xf32>
    %slice3A_262 = vector.extract_strided_slice %broadcast_in_dim3A {offsets = [0, 8], sizes = [1, 1], strides = [1, 1]} : vector<1x32xf32> to vector<1x1xf32>
    %squeeze3A_263 = vector.extract %slice3A_262[0, 0] : f32 from vector<1x1xf32>
    %mul3A_264 = vector.broadcast %squeeze3A_263 : f32 to vector<782x128xf32>
    %mul3A_265 = arith.mulf %mul3A, %mul3A_264 : vector<782x128xf32>
    %slice3A_266 = vector.extract_strided_slice %broadcast_in_dim3A_55 {offsets = [0, 8], sizes = [1, 1], strides = [1, 1]} : vector<1x32xf32> to vector<1x1xf32>
    %squeeze3A_267 = vector.extract %slice3A_266[0, 0] : f32 from vector<1x1xf32>
    %mul3A_268 = vector.broadcast %squeeze3A_267 : f32 to vector<782x128xf32>
    %mul3A_269 = arith.mulf %mul3A_31, %mul3A_268 : vector<782x128xf32>
    %add3A_270 = arith.addf %mul3A_265, %mul3A_269 : vector<782x128xf32>
    %get3A_271 = arith.constant 0 : index
    %get3A_272 = arith.constant 8 : index
    %get3A_273 = vector.load %arg7[%get3A_271, %get3A_272] : memref<1x32xf32, #tpu.memory_space<vmem>>, vector<1x1xf32>
    %get3A_274 = vector.extract %get3A_273[0, 0] : f32 from vector<1x1xf32>
    %add3A_275 = vector.broadcast %get3A_274 : f32 to vector<782x128xf32>
    %add3A_276 = arith.addf %add3A_270, %add3A_275 : vector<782x128xf32>
    %max3A_277 = arith.constant 0.000000e+00 : f32
    %max3A_278 = vector.broadcast %max3A_277 : f32 to vector<782x128xf32>
    %max3A_279 = arith.maximumf %add3A_276, %max3A_278 : vector<782x128xf32>
    %get3A_280 = arith.constant 0 : index
    %get3A_281 = arith.constant 8 : index
    %get3A_282 = vector.load %arg8[%get3A_280, %get3A_281] : memref<1x32xf32, #tpu.memory_space<vmem>>, vector<1x1xf32>
    %get3A_283 = vector.extract %get3A_282[0, 0] : f32 from vector<1x1xf32>
    %mul3A_284 = vector.broadcast %get3A_283 : f32 to vector<782x128xf32>
    %mul3A_285 = arith.mulf %max3A_279, %mul3A_284 : vector<782x128xf32>
    %add3A_286 = arith.addf %add3A_261, %mul3A_285 : vector<782x128xf32>
    %slice3A_287 = vector.extract_strided_slice %broadcast_in_dim3A {offsets = [0, 9], sizes = [1, 1], strides = [1, 1]} : vector<1x32xf32> to vector<1x1xf32>
    %squeeze3A_288 = vector.extract %slice3A_287[0, 0] : f32 from vector<1x1xf32>
    %mul3A_289 = vector.broadcast %squeeze3A_288 : f32 to vector<782x128xf32>
    %mul3A_290 = arith.mulf %mul3A, %mul3A_289 : vector<782x128xf32>
    %slice3A_291 = vector.extract_strided_slice %broadcast_in_dim3A_55 {offsets = [0, 9], sizes = [1, 1], strides = [1, 1]} : vector<1x32xf32> to vector<1x1xf32>
    %squeeze3A_292 = vector.extract %slice3A_291[0, 0] : f32 from vector<1x1xf32>
    %mul3A_293 = vector.broadcast %squeeze3A_292 : f32 to vector<782x128xf32>
    %mul3A_294 = arith.mulf %mul3A_31, %mul3A_293 : vector<782x128xf32>
    %add3A_295 = arith.addf %mul3A_290, %mul3A_294 : vector<782x128xf32>
    %get3A_296 = arith.constant 0 : index
    %get3A_297 = arith.constant 9 : index
    %get3A_298 = vector.load %arg7[%get3A_296, %get3A_297] : memref<1x32xf32, #tpu.memory_space<vmem>>, vector<1x1xf32>
    %get3A_299 = vector.extract %get3A_298[0, 0] : f32 from vector<1x1xf32>
    %add3A_300 = vector.broadcast %get3A_299 : f32 to vector<782x128xf32>
    %add3A_301 = arith.addf %add3A_295, %add3A_300 : vector<782x128xf32>
    %max3A_302 = arith.constant 0.000000e+00 : f32
    %max3A_303 = vector.broadcast %max3A_302 : f32 to vector<782x128xf32>
    %max3A_304 = arith.maximumf %add3A_301, %max3A_303 : vector<782x128xf32>
    %get3A_305 = arith.constant 0 : index
    %get3A_306 = arith.constant 9 : index
    %get3A_307 = vector.load %arg8[%get3A_305, %get3A_306] : memref<1x32xf32, #tpu.memory_space<vmem>>, vector<1x1xf32>
    %get3A_308 = vector.extract %get3A_307[0, 0] : f32 from vector<1x1xf32>
    %mul3A_309 = vector.broadcast %get3A_308 : f32 to vector<782x128xf32>
    %mul3A_310 = arith.mulf %max3A_304, %mul3A_309 : vector<782x128xf32>
    %add3A_311 = arith.addf %add3A_286, %mul3A_310 : vector<782x128xf32>
    %slice3A_312 = vector.extract_strided_slice %broadcast_in_dim3A {offsets = [0, 10], sizes = [1, 1], strides = [1, 1]} : vector<1x32xf32> to vector<1x1xf32>
    %squeeze3A_313 = vector.extract %slice3A_312[0, 0] : f32 from vector<1x1xf32>
    %mul3A_314 = vector.broadcast %squeeze3A_313 : f32 to vector<782x128xf32>
    %mul3A_315 = arith.mulf %mul3A, %mul3A_314 : vector<782x128xf32>
    %slice3A_316 = vector.extract_strided_slice %broadcast_in_dim3A_55 {offsets = [0, 10], sizes = [1, 1], strides = [1, 1]} : vector<1x32xf32> to vector<1x1xf32>
    %squeeze3A_317 = vector.extract %slice3A_316[0, 0] : f32 from vector<1x1xf32>
    %mul3A_318 = vector.broadcast %squeeze3A_317 : f32 to vector<782x128xf32>
    %mul3A_319 = arith.mulf %mul3A_31, %mul3A_318 : vector<782x128xf32>
    %add3A_320 = arith.addf %mul3A_315, %mul3A_319 : vector<782x128xf32>
    %get3A_321 = arith.constant 0 : index
    %get3A_322 = arith.constant 10 : index
    %get3A_323 = vector.load %arg7[%get3A_321, %get3A_322] : memref<1x32xf32, #tpu.memory_space<vmem>>, vector<1x1xf32>
    %get3A_324 = vector.extract %get3A_323[0, 0] : f32 from vector<1x1xf32>
    %add3A_325 = vector.broadcast %get3A_324 : f32 to vector<782x128xf32>
    %add3A_326 = arith.addf %add3A_320, %add3A_325 : vector<782x128xf32>
    %max3A_327 = arith.constant 0.000000e+00 : f32
    %max3A_328 = vector.broadcast %max3A_327 : f32 to vector<782x128xf32>
    %max3A_329 = arith.maximumf %add3A_326, %max3A_328 : vector<782x128xf32>
    %get3A_330 = arith.constant 0 : index
    %get3A_331 = arith.constant 10 : index
    %get3A_332 = vector.load %arg8[%get3A_330, %get3A_331] : memref<1x32xf32, #tpu.memory_space<vmem>>, vector<1x1xf32>
    %get3A_333 = vector.extract %get3A_332[0, 0] : f32 from vector<1x1xf32>
    %mul3A_334 = vector.broadcast %get3A_333 : f32 to vector<782x128xf32>
    %mul3A_335 = arith.mulf %max3A_329, %mul3A_334 : vector<782x128xf32>
    %add3A_336 = arith.addf %add3A_311, %mul3A_335 : vector<782x128xf32>
    %slice3A_337 = vector.extract_strided_slice %broadcast_in_dim3A {offsets = [0, 11], sizes = [1, 1], strides = [1, 1]} : vector<1x32xf32> to vector<1x1xf32>
    %squeeze3A_338 = vector.extract %slice3A_337[0, 0] : f32 from vector<1x1xf32>
    %mul3A_339 = vector.broadcast %squeeze3A_338 : f32 to vector<782x128xf32>
    %mul3A_340 = arith.mulf %mul3A, %mul3A_339 : vector<782x128xf32>
    %slice3A_341 = vector.extract_strided_slice %broadcast_in_dim3A_55 {offsets = [0, 11], sizes = [1, 1], strides = [1, 1]} : vector<1x32xf32> to vector<1x1xf32>
    %squeeze3A_342 = vector.extract %slice3A_341[0, 0] : f32 from vector<1x1xf32>
    %mul3A_343 = vector.broadcast %squeeze3A_342 : f32 to vector<782x128xf32>
    %mul3A_344 = arith.mulf %mul3A_31, %mul3A_343 : vector<782x128xf32>
    %add3A_345 = arith.addf %mul3A_340, %mul3A_344 : vector<782x128xf32>
    %get3A_346 = arith.constant 0 : index
    %get3A_347 = arith.constant 11 : index
    %get3A_348 = vector.load %arg7[%get3A_346, %get3A_347] : memref<1x32xf32, #tpu.memory_space<vmem>>, vector<1x1xf32>
    %get3A_349 = vector.extract %get3A_348[0, 0] : f32 from vector<1x1xf32>
    %add3A_350 = vector.broadcast %get3A_349 : f32 to vector<782x128xf32>
    %add3A_351 = arith.addf %add3A_345, %add3A_350 : vector<782x128xf32>
    %max3A_352 = arith.constant 0.000000e+00 : f32
    %max3A_353 = vector.broadcast %max3A_352 : f32 to vector<782x128xf32>
    %max3A_354 = arith.maximumf %add3A_351, %max3A_353 : vector<782x128xf32>
    %get3A_355 = arith.constant 0 : index
    %get3A_356 = arith.constant 11 : index
    %get3A_357 = vector.load %arg8[%get3A_355, %get3A_356] : memref<1x32xf32, #tpu.memory_space<vmem>>, vector<1x1xf32>
    %get3A_358 = vector.extract %get3A_357[0, 0] : f32 from vector<1x1xf32>
    %mul3A_359 = vector.broadcast %get3A_358 : f32 to vector<782x128xf32>
    %mul3A_360 = arith.mulf %max3A_354, %mul3A_359 : vector<782x128xf32>
    %add3A_361 = arith.addf %add3A_336, %mul3A_360 : vector<782x128xf32>
    %slice3A_362 = vector.extract_strided_slice %broadcast_in_dim3A {offsets = [0, 12], sizes = [1, 1], strides = [1, 1]} : vector<1x32xf32> to vector<1x1xf32>
    %squeeze3A_363 = vector.extract %slice3A_362[0, 0] : f32 from vector<1x1xf32>
    %mul3A_364 = vector.broadcast %squeeze3A_363 : f32 to vector<782x128xf32>
    %mul3A_365 = arith.mulf %mul3A, %mul3A_364 : vector<782x128xf32>
    %slice3A_366 = vector.extract_strided_slice %broadcast_in_dim3A_55 {offsets = [0, 12], sizes = [1, 1], strides = [1, 1]} : vector<1x32xf32> to vector<1x1xf32>
    %squeeze3A_367 = vector.extract %slice3A_366[0, 0] : f32 from vector<1x1xf32>
    %mul3A_368 = vector.broadcast %squeeze3A_367 : f32 to vector<782x128xf32>
    %mul3A_369 = arith.mulf %mul3A_31, %mul3A_368 : vector<782x128xf32>
    %add3A_370 = arith.addf %mul3A_365, %mul3A_369 : vector<782x128xf32>
    %get3A_371 = arith.constant 0 : index
    %get3A_372 = arith.constant 12 : index
    %get3A_373 = vector.load %arg7[%get3A_371, %get3A_372] : memref<1x32xf32, #tpu.memory_space<vmem>>, vector<1x1xf32>
    %get3A_374 = vector.extract %get3A_373[0, 0] : f32 from vector<1x1xf32>
    %add3A_375 = vector.broadcast %get3A_374 : f32 to vector<782x128xf32>
    %add3A_376 = arith.addf %add3A_370, %add3A_375 : vector<782x128xf32>
    %max3A_377 = arith.constant 0.000000e+00 : f32
    %max3A_378 = vector.broadcast %max3A_377 : f32 to vector<782x128xf32>
    %max3A_379 = arith.maximumf %add3A_376, %max3A_378 : vector<782x128xf32>
    %get3A_380 = arith.constant 0 : index
    %get3A_381 = arith.constant 12 : index
    %get3A_382 = vector.load %arg8[%get3A_380, %get3A_381] : memref<1x32xf32, #tpu.memory_space<vmem>>, vector<1x1xf32>
    %get3A_383 = vector.extract %get3A_382[0, 0] : f32 from vector<1x1xf32>
    %mul3A_384 = vector.broadcast %get3A_383 : f32 to vector<782x128xf32>
    %mul3A_385 = arith.mulf %max3A_379, %mul3A_384 : vector<782x128xf32>
    %add3A_386 = arith.addf %add3A_361, %mul3A_385 : vector<782x128xf32>
    %slice3A_387 = vector.extract_strided_slice %broadcast_in_dim3A {offsets = [0, 13], sizes = [1, 1], strides = [1, 1]} : vector<1x32xf32> to vector<1x1xf32>
    %squeeze3A_388 = vector.extract %slice3A_387[0, 0] : f32 from vector<1x1xf32>
    %mul3A_389 = vector.broadcast %squeeze3A_388 : f32 to vector<782x128xf32>
    %mul3A_390 = arith.mulf %mul3A, %mul3A_389 : vector<782x128xf32>
    %slice3A_391 = vector.extract_strided_slice %broadcast_in_dim3A_55 {offsets = [0, 13], sizes = [1, 1], strides = [1, 1]} : vector<1x32xf32> to vector<1x1xf32>
    %squeeze3A_392 = vector.extract %slice3A_391[0, 0] : f32 from vector<1x1xf32>
    %mul3A_393 = vector.broadcast %squeeze3A_392 : f32 to vector<782x128xf32>
    %mul3A_394 = arith.mulf %mul3A_31, %mul3A_393 : vector<782x128xf32>
    %add3A_395 = arith.addf %mul3A_390, %mul3A_394 : vector<782x128xf32>
    %get3A_396 = arith.constant 0 : index
    %get3A_397 = arith.constant 13 : index
    %get3A_398 = vector.load %arg7[%get3A_396, %get3A_397] : memref<1x32xf32, #tpu.memory_space<vmem>>, vector<1x1xf32>
    %get3A_399 = vector.extract %get3A_398[0, 0] : f32 from vector<1x1xf32>
    %add3A_400 = vector.broadcast %get3A_399 : f32 to vector<782x128xf32>
    %add3A_401 = arith.addf %add3A_395, %add3A_400 : vector<782x128xf32>
    %max3A_402 = arith.constant 0.000000e+00 : f32
    %max3A_403 = vector.broadcast %max3A_402 : f32 to vector<782x128xf32>
    %max3A_404 = arith.maximumf %add3A_401, %max3A_403 : vector<782x128xf32>
    %get3A_405 = arith.constant 0 : index
    %get3A_406 = arith.constant 13 : index
    %get3A_407 = vector.load %arg8[%get3A_405, %get3A_406] : memref<1x32xf32, #tpu.memory_space<vmem>>, vector<1x1xf32>
    %get3A_408 = vector.extract %get3A_407[0, 0] : f32 from vector<1x1xf32>
    %mul3A_409 = vector.broadcast %get3A_408 : f32 to vector<782x128xf32>
    %mul3A_410 = arith.mulf %max3A_404, %mul3A_409 : vector<782x128xf32>
    %add3A_411 = arith.addf %add3A_386, %mul3A_410 : vector<782x128xf32>
    %slice3A_412 = vector.extract_strided_slice %broadcast_in_dim3A {offsets = [0, 14], sizes = [1, 1], strides = [1, 1]} : vector<1x32xf32> to vector<1x1xf32>
    %squeeze3A_413 = vector.extract %slice3A_412[0, 0] : f32 from vector<1x1xf32>
    %mul3A_414 = vector.broadcast %squeeze3A_413 : f32 to vector<782x128xf32>
    %mul3A_415 = arith.mulf %mul3A, %mul3A_414 : vector<782x128xf32>
    %slice3A_416 = vector.extract_strided_slice %broadcast_in_dim3A_55 {offsets = [0, 14], sizes = [1, 1], strides = [1, 1]} : vector<1x32xf32> to vector<1x1xf32>
    %squeeze3A_417 = vector.extract %slice3A_416[0, 0] : f32 from vector<1x1xf32>
    %mul3A_418 = vector.broadcast %squeeze3A_417 : f32 to vector<782x128xf32>
    %mul3A_419 = arith.mulf %mul3A_31, %mul3A_418 : vector<782x128xf32>
    %add3A_420 = arith.addf %mul3A_415, %mul3A_419 : vector<782x128xf32>
    %get3A_421 = arith.constant 0 : index
    %get3A_422 = arith.constant 14 : index
    %get3A_423 = vector.load %arg7[%get3A_421, %get3A_422] : memref<1x32xf32, #tpu.memory_space<vmem>>, vector<1x1xf32>
    %get3A_424 = vector.extract %get3A_423[0, 0] : f32 from vector<1x1xf32>
    %add3A_425 = vector.broadcast %get3A_424 : f32 to vector<782x128xf32>
    %add3A_426 = arith.addf %add3A_420, %add3A_425 : vector<782x128xf32>
    %max3A_427 = arith.constant 0.000000e+00 : f32
    %max3A_428 = vector.broadcast %max3A_427 : f32 to vector<782x128xf32>
    %max3A_429 = arith.maximumf %add3A_426, %max3A_428 : vector<782x128xf32>
    %get3A_430 = arith.constant 0 : index
    %get3A_431 = arith.constant 14 : index
    %get3A_432 = vector.load %arg8[%get3A_430, %get3A_431] : memref<1x32xf32, #tpu.memory_space<vmem>>, vector<1x1xf32>
    %get3A_433 = vector.extract %get3A_432[0, 0] : f32 from vector<1x1xf32>
    %mul3A_434 = vector.broadcast %get3A_433 : f32 to vector<782x128xf32>
    %mul3A_435 = arith.mulf %max3A_429, %mul3A_434 : vector<782x128xf32>
    %add3A_436 = arith.addf %add3A_411, %mul3A_435 : vector<782x128xf32>
    %slice3A_437 = vector.extract_strided_slice %broadcast_in_dim3A {offsets = [0, 15], sizes = [1, 1], strides = [1, 1]} : vector<1x32xf32> to vector<1x1xf32>
    %squeeze3A_438 = vector.extract %slice3A_437[0, 0] : f32 from vector<1x1xf32>
    %mul3A_439 = vector.broadcast %squeeze3A_438 : f32 to vector<782x128xf32>
    %mul3A_440 = arith.mulf %mul3A, %mul3A_439 : vector<782x128xf32>
    %slice3A_441 = vector.extract_strided_slice %broadcast_in_dim3A_55 {offsets = [0, 15], sizes = [1, 1], strides = [1, 1]} : vector<1x32xf32> to vector<1x1xf32>
    %squeeze3A_442 = vector.extract %slice3A_441[0, 0] : f32 from vector<1x1xf32>
    %mul3A_443 = vector.broadcast %squeeze3A_442 : f32 to vector<782x128xf32>
    %mul3A_444 = arith.mulf %mul3A_31, %mul3A_443 : vector<782x128xf32>
    %add3A_445 = arith.addf %mul3A_440, %mul3A_444 : vector<782x128xf32>
    %get3A_446 = arith.constant 0 : index
    %get3A_447 = arith.constant 15 : index
    %get3A_448 = vector.load %arg7[%get3A_446, %get3A_447] : memref<1x32xf32, #tpu.memory_space<vmem>>, vector<1x1xf32>
    %get3A_449 = vector.extract %get3A_448[0, 0] : f32 from vector<1x1xf32>
    %add3A_450 = vector.broadcast %get3A_449 : f32 to vector<782x128xf32>
    %add3A_451 = arith.addf %add3A_445, %add3A_450 : vector<782x128xf32>
    %max3A_452 = arith.constant 0.000000e+00 : f32
    %max3A_453 = vector.broadcast %max3A_452 : f32 to vector<782x128xf32>
    %max3A_454 = arith.maximumf %add3A_451, %max3A_453 : vector<782x128xf32>
    %get3A_455 = arith.constant 0 : index
    %get3A_456 = arith.constant 15 : index
    %get3A_457 = vector.load %arg8[%get3A_455, %get3A_456] : memref<1x32xf32, #tpu.memory_space<vmem>>, vector<1x1xf32>
    %get3A_458 = vector.extract %get3A_457[0, 0] : f32 from vector<1x1xf32>
    %mul3A_459 = vector.broadcast %get3A_458 : f32 to vector<782x128xf32>
    %mul3A_460 = arith.mulf %max3A_454, %mul3A_459 : vector<782x128xf32>
    %add3A_461 = arith.addf %add3A_436, %mul3A_460 : vector<782x128xf32>
    %slice3A_462 = vector.extract_strided_slice %broadcast_in_dim3A {offsets = [0, 16], sizes = [1, 1], strides = [1, 1]} : vector<1x32xf32> to vector<1x1xf32>
    %squeeze3A_463 = vector.extract %slice3A_462[0, 0] : f32 from vector<1x1xf32>
    %mul3A_464 = vector.broadcast %squeeze3A_463 : f32 to vector<782x128xf32>
    %mul3A_465 = arith.mulf %mul3A, %mul3A_464 : vector<782x128xf32>
    %slice3A_466 = vector.extract_strided_slice %broadcast_in_dim3A_55 {offsets = [0, 16], sizes = [1, 1], strides = [1, 1]} : vector<1x32xf32> to vector<1x1xf32>
    %squeeze3A_467 = vector.extract %slice3A_466[0, 0] : f32 from vector<1x1xf32>
    %mul3A_468 = vector.broadcast %squeeze3A_467 : f32 to vector<782x128xf32>
    %mul3A_469 = arith.mulf %mul3A_31, %mul3A_468 : vector<782x128xf32>
    %add3A_470 = arith.addf %mul3A_465, %mul3A_469 : vector<782x128xf32>
    %get3A_471 = arith.constant 0 : index
    %get3A_472 = arith.constant 16 : index
    %get3A_473 = vector.load %arg7[%get3A_471, %get3A_472] : memref<1x32xf32, #tpu.memory_space<vmem>>, vector<1x1xf32>
    %get3A_474 = vector.extract %get3A_473[0, 0] : f32 from vector<1x1xf32>
    %add3A_475 = vector.broadcast %get3A_474 : f32 to vector<782x128xf32>
    %add3A_476 = arith.addf %add3A_470, %add3A_475 : vector<782x128xf32>
    %max3A_477 = arith.constant 0.000000e+00 : f32
    %max3A_478 = vector.broadcast %max3A_477 : f32 to vector<782x128xf32>
    %max3A_479 = arith.maximumf %add3A_476, %max3A_478 : vector<782x128xf32>
    %get3A_480 = arith.constant 0 : index
    %get3A_481 = arith.constant 16 : index
    %get3A_482 = vector.load %arg8[%get3A_480, %get3A_481] : memref<1x32xf32, #tpu.memory_space<vmem>>, vector<1x1xf32>
    %get3A_483 = vector.extract %get3A_482[0, 0] : f32 from vector<1x1xf32>
    %mul3A_484 = vector.broadcast %get3A_483 : f32 to vector<782x128xf32>
    %mul3A_485 = arith.mulf %max3A_479, %mul3A_484 : vector<782x128xf32>
    %add3A_486 = arith.addf %add3A_461, %mul3A_485 : vector<782x128xf32>
    %slice3A_487 = vector.extract_strided_slice %broadcast_in_dim3A {offsets = [0, 17], sizes = [1, 1], strides = [1, 1]} : vector<1x32xf32> to vector<1x1xf32>
    %squeeze3A_488 = vector.extract %slice3A_487[0, 0] : f32 from vector<1x1xf32>
    %mul3A_489 = vector.broadcast %squeeze3A_488 : f32 to vector<782x128xf32>
    %mul3A_490 = arith.mulf %mul3A, %mul3A_489 : vector<782x128xf32>
    %slice3A_491 = vector.extract_strided_slice %broadcast_in_dim3A_55 {offsets = [0, 17], sizes = [1, 1], strides = [1, 1]} : vector<1x32xf32> to vector<1x1xf32>
    %squeeze3A_492 = vector.extract %slice3A_491[0, 0] : f32 from vector<1x1xf32>
    %mul3A_493 = vector.broadcast %squeeze3A_492 : f32 to vector<782x128xf32>
    %mul3A_494 = arith.mulf %mul3A_31, %mul3A_493 : vector<782x128xf32>
    %add3A_495 = arith.addf %mul3A_490, %mul3A_494 : vector<782x128xf32>
    %get3A_496 = arith.constant 0 : index
    %get3A_497 = arith.constant 17 : index
    %get3A_498 = vector.load %arg7[%get3A_496, %get3A_497] : memref<1x32xf32, #tpu.memory_space<vmem>>, vector<1x1xf32>
    %get3A_499 = vector.extract %get3A_498[0, 0] : f32 from vector<1x1xf32>
    %add3A_500 = vector.broadcast %get3A_499 : f32 to vector<782x128xf32>
    %add3A_501 = arith.addf %add3A_495, %add3A_500 : vector<782x128xf32>
    %max3A_502 = arith.constant 0.000000e+00 : f32
    %max3A_503 = vector.broadcast %max3A_502 : f32 to vector<782x128xf32>
    %max3A_504 = arith.maximumf %add3A_501, %max3A_503 : vector<782x128xf32>
    %get3A_505 = arith.constant 0 : index
    %get3A_506 = arith.constant 17 : index
    %get3A_507 = vector.load %arg8[%get3A_505, %get3A_506] : memref<1x32xf32, #tpu.memory_space<vmem>>, vector<1x1xf32>
    %get3A_508 = vector.extract %get3A_507[0, 0] : f32 from vector<1x1xf32>
    %mul3A_509 = vector.broadcast %get3A_508 : f32 to vector<782x128xf32>
    %mul3A_510 = arith.mulf %max3A_504, %mul3A_509 : vector<782x128xf32>
    %add3A_511 = arith.addf %add3A_486, %mul3A_510 : vector<782x128xf32>
    %slice3A_512 = vector.extract_strided_slice %broadcast_in_dim3A {offsets = [0, 18], sizes = [1, 1], strides = [1, 1]} : vector<1x32xf32> to vector<1x1xf32>
    %squeeze3A_513 = vector.extract %slice3A_512[0, 0] : f32 from vector<1x1xf32>
    %mul3A_514 = vector.broadcast %squeeze3A_513 : f32 to vector<782x128xf32>
    %mul3A_515 = arith.mulf %mul3A, %mul3A_514 : vector<782x128xf32>
    %slice3A_516 = vector.extract_strided_slice %broadcast_in_dim3A_55 {offsets = [0, 18], sizes = [1, 1], strides = [1, 1]} : vector<1x32xf32> to vector<1x1xf32>
    %squeeze3A_517 = vector.extract %slice3A_516[0, 0] : f32 from vector<1x1xf32>
    %mul3A_518 = vector.broadcast %squeeze3A_517 : f32 to vector<782x128xf32>
    %mul3A_519 = arith.mulf %mul3A_31, %mul3A_518 : vector<782x128xf32>
    %add3A_520 = arith.addf %mul3A_515, %mul3A_519 : vector<782x128xf32>
    %get3A_521 = arith.constant 0 : index
    %get3A_522 = arith.constant 18 : index
    %get3A_523 = vector.load %arg7[%get3A_521, %get3A_522] : memref<1x32xf32, #tpu.memory_space<vmem>>, vector<1x1xf32>
    %get3A_524 = vector.extract %get3A_523[0, 0] : f32 from vector<1x1xf32>
    %add3A_525 = vector.broadcast %get3A_524 : f32 to vector<782x128xf32>
    %add3A_526 = arith.addf %add3A_520, %add3A_525 : vector<782x128xf32>
    %max3A_527 = arith.constant 0.000000e+00 : f32
    %max3A_528 = vector.broadcast %max3A_527 : f32 to vector<782x128xf32>
    %max3A_529 = arith.maximumf %add3A_526, %max3A_528 : vector<782x128xf32>
    %get3A_530 = arith.constant 0 : index
    %get3A_531 = arith.constant 18 : index
    %get3A_532 = vector.load %arg8[%get3A_530, %get3A_531] : memref<1x32xf32, #tpu.memory_space<vmem>>, vector<1x1xf32>
    %get3A_533 = vector.extract %get3A_532[0, 0] : f32 from vector<1x1xf32>
    %mul3A_534 = vector.broadcast %get3A_533 : f32 to vector<782x128xf32>
    %mul3A_535 = arith.mulf %max3A_529, %mul3A_534 : vector<782x128xf32>
    %add3A_536 = arith.addf %add3A_511, %mul3A_535 : vector<782x128xf32>
    %slice3A_537 = vector.extract_strided_slice %broadcast_in_dim3A {offsets = [0, 19], sizes = [1, 1], strides = [1, 1]} : vector<1x32xf32> to vector<1x1xf32>
    %squeeze3A_538 = vector.extract %slice3A_537[0, 0] : f32 from vector<1x1xf32>
    %mul3A_539 = vector.broadcast %squeeze3A_538 : f32 to vector<782x128xf32>
    %mul3A_540 = arith.mulf %mul3A, %mul3A_539 : vector<782x128xf32>
    %slice3A_541 = vector.extract_strided_slice %broadcast_in_dim3A_55 {offsets = [0, 19], sizes = [1, 1], strides = [1, 1]} : vector<1x32xf32> to vector<1x1xf32>
    %squeeze3A_542 = vector.extract %slice3A_541[0, 0] : f32 from vector<1x1xf32>
    %mul3A_543 = vector.broadcast %squeeze3A_542 : f32 to vector<782x128xf32>
    %mul3A_544 = arith.mulf %mul3A_31, %mul3A_543 : vector<782x128xf32>
    %add3A_545 = arith.addf %mul3A_540, %mul3A_544 : vector<782x128xf32>
    %get3A_546 = arith.constant 0 : index
    %get3A_547 = arith.constant 19 : index
    %get3A_548 = vector.load %arg7[%get3A_546, %get3A_547] : memref<1x32xf32, #tpu.memory_space<vmem>>, vector<1x1xf32>
    %get3A_549 = vector.extract %get3A_548[0, 0] : f32 from vector<1x1xf32>
    %add3A_550 = vector.broadcast %get3A_549 : f32 to vector<782x128xf32>
    %add3A_551 = arith.addf %add3A_545, %add3A_550 : vector<782x128xf32>
    %max3A_552 = arith.constant 0.000000e+00 : f32
    %max3A_553 = vector.broadcast %max3A_552 : f32 to vector<782x128xf32>
    %max3A_554 = arith.maximumf %add3A_551, %max3A_553 : vector<782x128xf32>
    %get3A_555 = arith.constant 0 : index
    %get3A_556 = arith.constant 19 : index
    %get3A_557 = vector.load %arg8[%get3A_555, %get3A_556] : memref<1x32xf32, #tpu.memory_space<vmem>>, vector<1x1xf32>
    %get3A_558 = vector.extract %get3A_557[0, 0] : f32 from vector<1x1xf32>
    %mul3A_559 = vector.broadcast %get3A_558 : f32 to vector<782x128xf32>
    %mul3A_560 = arith.mulf %max3A_554, %mul3A_559 : vector<782x128xf32>
    %add3A_561 = arith.addf %add3A_536, %mul3A_560 : vector<782x128xf32>
    %slice3A_562 = vector.extract_strided_slice %broadcast_in_dim3A {offsets = [0, 20], sizes = [1, 1], strides = [1, 1]} : vector<1x32xf32> to vector<1x1xf32>
    %squeeze3A_563 = vector.extract %slice3A_562[0, 0] : f32 from vector<1x1xf32>
    %mul3A_564 = vector.broadcast %squeeze3A_563 : f32 to vector<782x128xf32>
    %mul3A_565 = arith.mulf %mul3A, %mul3A_564 : vector<782x128xf32>
    %slice3A_566 = vector.extract_strided_slice %broadcast_in_dim3A_55 {offsets = [0, 20], sizes = [1, 1], strides = [1, 1]} : vector<1x32xf32> to vector<1x1xf32>
    %squeeze3A_567 = vector.extract %slice3A_566[0, 0] : f32 from vector<1x1xf32>
    %mul3A_568 = vector.broadcast %squeeze3A_567 : f32 to vector<782x128xf32>
    %mul3A_569 = arith.mulf %mul3A_31, %mul3A_568 : vector<782x128xf32>
    %add3A_570 = arith.addf %mul3A_565, %mul3A_569 : vector<782x128xf32>
    %get3A_571 = arith.constant 0 : index
    %get3A_572 = arith.constant 20 : index
    %get3A_573 = vector.load %arg7[%get3A_571, %get3A_572] : memref<1x32xf32, #tpu.memory_space<vmem>>, vector<1x1xf32>
    %get3A_574 = vector.extract %get3A_573[0, 0] : f32 from vector<1x1xf32>
    %add3A_575 = vector.broadcast %get3A_574 : f32 to vector<782x128xf32>
    %add3A_576 = arith.addf %add3A_570, %add3A_575 : vector<782x128xf32>
    %max3A_577 = arith.constant 0.000000e+00 : f32
    %max3A_578 = vector.broadcast %max3A_577 : f32 to vector<782x128xf32>
    %max3A_579 = arith.maximumf %add3A_576, %max3A_578 : vector<782x128xf32>
    %get3A_580 = arith.constant 0 : index
    %get3A_581 = arith.constant 20 : index
    %get3A_582 = vector.load %arg8[%get3A_580, %get3A_581] : memref<1x32xf32, #tpu.memory_space<vmem>>, vector<1x1xf32>
    %get3A_583 = vector.extract %get3A_582[0, 0] : f32 from vector<1x1xf32>
    %mul3A_584 = vector.broadcast %get3A_583 : f32 to vector<782x128xf32>
    %mul3A_585 = arith.mulf %max3A_579, %mul3A_584 : vector<782x128xf32>
    %add3A_586 = arith.addf %add3A_561, %mul3A_585 : vector<782x128xf32>
    %slice3A_587 = vector.extract_strided_slice %broadcast_in_dim3A {offsets = [0, 21], sizes = [1, 1], strides = [1, 1]} : vector<1x32xf32> to vector<1x1xf32>
    %squeeze3A_588 = vector.extract %slice3A_587[0, 0] : f32 from vector<1x1xf32>
    %mul3A_589 = vector.broadcast %squeeze3A_588 : f32 to vector<782x128xf32>
    %mul3A_590 = arith.mulf %mul3A, %mul3A_589 : vector<782x128xf32>
    %slice3A_591 = vector.extract_strided_slice %broadcast_in_dim3A_55 {offsets = [0, 21], sizes = [1, 1], strides = [1, 1]} : vector<1x32xf32> to vector<1x1xf32>
    %squeeze3A_592 = vector.extract %slice3A_591[0, 0] : f32 from vector<1x1xf32>
    %mul3A_593 = vector.broadcast %squeeze3A_592 : f32 to vector<782x128xf32>
    %mul3A_594 = arith.mulf %mul3A_31, %mul3A_593 : vector<782x128xf32>
    %add3A_595 = arith.addf %mul3A_590, %mul3A_594 : vector<782x128xf32>
    %get3A_596 = arith.constant 0 : index
    %get3A_597 = arith.constant 21 : index
    %get3A_598 = vector.load %arg7[%get3A_596, %get3A_597] : memref<1x32xf32, #tpu.memory_space<vmem>>, vector<1x1xf32>
    %get3A_599 = vector.extract %get3A_598[0, 0] : f32 from vector<1x1xf32>
    %add3A_600 = vector.broadcast %get3A_599 : f32 to vector<782x128xf32>
    %add3A_601 = arith.addf %add3A_595, %add3A_600 : vector<782x128xf32>
    %max3A_602 = arith.constant 0.000000e+00 : f32
    %max3A_603 = vector.broadcast %max3A_602 : f32 to vector<782x128xf32>
    %max3A_604 = arith.maximumf %add3A_601, %max3A_603 : vector<782x128xf32>
    %get3A_605 = arith.constant 0 : index
    %get3A_606 = arith.constant 21 : index
    %get3A_607 = vector.load %arg8[%get3A_605, %get3A_606] : memref<1x32xf32, #tpu.memory_space<vmem>>, vector<1x1xf32>
    %get3A_608 = vector.extract %get3A_607[0, 0] : f32 from vector<1x1xf32>
    %mul3A_609 = vector.broadcast %get3A_608 : f32 to vector<782x128xf32>
    %mul3A_610 = arith.mulf %max3A_604, %mul3A_609 : vector<782x128xf32>
    %add3A_611 = arith.addf %add3A_586, %mul3A_610 : vector<782x128xf32>
    %slice3A_612 = vector.extract_strided_slice %broadcast_in_dim3A {offsets = [0, 22], sizes = [1, 1], strides = [1, 1]} : vector<1x32xf32> to vector<1x1xf32>
    %squeeze3A_613 = vector.extract %slice3A_612[0, 0] : f32 from vector<1x1xf32>
    %mul3A_614 = vector.broadcast %squeeze3A_613 : f32 to vector<782x128xf32>
    %mul3A_615 = arith.mulf %mul3A, %mul3A_614 : vector<782x128xf32>
    %slice3A_616 = vector.extract_strided_slice %broadcast_in_dim3A_55 {offsets = [0, 22], sizes = [1, 1], strides = [1, 1]} : vector<1x32xf32> to vector<1x1xf32>
    %squeeze3A_617 = vector.extract %slice3A_616[0, 0] : f32 from vector<1x1xf32>
    %mul3A_618 = vector.broadcast %squeeze3A_617 : f32 to vector<782x128xf32>
    %mul3A_619 = arith.mulf %mul3A_31, %mul3A_618 : vector<782x128xf32>
    %add3A_620 = arith.addf %mul3A_615, %mul3A_619 : vector<782x128xf32>
    %get3A_621 = arith.constant 0 : index
    %get3A_622 = arith.constant 22 : index
    %get3A_623 = vector.load %arg7[%get3A_621, %get3A_622] : memref<1x32xf32, #tpu.memory_space<vmem>>, vector<1x1xf32>
    %get3A_624 = vector.extract %get3A_623[0, 0] : f32 from vector<1x1xf32>
    %add3A_625 = vector.broadcast %get3A_624 : f32 to vector<782x128xf32>
    %add3A_626 = arith.addf %add3A_620, %add3A_625 : vector<782x128xf32>
    %max3A_627 = arith.constant 0.000000e+00 : f32
    %max3A_628 = vector.broadcast %max3A_627 : f32 to vector<782x128xf32>
    %max3A_629 = arith.maximumf %add3A_626, %max3A_628 : vector<782x128xf32>
    %get3A_630 = arith.constant 0 : index
    %get3A_631 = arith.constant 22 : index
    %get3A_632 = vector.load %arg8[%get3A_630, %get3A_631] : memref<1x32xf32, #tpu.memory_space<vmem>>, vector<1x1xf32>
    %get3A_633 = vector.extract %get3A_632[0, 0] : f32 from vector<1x1xf32>
    %mul3A_634 = vector.broadcast %get3A_633 : f32 to vector<782x128xf32>
    %mul3A_635 = arith.mulf %max3A_629, %mul3A_634 : vector<782x128xf32>
    %add3A_636 = arith.addf %add3A_611, %mul3A_635 : vector<782x128xf32>
    %slice3A_637 = vector.extract_strided_slice %broadcast_in_dim3A {offsets = [0, 23], sizes = [1, 1], strides = [1, 1]} : vector<1x32xf32> to vector<1x1xf32>
    %squeeze3A_638 = vector.extract %slice3A_637[0, 0] : f32 from vector<1x1xf32>
    %mul3A_639 = vector.broadcast %squeeze3A_638 : f32 to vector<782x128xf32>
    %mul3A_640 = arith.mulf %mul3A, %mul3A_639 : vector<782x128xf32>
    %slice3A_641 = vector.extract_strided_slice %broadcast_in_dim3A_55 {offsets = [0, 23], sizes = [1, 1], strides = [1, 1]} : vector<1x32xf32> to vector<1x1xf32>
    %squeeze3A_642 = vector.extract %slice3A_641[0, 0] : f32 from vector<1x1xf32>
    %mul3A_643 = vector.broadcast %squeeze3A_642 : f32 to vector<782x128xf32>
    %mul3A_644 = arith.mulf %mul3A_31, %mul3A_643 : vector<782x128xf32>
    %add3A_645 = arith.addf %mul3A_640, %mul3A_644 : vector<782x128xf32>
    %get3A_646 = arith.constant 0 : index
    %get3A_647 = arith.constant 23 : index
    %get3A_648 = vector.load %arg7[%get3A_646, %get3A_647] : memref<1x32xf32, #tpu.memory_space<vmem>>, vector<1x1xf32>
    %get3A_649 = vector.extract %get3A_648[0, 0] : f32 from vector<1x1xf32>
    %add3A_650 = vector.broadcast %get3A_649 : f32 to vector<782x128xf32>
    %add3A_651 = arith.addf %add3A_645, %add3A_650 : vector<782x128xf32>
    %max3A_652 = arith.constant 0.000000e+00 : f32
    %max3A_653 = vector.broadcast %max3A_652 : f32 to vector<782x128xf32>
    %max3A_654 = arith.maximumf %add3A_651, %max3A_653 : vector<782x128xf32>
    %get3A_655 = arith.constant 0 : index
    %get3A_656 = arith.constant 23 : index
    %get3A_657 = vector.load %arg8[%get3A_655, %get3A_656] : memref<1x32xf32, #tpu.memory_space<vmem>>, vector<1x1xf32>
    %get3A_658 = vector.extract %get3A_657[0, 0] : f32 from vector<1x1xf32>
    %mul3A_659 = vector.broadcast %get3A_658 : f32 to vector<782x128xf32>
    %mul3A_660 = arith.mulf %max3A_654, %mul3A_659 : vector<782x128xf32>
    %add3A_661 = arith.addf %add3A_636, %mul3A_660 : vector<782x128xf32>
    %slice3A_662 = vector.extract_strided_slice %broadcast_in_dim3A {offsets = [0, 24], sizes = [1, 1], strides = [1, 1]} : vector<1x32xf32> to vector<1x1xf32>
    %squeeze3A_663 = vector.extract %slice3A_662[0, 0] : f32 from vector<1x1xf32>
    %mul3A_664 = vector.broadcast %squeeze3A_663 : f32 to vector<782x128xf32>
    %mul3A_665 = arith.mulf %mul3A, %mul3A_664 : vector<782x128xf32>
    %slice3A_666 = vector.extract_strided_slice %broadcast_in_dim3A_55 {offsets = [0, 24], sizes = [1, 1], strides = [1, 1]} : vector<1x32xf32> to vector<1x1xf32>
    %squeeze3A_667 = vector.extract %slice3A_666[0, 0] : f32 from vector<1x1xf32>
    %mul3A_668 = vector.broadcast %squeeze3A_667 : f32 to vector<782x128xf32>
    %mul3A_669 = arith.mulf %mul3A_31, %mul3A_668 : vector<782x128xf32>
    %add3A_670 = arith.addf %mul3A_665, %mul3A_669 : vector<782x128xf32>
    %get3A_671 = arith.constant 0 : index
    %get3A_672 = arith.constant 24 : index
    %get3A_673 = vector.load %arg7[%get3A_671, %get3A_672] : memref<1x32xf32, #tpu.memory_space<vmem>>, vector<1x1xf32>
    %get3A_674 = vector.extract %get3A_673[0, 0] : f32 from vector<1x1xf32>
    %add3A_675 = vector.broadcast %get3A_674 : f32 to vector<782x128xf32>
    %add3A_676 = arith.addf %add3A_670, %add3A_675 : vector<782x128xf32>
    %max3A_677 = arith.constant 0.000000e+00 : f32
    %max3A_678 = vector.broadcast %max3A_677 : f32 to vector<782x128xf32>
    %max3A_679 = arith.maximumf %add3A_676, %max3A_678 : vector<782x128xf32>
    %get3A_680 = arith.constant 0 : index
    %get3A_681 = arith.constant 24 : index
    %get3A_682 = vector.load %arg8[%get3A_680, %get3A_681] : memref<1x32xf32, #tpu.memory_space<vmem>>, vector<1x1xf32>
    %get3A_683 = vector.extract %get3A_682[0, 0] : f32 from vector<1x1xf32>
    %mul3A_684 = vector.broadcast %get3A_683 : f32 to vector<782x128xf32>
    %mul3A_685 = arith.mulf %max3A_679, %mul3A_684 : vector<782x128xf32>
    %add3A_686 = arith.addf %add3A_661, %mul3A_685 : vector<782x128xf32>
    %slice3A_687 = vector.extract_strided_slice %broadcast_in_dim3A {offsets = [0, 25], sizes = [1, 1], strides = [1, 1]} : vector<1x32xf32> to vector<1x1xf32>
    %squeeze3A_688 = vector.extract %slice3A_687[0, 0] : f32 from vector<1x1xf32>
    %mul3A_689 = vector.broadcast %squeeze3A_688 : f32 to vector<782x128xf32>
    %mul3A_690 = arith.mulf %mul3A, %mul3A_689 : vector<782x128xf32>
    %slice3A_691 = vector.extract_strided_slice %broadcast_in_dim3A_55 {offsets = [0, 25], sizes = [1, 1], strides = [1, 1]} : vector<1x32xf32> to vector<1x1xf32>
    %squeeze3A_692 = vector.extract %slice3A_691[0, 0] : f32 from vector<1x1xf32>
    %mul3A_693 = vector.broadcast %squeeze3A_692 : f32 to vector<782x128xf32>
    %mul3A_694 = arith.mulf %mul3A_31, %mul3A_693 : vector<782x128xf32>
    %add3A_695 = arith.addf %mul3A_690, %mul3A_694 : vector<782x128xf32>
    %get3A_696 = arith.constant 0 : index
    %get3A_697 = arith.constant 25 : index
    %get3A_698 = vector.load %arg7[%get3A_696, %get3A_697] : memref<1x32xf32, #tpu.memory_space<vmem>>, vector<1x1xf32>
    %get3A_699 = vector.extract %get3A_698[0, 0] : f32 from vector<1x1xf32>
    %add3A_700 = vector.broadcast %get3A_699 : f32 to vector<782x128xf32>
    %add3A_701 = arith.addf %add3A_695, %add3A_700 : vector<782x128xf32>
    %max3A_702 = arith.constant 0.000000e+00 : f32
    %max3A_703 = vector.broadcast %max3A_702 : f32 to vector<782x128xf32>
    %max3A_704 = arith.maximumf %add3A_701, %max3A_703 : vector<782x128xf32>
    %get3A_705 = arith.constant 0 : index
    %get3A_706 = arith.constant 25 : index
    %get3A_707 = vector.load %arg8[%get3A_705, %get3A_706] : memref<1x32xf32, #tpu.memory_space<vmem>>, vector<1x1xf32>
    %get3A_708 = vector.extract %get3A_707[0, 0] : f32 from vector<1x1xf32>
    %mul3A_709 = vector.broadcast %get3A_708 : f32 to vector<782x128xf32>
    %mul3A_710 = arith.mulf %max3A_704, %mul3A_709 : vector<782x128xf32>
    %add3A_711 = arith.addf %add3A_686, %mul3A_710 : vector<782x128xf32>
    %slice3A_712 = vector.extract_strided_slice %broadcast_in_dim3A {offsets = [0, 26], sizes = [1, 1], strides = [1, 1]} : vector<1x32xf32> to vector<1x1xf32>
    %squeeze3A_713 = vector.extract %slice3A_712[0, 0] : f32 from vector<1x1xf32>
    %mul3A_714 = vector.broadcast %squeeze3A_713 : f32 to vector<782x128xf32>
    %mul3A_715 = arith.mulf %mul3A, %mul3A_714 : vector<782x128xf32>
    %slice3A_716 = vector.extract_strided_slice %broadcast_in_dim3A_55 {offsets = [0, 26], sizes = [1, 1], strides = [1, 1]} : vector<1x32xf32> to vector<1x1xf32>
    %squeeze3A_717 = vector.extract %slice3A_716[0, 0] : f32 from vector<1x1xf32>
    %mul3A_718 = vector.broadcast %squeeze3A_717 : f32 to vector<782x128xf32>
    %mul3A_719 = arith.mulf %mul3A_31, %mul3A_718 : vector<782x128xf32>
    %add3A_720 = arith.addf %mul3A_715, %mul3A_719 : vector<782x128xf32>
    %get3A_721 = arith.constant 0 : index
    %get3A_722 = arith.constant 26 : index
    %get3A_723 = vector.load %arg7[%get3A_721, %get3A_722] : memref<1x32xf32, #tpu.memory_space<vmem>>, vector<1x1xf32>
    %get3A_724 = vector.extract %get3A_723[0, 0] : f32 from vector<1x1xf32>
    %add3A_725 = vector.broadcast %get3A_724 : f32 to vector<782x128xf32>
    %add3A_726 = arith.addf %add3A_720, %add3A_725 : vector<782x128xf32>
    %max3A_727 = arith.constant 0.000000e+00 : f32
    %max3A_728 = vector.broadcast %max3A_727 : f32 to vector<782x128xf32>
    %max3A_729 = arith.maximumf %add3A_726, %max3A_728 : vector<782x128xf32>
    %get3A_730 = arith.constant 0 : index
    %get3A_731 = arith.constant 26 : index
    %get3A_732 = vector.load %arg8[%get3A_730, %get3A_731] : memref<1x32xf32, #tpu.memory_space<vmem>>, vector<1x1xf32>
    %get3A_733 = vector.extract %get3A_732[0, 0] : f32 from vector<1x1xf32>
    %mul3A_734 = vector.broadcast %get3A_733 : f32 to vector<782x128xf32>
    %mul3A_735 = arith.mulf %max3A_729, %mul3A_734 : vector<782x128xf32>
    %add3A_736 = arith.addf %add3A_711, %mul3A_735 : vector<782x128xf32>
    %slice3A_737 = vector.extract_strided_slice %broadcast_in_dim3A {offsets = [0, 27], sizes = [1, 1], strides = [1, 1]} : vector<1x32xf32> to vector<1x1xf32>
    %squeeze3A_738 = vector.extract %slice3A_737[0, 0] : f32 from vector<1x1xf32>
    %mul3A_739 = vector.broadcast %squeeze3A_738 : f32 to vector<782x128xf32>
    %mul3A_740 = arith.mulf %mul3A, %mul3A_739 : vector<782x128xf32>
    %slice3A_741 = vector.extract_strided_slice %broadcast_in_dim3A_55 {offsets = [0, 27], sizes = [1, 1], strides = [1, 1]} : vector<1x32xf32> to vector<1x1xf32>
    %squeeze3A_742 = vector.extract %slice3A_741[0, 0] : f32 from vector<1x1xf32>
    %mul3A_743 = vector.broadcast %squeeze3A_742 : f32 to vector<782x128xf32>
    %mul3A_744 = arith.mulf %mul3A_31, %mul3A_743 : vector<782x128xf32>
    %add3A_745 = arith.addf %mul3A_740, %mul3A_744 : vector<782x128xf32>
    %get3A_746 = arith.constant 0 : index
    %get3A_747 = arith.constant 27 : index
    %get3A_748 = vector.load %arg7[%get3A_746, %get3A_747] : memref<1x32xf32, #tpu.memory_space<vmem>>, vector<1x1xf32>
    %get3A_749 = vector.extract %get3A_748[0, 0] : f32 from vector<1x1xf32>
    %add3A_750 = vector.broadcast %get3A_749 : f32 to vector<782x128xf32>
    %add3A_751 = arith.addf %add3A_745, %add3A_750 : vector<782x128xf32>
    %max3A_752 = arith.constant 0.000000e+00 : f32
    %max3A_753 = vector.broadcast %max3A_752 : f32 to vector<782x128xf32>
    %max3A_754 = arith.maximumf %add3A_751, %max3A_753 : vector<782x128xf32>
    %get3A_755 = arith.constant 0 : index
    %get3A_756 = arith.constant 27 : index
    %get3A_757 = vector.load %arg8[%get3A_755, %get3A_756] : memref<1x32xf32, #tpu.memory_space<vmem>>, vector<1x1xf32>
    %get3A_758 = vector.extract %get3A_757[0, 0] : f32 from vector<1x1xf32>
    %mul3A_759 = vector.broadcast %get3A_758 : f32 to vector<782x128xf32>
    %mul3A_760 = arith.mulf %max3A_754, %mul3A_759 : vector<782x128xf32>
    %add3A_761 = arith.addf %add3A_736, %mul3A_760 : vector<782x128xf32>
    %slice3A_762 = vector.extract_strided_slice %broadcast_in_dim3A {offsets = [0, 28], sizes = [1, 1], strides = [1, 1]} : vector<1x32xf32> to vector<1x1xf32>
    %squeeze3A_763 = vector.extract %slice3A_762[0, 0] : f32 from vector<1x1xf32>
    %mul3A_764 = vector.broadcast %squeeze3A_763 : f32 to vector<782x128xf32>
    %mul3A_765 = arith.mulf %mul3A, %mul3A_764 : vector<782x128xf32>
    %slice3A_766 = vector.extract_strided_slice %broadcast_in_dim3A_55 {offsets = [0, 28], sizes = [1, 1], strides = [1, 1]} : vector<1x32xf32> to vector<1x1xf32>
    %squeeze3A_767 = vector.extract %slice3A_766[0, 0] : f32 from vector<1x1xf32>
    %mul3A_768 = vector.broadcast %squeeze3A_767 : f32 to vector<782x128xf32>
    %mul3A_769 = arith.mulf %mul3A_31, %mul3A_768 : vector<782x128xf32>
    %add3A_770 = arith.addf %mul3A_765, %mul3A_769 : vector<782x128xf32>
    %get3A_771 = arith.constant 0 : index
    %get3A_772 = arith.constant 28 : index
    %get3A_773 = vector.load %arg7[%get3A_771, %get3A_772] : memref<1x32xf32, #tpu.memory_space<vmem>>, vector<1x1xf32>
    %get3A_774 = vector.extract %get3A_773[0, 0] : f32 from vector<1x1xf32>
    %add3A_775 = vector.broadcast %get3A_774 : f32 to vector<782x128xf32>
    %add3A_776 = arith.addf %add3A_770, %add3A_775 : vector<782x128xf32>
    %max3A_777 = arith.constant 0.000000e+00 : f32
    %max3A_778 = vector.broadcast %max3A_777 : f32 to vector<782x128xf32>
    %max3A_779 = arith.maximumf %add3A_776, %max3A_778 : vector<782x128xf32>
    %get3A_780 = arith.constant 0 : index
    %get3A_781 = arith.constant 28 : index
    %get3A_782 = vector.load %arg8[%get3A_780, %get3A_781] : memref<1x32xf32, #tpu.memory_space<vmem>>, vector<1x1xf32>
    %get3A_783 = vector.extract %get3A_782[0, 0] : f32 from vector<1x1xf32>
    %mul3A_784 = vector.broadcast %get3A_783 : f32 to vector<782x128xf32>
    %mul3A_785 = arith.mulf %max3A_779, %mul3A_784 : vector<782x128xf32>
    %add3A_786 = arith.addf %add3A_761, %mul3A_785 : vector<782x128xf32>
    %slice3A_787 = vector.extract_strided_slice %broadcast_in_dim3A {offsets = [0, 29], sizes = [1, 1], strides = [1, 1]} : vector<1x32xf32> to vector<1x1xf32>
    %squeeze3A_788 = vector.extract %slice3A_787[0, 0] : f32 from vector<1x1xf32>
    %mul3A_789 = vector.broadcast %squeeze3A_788 : f32 to vector<782x128xf32>
    %mul3A_790 = arith.mulf %mul3A, %mul3A_789 : vector<782x128xf32>
    %slice3A_791 = vector.extract_strided_slice %broadcast_in_dim3A_55 {offsets = [0, 29], sizes = [1, 1], strides = [1, 1]} : vector<1x32xf32> to vector<1x1xf32>
    %squeeze3A_792 = vector.extract %slice3A_791[0, 0] : f32 from vector<1x1xf32>
    %mul3A_793 = vector.broadcast %squeeze3A_792 : f32 to vector<782x128xf32>
    %mul3A_794 = arith.mulf %mul3A_31, %mul3A_793 : vector<782x128xf32>
    %add3A_795 = arith.addf %mul3A_790, %mul3A_794 : vector<782x128xf32>
    %get3A_796 = arith.constant 0 : index
    %get3A_797 = arith.constant 29 : index
    %get3A_798 = vector.load %arg7[%get3A_796, %get3A_797] : memref<1x32xf32, #tpu.memory_space<vmem>>, vector<1x1xf32>
    %get3A_799 = vector.extract %get3A_798[0, 0] : f32 from vector<1x1xf32>
    %add3A_800 = vector.broadcast %get3A_799 : f32 to vector<782x128xf32>
    %add3A_801 = arith.addf %add3A_795, %add3A_800 : vector<782x128xf32>
    %max3A_802 = arith.constant 0.000000e+00 : f32
    %max3A_803 = vector.broadcast %max3A_802 : f32 to vector<782x128xf32>
    %max3A_804 = arith.maximumf %add3A_801, %max3A_803 : vector<782x128xf32>
    %get3A_805 = arith.constant 0 : index
    %get3A_806 = arith.constant 29 : index
    %get3A_807 = vector.load %arg8[%get3A_805, %get3A_806] : memref<1x32xf32, #tpu.memory_space<vmem>>, vector<1x1xf32>
    %get3A_808 = vector.extract %get3A_807[0, 0] : f32 from vector<1x1xf32>
    %mul3A_809 = vector.broadcast %get3A_808 : f32 to vector<782x128xf32>
    %mul3A_810 = arith.mulf %max3A_804, %mul3A_809 : vector<782x128xf32>
    %add3A_811 = arith.addf %add3A_786, %mul3A_810 : vector<782x128xf32>
    %slice3A_812 = vector.extract_strided_slice %broadcast_in_dim3A {offsets = [0, 30], sizes = [1, 1], strides = [1, 1]} : vector<1x32xf32> to vector<1x1xf32>
    %squeeze3A_813 = vector.extract %slice3A_812[0, 0] : f32 from vector<1x1xf32>
    %mul3A_814 = vector.broadcast %squeeze3A_813 : f32 to vector<782x128xf32>
    %mul3A_815 = arith.mulf %mul3A, %mul3A_814 : vector<782x128xf32>
    %slice3A_816 = vector.extract_strided_slice %broadcast_in_dim3A_55 {offsets = [0, 30], sizes = [1, 1], strides = [1, 1]} : vector<1x32xf32> to vector<1x1xf32>
    %squeeze3A_817 = vector.extract %slice3A_816[0, 0] : f32 from vector<1x1xf32>
    %mul3A_818 = vector.broadcast %squeeze3A_817 : f32 to vector<782x128xf32>
    %mul3A_819 = arith.mulf %mul3A_31, %mul3A_818 : vector<782x128xf32>
    %add3A_820 = arith.addf %mul3A_815, %mul3A_819 : vector<782x128xf32>
    %get3A_821 = arith.constant 0 : index
    %get3A_822 = arith.constant 30 : index
    %get3A_823 = vector.load %arg7[%get3A_821, %get3A_822] : memref<1x32xf32, #tpu.memory_space<vmem>>, vector<1x1xf32>
    %get3A_824 = vector.extract %get3A_823[0, 0] : f32 from vector<1x1xf32>
    %add3A_825 = vector.broadcast %get3A_824 : f32 to vector<782x128xf32>
    %add3A_826 = arith.addf %add3A_820, %add3A_825 : vector<782x128xf32>
    %max3A_827 = arith.constant 0.000000e+00 : f32
    %max3A_828 = vector.broadcast %max3A_827 : f32 to vector<782x128xf32>
    %max3A_829 = arith.maximumf %add3A_826, %max3A_828 : vector<782x128xf32>
    %get3A_830 = arith.constant 0 : index
    %get3A_831 = arith.constant 30 : index
    %get3A_832 = vector.load %arg8[%get3A_830, %get3A_831] : memref<1x32xf32, #tpu.memory_space<vmem>>, vector<1x1xf32>
    %get3A_833 = vector.extract %get3A_832[0, 0] : f32 from vector<1x1xf32>
    %mul3A_834 = vector.broadcast %get3A_833 : f32 to vector<782x128xf32>
    %mul3A_835 = arith.mulf %max3A_829, %mul3A_834 : vector<782x128xf32>
    %add3A_836 = arith.addf %add3A_811, %mul3A_835 : vector<782x128xf32>
    %slice3A_837 = vector.extract_strided_slice %broadcast_in_dim3A {offsets = [0, 31], sizes = [1, 1], strides = [1, 1]} : vector<1x32xf32> to vector<1x1xf32>
    %squeeze3A_838 = vector.extract %slice3A_837[0, 0] : f32 from vector<1x1xf32>
    %mul3A_839 = vector.broadcast %squeeze3A_838 : f32 to vector<782x128xf32>
    %mul3A_840 = arith.mulf %mul3A, %mul3A_839 : vector<782x128xf32>
    %slice3A_841 = vector.extract_strided_slice %broadcast_in_dim3A_55 {offsets = [0, 31], sizes = [1, 1], strides = [1, 1]} : vector<1x32xf32> to vector<1x1xf32>
    %squeeze3A_842 = vector.extract %slice3A_841[0, 0] : f32 from vector<1x1xf32>
    %mul3A_843 = vector.broadcast %squeeze3A_842 : f32 to vector<782x128xf32>
    %mul3A_844 = arith.mulf %mul3A_31, %mul3A_843 : vector<782x128xf32>
    %add3A_845 = arith.addf %mul3A_840, %mul3A_844 : vector<782x128xf32>
    %get3A_846 = arith.constant 0 : index
    %get3A_847 = arith.constant 31 : index
    %get3A_848 = vector.load %arg7[%get3A_846, %get3A_847] : memref<1x32xf32, #tpu.memory_space<vmem>>, vector<1x1xf32>
    %get3A_849 = vector.extract %get3A_848[0, 0] : f32 from vector<1x1xf32>
    %add3A_850 = vector.broadcast %get3A_849 : f32 to vector<782x128xf32>
    %add3A_851 = arith.addf %add3A_845, %add3A_850 : vector<782x128xf32>
    %max3A_852 = arith.constant 0.000000e+00 : f32
    %max3A_853 = vector.broadcast %max3A_852 : f32 to vector<782x128xf32>
    %max3A_854 = arith.maximumf %add3A_851, %max3A_853 : vector<782x128xf32>
    %get3A_855 = arith.constant 0 : index
    %get3A_856 = arith.constant 31 : index
    %get3A_857 = vector.load %arg8[%get3A_855, %get3A_856] : memref<1x32xf32, #tpu.memory_space<vmem>>, vector<1x1xf32>
    %get3A_858 = vector.extract %get3A_857[0, 0] : f32 from vector<1x1xf32>
    %mul3A_859 = vector.broadcast %get3A_858 : f32 to vector<782x128xf32>
    %mul3A_860 = arith.mulf %max3A_854, %mul3A_859 : vector<782x128xf32>
    %add3A_861 = arith.addf %add3A_836, %mul3A_860 : vector<782x128xf32>
    %swap3A = arith.constant 0 : index
    %swap3A_862 = arith.constant 0 : index
    %swap3A_863 = vector.load %arg10[%swap3A, %swap3A_862] : memref<782x128xf32, #tpu.memory_space<vmem>>, vector<782x128xf32>
    tpu.vector_store %arg10[%swap3A, %swap3A_862], %add3A_861 {strides = array<i32>} : memref<782x128xf32, #tpu.memory_space<vmem>>, vector<782x128xf32>,
    return
  }
}

</mosaic_0001>

<sc_bundles>
// kernel: kernel.11.cloned.1.call-start
scs
__scs_entry_jumppad:
0x0: {  	(pc) =	sbr.rel $0x88, $3  }
0x1: {  	(tag) =	ssettag $0x0;
	lr =	simm.s32 $0x1  }
0x2: {  	[smem:$0x3F9A] =	sst lr;
	_ =	strace $0xD0000000  }
0x3: {  	_ = 	snop  }
0x4: {  	_ = 	snop  }
0x5: {  	_ = 	snop  }
0x6: {  	_ = 	snop  }
0x7: {  	_ = 	snop  }
__scs_overlays_trampoline_lowered:
0x8: {  	[smem:$0x3FA9] =	sst s0  }
0x9: {  	[smem:$0x3FAA] =	sst s1  }
0xa: {  	[smem:$0x3FAB] =	sst s2  }
0xb: {  	[smem:$0x3FAC] =	sst s3  }
0xc: {  	[smem:$0x3FAD] =	sst s4  }
0xd: {  	[smem:$0x3FAE] =	sst s5  }
0xe: {  	[smem:$0x3FAF] =	sst s6  }
0xf: {  	[smem:$0x3FB0] =	sst s7  }
0x10: {  	[smem:$0x3FB1] =	sst s8  }
0x11: {  	[smem:$0x3FB2] =	sst s9;
	s0 =	simm.s32 @!p0 $0x0  }
0x12: {  	s1 =	sld [smem:$0x3F98];
	s0 =	simm.s32 @p0 $0x1  }
0x13: {  	[smem:$0x3FB3] =	sst s0;
	s0 =	simm.s32 @!p1 $0x0  }
0x14: {  	s2 =	sld [smem:$0x3F97];
	s0 =	simm.s32 @p1 $0x1  }
0x15: {  	[smem:$0x3FB4] =	sst s0;
	s0 =	simm.s32 @!p2 $0x0  }
0x16: {  	s3 =	sld [smem:$0x3FDB];
	s0 =	simm.s32 @p2 $0x1  }
0x17: {  	s4 =	simm.s32 $0x1BF5;
	[smem:$0x3FB6] =	sst s0  }
0x18: {  	s0 =	sld [smem:$0x3F99];
	_ =	swait.ge [sflag:s4], $0x0  }
0x19: {  	s7 =	sld [smem:$0x3F9A]  }
0x1a: {  	s8 =	sadd.s32 $0xFFFFE003, lr  }
0x1b: {  	s9 =	sadd.s32 $0xFFFFFEF7, lr;
	s5 =	simm.s32 $0xFFFFFFFF;
	p2 =	slt.u32 s8, $0xFFFFF086  }
0x1c: {  	p1 =	slt.u32 s9, $0xF7A;
	s5 =	simm.s32 @!p2 $0x0  }
0x1d: {  	s5 =	simm.s32 @p1 $0x1;
	p0 =	seq.s32 s7, s2  }
0x1e: {  	s7 =	smul.u32 @!p0 $0xF7A, s2;
	p2 =	seq.s32 @!p0 s5, $0x0  }
0x1f: {  	s9 =	smul.u32 $0xF7A, s1;
	s8 =	simm.s32 @!p0 $0x1BF5;
	p2 =	por !p2, p0  }
0x20: {  	[sflag:s8] =	ssyncset.s32 @!p0 $0xFFFFF086;
	s6 =	sadd.s32 @!p0 s3, s7;
	s7 =	simm.s32 @!p0 $0x108  }
0x21: {  	s3 =	sadd.s32 s3, s9;
	s6 =	sadd.s32 @!p0 $0x88, s6;
	s7 =	simm.s32 @p2 $0x1082  }
0x22: {  	[simem:s7], [sflag:s8] =	dma.local @!p0 [hbm:s6], $0xF7A  }
0x23: {  	s9 =	sor.u32 $0xD0000000, s2;
	s6 =	simm.s32 $0x108;
	_ =	swait.ge @!p0 [sflag:s8], $0x0  }
0x24: {  	s3 =	sadd.s32 $0x88, s3;
	s6 =	simm.s32 @!p1 $0x1082;
	[sflag:s4] =	ssyncset.s32 $0xFFFFF086  }
0x25: {  	[simem:s6], [sflag:s4] =	dma.local [hbm:s3], $0xF7A  }
0x26: {  	[smem:$0x3F9A] =	sst s1;
	(tag) =	ssettag s2;
	_ =	strace s9  }
0x27: {  	s1 =	sld [smem:$0x3FAA]  }
0x28: {  	s2 =	sld [smem:$0x3FAB]  }
0x29: {  	s4 =	sld [smem:$0x3FAD]  }
0x2a: {  	p0 =	seq.s32 s5, $0x0;
	s5 =	sld [smem:$0x3FAE]  }
0x2b: {  	s6 =	sld [smem:$0x3FAF]  }
0x2c: {  	s7 =	sld [smem:$0x3FB0]  }
0x2d: {  	s3 =	simm.s32 $0x108;
	s8 =	sld [smem:$0x3FB1]  }
0x2e: {  	s3 =	simm.s32 @!p0 $0x1082;
	s9 =	sld [smem:$0x3FB2]  }
0x2f: {  	lr =	sadd.s32 s0, s3;
	s0 =	sld [smem:$0x3FA9]  }
0x30: {  	s3 =	sld [smem:$0x3FAC]  }
0x31: {  	[smem:$0x3FB5] =	sst s10  }
0x32: {  	s10 =	sld [smem:$0x3FB3];
	_ =	sdelay $0x3  }
0x33: {  	p0 =	seq.s32 s10, $0x1;
	s10 =	sld [smem:$0x3FB5];
	_ =	sdelay $0x3  }
0x34: {  	[smem:$0x3FB5] =	sst s10  }
0x35: {  	s10 =	sld [smem:$0x3FB4];
	_ =	sdelay $0x3  }
0x36: {  	p1 =	seq.s32 s10, $0x1;
	s10 =	sld [smem:$0x3FB5];
	_ =	sdelay $0x3  }
0x37: {  	[smem:$0x3FB5] =	sst s10  }
0x38: {  	s10 =	sld [smem:$0x3FB6]  }
0x39: {  	_ = 	snop;
	(pc) =	sbr.ind lr, $3  }
0x3a: {  	_ = 	snop  }
0x3b: {  	_ = 	snop  }
0x3c: {  	p2 =	seq.s32 s10, $0x1;
	s10 =	sld [smem:$0x3FB5]  }
0x3d: {  	_ =	shalt  }
0x3e: {  	_ =	shalt  }
0x3f: {  	_ =	shalt  }
0x40: {  	_ =	shalt  }
0x41: {  	_ =	shalt  }
0x42: {  	_ =	shalt  }
0x43: {  	_ =	shalt  }
0x44: {  	_ =	shalt  }
0x45: {  	_ =	shalt  }
0x46: {  	_ =	shalt  }
0x47: {  	_ =	shalt  }
0x48: {  	_ =	shalt  }
0x49: {  	_ =	shalt  }
0x4a: {  	_ =	shalt  }
0x4b: {  	_ =	shalt  }
0x4c: {  	_ =	shalt  }
0x4d: {  	_ =	shalt  }
0x4e: {  	_ =	shalt  }
0x4f: {  	_ =	shalt  }
0x50: {  	_ =	shalt  }
0x51: {  	_ =	shalt  }
0x52: {  	_ =	shalt  }
0x53: {  	_ =	shalt  }
0x54: {  	_ =	shalt  }
0x55: {  	_ =	shalt  }
0x56: {  	_ =	shalt  }
0x57: {  	_ =	shalt  }
0x58: {  	_ =	shalt  }
0x59: {  	_ =	shalt  }
0x5a: {  	_ =	shalt  }
0x5b: {  	_ =	shalt  }
0x5c: {  	_ =	shalt  }
0x5d: {  	_ =	shalt  }
0x5e: {  	_ =	shalt  }
0x5f: {  	_ =	shalt  }
0x60: {  	_ =	shalt  }
0x61: {  	_ =	shalt  }
0x62: {  	_ =	shalt  }
0x63: {  	_ =	shalt  }
0x64: {  	_ =	shalt  }
0x65: {  	_ =	shalt  }
0x66: {  	_ =	shalt  }
0x67: {  	_ =	shalt  }
0x68: {  	_ =	shalt  }
0x69: {  	_ =	shalt  }
0x6a: {  	_ =	shalt  }
0x6b: {  	_ =	shalt  }
0x6c: {  	_ =	shalt  }
0x6d: {  	_ =	shalt  }
0x6e: {  	_ =	shalt  }
0x6f: {  	_ =	shalt  }
0x70: {  	_ =	shalt  }
0x71: {  	_ =	shalt  }
0x72: {  	_ =	shalt  }
0x73: {  	_ =	shalt  }
0x74: {  	_ =	shalt  }
0x75: {  	_ =	shalt  }
0x76: {  	_ =	shalt  }
0x77: {  	_ =	shalt  }
0x78: {  	_ =	shalt  }
0x79: {  	_ =	shalt  }
0x7a: {  	_ =	shalt  }
0x7b: {  	_ =	shalt  }
0x7c: {  	_ =	shalt  }
0x7d: {  	_ =	shalt  }
0x7e: {  	_ =	shalt  }
0x7f: {  	_ =	shalt  }
0x80: {  	_ =	shalt  }
0x81: {  	_ =	shalt  }
0x82: {  	_ =	shalt  }
0x83: {  	_ =	shalt  }
0x84: {  	_ =	shalt  }
0x85: {  	_ =	shalt  }
0x86: {  	_ =	shalt  }
0x87: {  	_ =	shalt  }
.Lfunc_end0:
.L_simem_size_0:
called_computation.1_lowered:
.L_overlay_start_0:
0x88: {  	s2 =	sld [smem:$0x3FD9]  }
0x89: {  	s3 =	sld [smem:$0x3FFE];
	_ =	sdelay $0x1  }
0x8a: {  	s1 =	srdreg.scid  }
0x8b: {  	s0 =	sand.u32 $0x1, s1  }
0x8c: {  	s17 =	sshll.u32 s0, $0xA;
	s2 =	sadd.s32 s3, s2  }
0x8d: {  	s2 =	sadd.s32 s2, s17  }
0x8e: {  	[smem:$0x3FC1] =	sst s2  }
0x8f: {  	_ = 	snop  }
0x90: {  	s2 =	sld [smem:$0x3FD0];
	(tm) =	ssettm $0x1  }
0x91: {  	s18 =	sld [smem:$0x3FFB];
	_ =	sdelay $0x3  }
0x92: {  	_ =	strace s18  }
0x93: {  	s3 =	sld [smem:$0x3FFC];
	_ =	sdelay $0x3  }
0x94: {  	_ =	strace s3  }
0x95: {  	s3 =	sld [smem:$0x3FFD];
	_ =	sdelay $0x3  }
0x96: {  	_ =	strace s3  }
0x97: {  	_ =	strace $0x8FFFFFFF  }
0x98: {  	s19 =	sld [smem:$0x3FDB];
	_ =	sdelay $0x1  }
0x99: {  	s4 =	simm.s32 $_scs_section_size  }
0x9a: {  	s5 =	simm.s32 $_size__tile_overlayer_lowered;
	s6 =	simm.s32 $_tile_overlayer_lowered  }
0x9b: {  	s22 =	simm.s32 $0x1BFF;
	s21 =	sshll.u32 s6, $0x1;
	s3 =	sadd.s32 s4, s19  }
0x9c: {  	s7 =	simm.s32 $0x0;
	s20 =	sshll.u32 s5, $0x1;
	s5 =	sadd.s32 s21, s3  }
0x9d: {  	[timem:s7], [sflag:s22] =	dma.local [hbm:s5], s20  }
0x9e: {  	_ =	swait.ge [sflag:s22], s20  }
0x9f: {  	s4 =	ssub.s32 $0x0, s20;
	[sflag:s22] =	ssyncset.done $0x0  }
0xa0: {  	[sflag:s22] =	ssyncadd.s32 s4;
	_ =	sdelay $0x1  }
0xa1: {  	s23 =	simm.s32 $0x1B8B  }
0xa2: {  	_ =	swait.ge [sflag:s23], $0x1  }
0xa3: {  	[sflag:s23] =	ssyncset.done $0x0  }
0xa4: {  	s25 =	simm.s32 $0x1B8E;
	s24 =	sld [smem:$0x3FFE];
	[sflag:s23] =	ssyncadd.s32 $0xFFFFFFFF  }
0xa5: {  	s26 =	simm.s32 $execute0_lowered;
	[smem:$0x3FD2] =	sst s25  }
0xa6: {  	s5 =	sshll.u32 s26, $0x1;
	_ =	strace $0x80000049;
	[dreg:$0x1] =	wrdreg $0xFFFFFFFF  }
0xa7: {  	s28 =	simm.s32 $_size_execute0_lowered;
	s3 =	sadd.s32 s3, s5;
	[dreg:$0x0] =	wrdreg $0x0  }
0xa8: {  	s5 =	sshll.u32 s28, $0x1;
	[dreg:$0x2] =	wrdreg s3  }
0xa9: {  	[dreg:$0x3] =	wrdreg s5  }
0xaa: {  	[dreg:$0x4] =	wrdreg $0xC0  }
0xab: {  	_ =	task [dreg:s7], $0x5FFFF  }
0xac: {  	[dreg:$0x1] =	wrdreg $0xFFFFFFFF  }
0xad: {  	[dreg:$0x0] =	wrdreg $0x60  }
0xae: {  	[dreg:$0x2] =	wrdreg s24  }
0xaf: {  	[dreg:$0x3] =	wrdreg s2  }
0xb0: {  	[dreg:$0x4] =	wrdreg $0xA8F00  }
0xb1: {  	[dreg:$0x5] =	wrdreg $0x90800  }
0xb2: {  	[dreg:$0x6] =	wrdreg $0x9  }
0xb3: {  	_ =	task.clear_ibuf [dreg:s7], $0x7FFFF;
	_ =	strace $0x90000049  }
0xb4: {  	s29 =	simm.s32 $0x9;
	_ =	strace $0x8000004B  }
0xb5: {  	_ =	swait.ge [sflag:s29], $0x1  }
0xb6: {  	[sflag:s29] =	ssyncadd.s32 $0xFFFFFFFF  }
0xb7: {  	_ =	strace $0x9000004B  }
0xb8: {  	_ =	sfence  }
0xb9: {  	s30 =	sld [smem:$0x0];
	_ =	sdelay $0x2  }
0xba: {  	s31 =	sshll.u32 s1, $0xD;
	s1 =	sshrl.u32 s1, $0x2  }
0xbb: {  	s3 =	sand.u32 $0x4000, s31;
	s1 =	sadd.s32 s1, s30  }
0xbc: {  	s0 =	sor.u32 s3, s0;
	s1 =	sshll.u32 s1, $0x11  }
0xbd: {  	s0 =	sor.u32 s1, s0  }
0xbe: {  	s0 =	sadd.s32 $0x8F2B, s0  }
0xbf: {  	[sflag:s0] =	ssyncadd.remote.s32 $0x1  }
0xc0: {  	_ =	sfence.sel $0xFFFF  }
0xc1: {  	[dreg:$0x0] =	wrdreg $0xFFFFFFFF;
	(pc) =	sbr.abs _section_cstart, $3  }
0xc2: {  	[dreg:$0x1] =	wrdreg $0xFFFFFFFF  }
0xc3: {  	_ =	task.clear_ibuf [dreg:s7], $0x2FFFF;
	_ =	strace $0x9FFFFFFF  }
0xc4: {  	(tm) =	ssettm $0x7FFFFFFF  }
0xc5: {  	_ =	shalt  }
tec
execute0_lowered:
.L_overlay_start_1:
0x0: {  	(tag) =	ssettag $0x1  }
0x1: {  	s0 =	rddreg [dreg:$0x0]  }
0x2: {  	s1 =	rddreg [dreg:$0x1]  }
0x3: {  	s2 =	rddreg [dreg:$0x2]  }
0x4: {  	s3 =	rddreg [dreg:$0x3]  }
0x5: {  	s5 =	srdreg.scid;
	s10 =	stileid.u32;
	s4 =	simm.s32 $0x0  }
0x6: {  	s16 =	simm.s32 $0x7800;
	s17 =	simm.s32 $0x6;
	s18 =	simm.s32 $0x2800  }
0x7: {  	s19 =	simm.s32 $0x1;
	s20 =	simm.s32 $0x80;
	s21 =	simm.s32 $0x1400  }
0x8: {  	s22 =	simm.s32 $0x3C00;
	s23 =	simm.s32 $0x3;
	s24 =	simm.s32 $0x2  }
0x9: {  	s25 =	simm.s32 $0x4;
	s26 =	simm.s32 $0x5;
	s28 =	simm.s32 $0x0  }
0xa: {  	s7 =	sand.u32 $0x1, s5;
	s9 =	smul.u32 $0x1870, s10;
	[smem:$0x7FF] =	sst s4  }
0xb: {  	s5 =	sadd.s32 $0x1E00, s0;
	s6 =	sadd.s32 $0x33E00, s0;
	s10 =	sshll.u32 s10, $0x1  }
0xc: {  	s8 =	smul.u32 $0x18700, s7;
	s11 =	ssub.s32 $0x2, s7;
	s7 =	sor.u32 s7, s10  }
0xd: {  	_ =	strace $0x8000004A;
	s29 =	sshrl.u32 s11, $0x1;
	s13 =	smul.u32 $0x190, s7  }
0xe: {  	s30 =	sshrl.u32 s9, $0x3;
	s31 =	smul.u32 $0x1900, s7;
	s7 =	sadd.s32 s9, s2  }
0xf: {  	s8 =	sadd.s32 s9, s8;
	s15 =	ssub.s32 s11, s29;
	s9 =	sadd.s32 s9, s3  }
0x10: {  	s8 =	sshrl.u32 s8, $0x3;
	s10 =	sadd.s32 s5, s31;
	s11 =	sadd.s32 s6, s31  }
0x11: {  	s12 =	sadd.s32 $0x28, s13;
	s13 =	sadd.s32 $0x50, s13;
	s0 =	sadd.s32 s8, s0  }
0x12: {  	v0 =	vimm.f32 $0.0e+00;
	s15 =	smax.u32 s15, $0x1;
	s8 =	sadd.s32 s1, s30;
	s14 =	sadd.s32 $0x65E00, s0  }
.LBB2_1:
0x13: {  	s29 =	simm.s32 $0x40;
	s0 =	simm.s32 $0x0  }
.LBB2_2:
0x14: {  	p0 =	sne.s32 s29, $0x6180;
	[tilespmem:s0+$0x7800] =	vst v0;
	s0 =	smov.u32 s29;
	s29 =	sadd.s32 $0x40, s29  }
.Ltmp0:
0x15: {  	(pc) =	sbr.rel @p0 .LBB2_2-.Ltmp0, $2  }
0x16: {  	_ =	sdelay $0x2  }
0x17: {  	s0 =	sshra.s32 s0, $0x2  }
0x18: {  	[tilespmem:s0+$0x7800] =	vst v0  }
0x19: {  	[spmem:s7] =	stream.linear.scatter [tilespmem:s16], [sflag:$0x6], $0x1870, $0x38;
	[tilespmem:$0xC160] =	vst v63  }
0x1a: {  	_ =	swait.ge [sflag:s17], $0x1870  }
0x1b: {  	[sflag:s17] =	ssyncset.done $0x0  }
0x1c: {  	s29 =	simm.s32 $0x0;
	[sflag:s17] =	ssyncadd.s32 $0xFFFFE790  }
0x1d: {  	[tilespmem:s16], [sflag:$0x6] =	stream.linear.gather [hbm4b:s8+s29], $0x1870, $0x38;
	[tilespmem:$0xC160] =	vst v63  }
0x1e: {  	_ =	swait.ge [sflag:s17], $0x1870  }
0x1f: {  	[sflag:s17] =	ssyncset.done $0x0  }
0x20: {  	[sflag:s17] =	ssyncadd.s32 $0xFFFFE790  }
0x21: {  	[spmem:s9] =	stream.linear.scatter [tilespmem:s16], [sflag:$0x6], $0x1870, $0x38;
	[tilespmem:$0xC160] =	vst v63  }
0x22: {  	_ =	swait.ge [sflag:s17], $0x1870  }
0x23: {  	[sflag:s17] =	ssyncset.done $0x0  }
0x24: {  	[sflag:s17] =	ssyncadd.s32 $0xFFFFE790  }
0x25: {  	[bflag:$0x0] =	sbarrier.arrive $0xFFFF  }
0x26: {  	[tilespmem:s29], [sflag:$0x1] =	stream.linear.gather [hbm4b:s10+s29], $0x1400, $0x38;
	[tilespmem:$0xC160] =	vst v63  }
0x27: {  	_ = 	snop  }
0x28: {  	[tilespmem:s18], [sflag:$0x1] =	stream.linear.gather [hbm4b:s11+s29], $0x1400, $0x38;
	[tilespmem:$0xC160] =	vst v63  }
.LBB2_5:
0x29: {  	_ =	swait.ge [sflag:s19], $0x1400  }
0x2a: {  	[sflag:s19] =	ssyncset.done $0x0  }
0x2b: {  	[sflag:s19] =	ssyncadd.s32 $0xFFFFEC00  }
0x2c: {  	_ =	swait.ge [sflag:s19], $0x1400  }
0x2d: {  	s30 =	simm.s32 $0x200;
	[sflag:s19] =	ssyncset.done $0x0  }
0x2e: {  	s31 =	simm.s32 $0x0;
	s0 =	simm.s32 $0x5000;
	[sflag:s19] =	ssyncadd.s32 $0xFFFFEC00  }
.LBB2_6:
0x2f: {  	[tilespmem:s0], [sflag:$0x3] =	stream.indirect.gather [spmem:s3], $0x1, s31, s20, $0xb8;
	[tilespmem:$0xC160] =	vst v63  }
0x30: {  	s0 =	smov.u32 s30;
	p0 =	sne.s32 s30, $0x4E00  }
.Ltmp1:
0x31: {  	s30 =	sadd.s32 $0x200, s30;
	(pc) =	sbr.rel @p0 .LBB2_6-.Ltmp1, $3  }
0x32: {  	_ =	sdelay $0x1  }
0x33: {  	s31 =	sshra.s32 s0, $0x2  }
0x34: {  	s0 =	sadd.s32 $0x5000, s31  }
0x35: {  	p0 =	seq.s32 s29, $0x0  }
.Ltmp2:
0x36: {  	_ = 	snop;
	(pc) =	sbr.rel @p0 .LBB2_11-.Ltmp2, $3  }
0x37: {  	_ =	sdelay $0x1  }
0x38: {  	[tilespmem:s0], [sflag:$0x3] =	stream.indirect.gather [spmem:s3], $0x1, s31, s20, $0xb8;
	[tilespmem:$0xC160] =	vst v63  }
0x39: {  	s0 =	simm.s32 $0x28  }
0x3a: {  	_ =	swait.ge [sflag:s26], $0x80  }
0x3b: {  	s30 =	sadd.s32 $0xFFFFFFFF, s0;
	[sflag:s26] =	ssyncset.done $0x0  }
.LBB2_9:
0x3c: {  	p0 =	sne.s32 s30, $0x1;
	s30 =	sadd.s32 $0xFFFFFFFF, s30;
	[sflag:s26] =	ssyncadd.s32 $0xFFFFFF80  }
.Ltmp3:
0x3d: {  	(pc) =	sbr.rel @p0 .LBB2_9-.Ltmp3, $3  }
0x3e: {  	_ =	sdelay $0x1  }
0x3f: {  	_ =	swait.ge [sflag:s26], $0x80  }
0x40: {  	[sflag:s26] =	ssyncset.done $0x0  }
0x41: {  	[sflag:s26] =	ssyncadd.s32 $0xFFFFFF80  }
.LBB2_11:
0x42: {  	s30 =	smul.u32 $0x50, s29;
	_ =	sdelay $0x1  }
0x43: {  	s0 =	sadd.s32 s30, s12  }
0x44: {  	s0 =	sshll.u32 s0, $0x4  }
0x45: {  	s1 =	sadd.s32 s5, s0  }
0x46: {  	[tilespmem:s21], [sflag:$0x2] =	stream.linear.gather [hbm4b:s1+s4], $0x1400, $0x38;
	[tilespmem:$0xC160] =	vst v63  }
0x47: {  	s0 =	sadd.s32 s6, s0  }
0x48: {  	[tilespmem:s22], [sflag:$0x2] =	stream.linear.gather [hbm4b:s0+s4], $0x1400, $0x38;
	[tilespmem:$0xC160] =	vst v63  }
0x49: {  	s0 =	simm.s32 $0x28  }
.LBB2_12:
0x4a: {  	p0 =	sne.s32 s0, $0x1  }
.Ltmp4:
0x4b: {  	_ = 	snop;
	(pc) =	sbr.rel @p0 .LBB2_12-.Ltmp4, $4  }
0x4c: {  	_ = 	snop  }
0x4d: {  	_ =	swait.ge [sflag:s23], $0x80  }
0x4e: {  	[sflag:s23] =	ssyncset.done $0x0  }
0x4f: {  	s0 =	sadd.s32 $0xFFFFFFFF, s0;
	[sflag:s23] =	ssyncadd.s32 $0xFFFFFF80  }
0x50: {  	s31 =	simm.s32 $0x200;
	s0 =	simm.s32 $0x5000;
	s1 =	simm.s32 $0x2800  }
.LBB2_14:
0x51: {  	[spmem:s2] =	stream.indirect.scatter.add.f32 [tilespmem:s0], [sflag:$0x4], $0x1, s1, s20, $0xb8;
	[tilespmem:$0xC160] =	vst v63  }
0x52: {  	s0 =	smov.u32 s31;
	p0 =	sne.s32 s31, $0x4E00  }
.Ltmp5:
0x53: {  	s31 =	sadd.s32 $0x200, s31;
	(pc) =	sbr.rel @p0 .LBB2_14-.Ltmp5, $3  }
0x54: {  	_ =	sdelay $0x1  }
0x55: {  	s1 =	sshra.s32 s0, $0x2  }
0x56: {  	s0 =	sadd.s32 $0x5000, s1;
	s1 =	sadd.s32 $0x2800, s1  }
0x57: {  	[spmem:s2] =	stream.indirect.scatter.add.f32 [tilespmem:s0], [sflag:$0x4], $0x1, s1, s20, $0xb8;
	[tilespmem:$0xC160] =	vst v63  }
0x58: {  	_ =	swait.ge [sflag:s24], $0x1400  }
0x59: {  	[sflag:s24] =	ssyncset.done $0x0  }
0x5a: {  	[sflag:s24] =	ssyncadd.s32 $0xFFFFEC00  }
0x5b: {  	_ =	swait.ge [sflag:s24], $0x1400  }
0x5c: {  	[sflag:s24] =	ssyncset.done $0x0  }
0x5d: {  	s0 =	simm.s32 $0x0;
	[sflag:s24] =	ssyncadd.s32 $0xFFFFEC00  }
.LBB2_16:
0x5e: {  	p0 =	sne.s32 s0, $0x4E00  }
.Ltmp6:
0x5f: {  	_ = 	snop;
	(pc) =	sbr.rel @p0 .LBB2_16-.Ltmp6, $4  }
0x60: {  	_ = 	snop  }
0x61: {  	s1 =	sshra.s32 s0, $0x2  }
0x62: {  	s0 =	sadd.s32 $0x200, s0;
	s31 =	sadd.s32 $0x6400, s1;
	s1 =	sadd.s32 $0x1400, s1  }
0x63: {  	[tilespmem:s31], [sflag:$0x3] =	stream.indirect.gather [spmem:s3], $0x1, s1, s20, $0xb8;
	[tilespmem:$0xC160] =	vst v63  }
0x64: {  	_ =	swait.ge [sflag:s25], $0x80  }
0x65: {  	s31 =	simm.s32 $0x27;
	[sflag:s25] =	ssyncset.done $0x0  }
.LBB2_18:
0x66: {  	p0 =	sne.s32 s31, $0x1;
	s31 =	sadd.s32 $0xFFFFFFFF, s31;
	[sflag:s25] =	ssyncadd.s32 $0xFFFFFF80  }
.Ltmp7:
0x67: {  	(pc) =	sbr.rel @p0 .LBB2_18-.Ltmp7, $3  }
0x68: {  	_ =	sdelay $0x1  }
0x69: {  	_ =	swait.ge [sflag:s25], $0x80  }
0x6a: {  	[sflag:s25] =	ssyncset.done $0x0  }
0x6b: {  	p0 =	seq.s32 s29, $0x4  }
0x6c: {  	s0 =	sadd.s32 @!p0 s30, s13  }
0x6d: {  	s0 =	sshll.u32 @!p0 s0, $0x4  }
0x6e: {  	[sflag:s25] =	ssyncadd.s32 $0xFFFFFF80;
	s30 =	simm.s32 @!p0 $0x0;
	s1 =	sadd.s32 @!p0 s5, s0  }
0x6f: {  	[tilespmem:s30], [sflag:$0x1] =	stream.linear.gather @!p0 [hbm4b:s1+s30], $0x1400, $0x38;
	[tilespmem:$0xC160] =	vst v63  }
0x70: {  	s0 =	sadd.s32 @!p0 s6, s0;
	s1 =	simm.s32 @!p0 $0x2800  }
0x71: {  	[tilespmem:s1], [sflag:$0x1] =	stream.linear.gather @!p0 [hbm4b:s0+s30], $0x1400, $0x38;
	[tilespmem:$0xC160] =	vst v63  }
0x72: {  	s29 =	sadd.s32 $0x1, s29;
	s0 =	simm.s32 $0x28  }
.LBB2_20:
0x73: {  	p0 =	sne.s32 s0, $0x1  }
.Ltmp8:
0x74: {  	_ = 	snop;
	(pc) =	sbr.rel @p0 .LBB2_20-.Ltmp8, $4  }
0x75: {  	_ = 	snop  }
0x76: {  	_ =	swait.ge [sflag:s23], $0x80  }
0x77: {  	[sflag:s23] =	ssyncset.done $0x0  }
0x78: {  	s0 =	sadd.s32 $0xFFFFFFFF, s0;
	[sflag:s23] =	ssyncadd.s32 $0xFFFFFF80  }
0x79: {  	s30 =	simm.s32 $0x200;
	s0 =	simm.s32 $0x6400;
	s1 =	simm.s32 $0x3C00  }
.LBB2_22:
0x7a: {  	[spmem:s2] =	stream.indirect.scatter.add.f32 [tilespmem:s0], [sflag:$0x5], $0x1, s1, s20, $0xb8;
	[tilespmem:$0xC160] =	vst v63  }
0x7b: {  	s0 =	smov.u32 s30;
	p0 =	seq.s32 s30, $0x4E00  }
.Ltmp9:
0x7c: {  	s30 =	sadd.s32 $0x200, s30;
	(pc) =	sbr.rel @!p0 .LBB2_22-.Ltmp9, $3  }
0x7d: {  	_ =	sdelay $0x1  }
0x7e: {  	s1 =	sshra.s32 s0, $0x2  }
0x7f: {  	s0 =	sadd.s32 $0x6400, s1;
	s1 =	sadd.s32 $0x3C00, s1  }
0x80: {  	[spmem:s2] =	stream.indirect.scatter.add.f32 [tilespmem:s0], [sflag:$0x5], $0x1, s1, s20, $0xb8;
	[tilespmem:$0xC160] =	vst v63  }
0x81: {  	p0 =	seq.s32 s29, $0x5  }
.Ltmp10:
0x82: {  	_ = 	snop;
	(pc) =	sbr.rel @!p0 .LBB2_5-.Ltmp10, $1  }
0x83: {  	_ =	sdelay $0x3  }
0x84: {  	_ =	swait.ge [sflag:s26], $0x80  }
0x85: {  	s29 =	simm.s32 $0x27;
	[sflag:s26] =	ssyncset.done $0x0  }
.LBB2_25:
0x86: {  	p0 =	sne.s32 s29, $0x1;
	s29 =	sadd.s32 $0xFFFFFFFF, s29;
	[sflag:s26] =	ssyncadd.s32 $0xFFFFFF80  }
.Ltmp11:
0x87: {  	(pc) =	sbr.rel @p0 .LBB2_25-.Ltmp11, $3  }
0x88: {  	_ =	sdelay $0x1  }
0x89: {  	_ =	swait.ge [sflag:s26], $0x80  }
0x8a: {  	[sflag:s26] =	ssyncset.done $0x0  }
0x8b: {  	[sflag:s26] =	ssyncadd.s32 $0xFFFFFF80  }
0x8c: {  	[bflag:$0x0] =	sbarrier.arrive $0xFFFF  }
0x8d: {  	[tilespmem:s16], [sflag:$0x6] =	stream.linear.gather [spmem:s7], $0x1870, $0x38;
	[tilespmem:$0xC160] =	vst v63  }
0x8e: {  	s28 =	sadd.s32 $0x1, s28;
	_ =	swait.ge [sflag:s17], $0x1870  }
0x8f: {  	p0 =	sne.s32 s28, s15;
	[sflag:s17] =	ssyncset.done $0x0  }
.Ltmp12:
0x90: {  	[sflag:s17] =	ssyncadd.s32 $0xFFFFE790;
	(pc) =	sbr.rel @p0 .LBB2_1-.Ltmp12, $4  }
0x91: {  	[hbm4b:s14+s4] =	stream.linear.scatter [tilespmem:s16], [sflag:$0x6], $0x1870, $0x38;
	[tilespmem:$0xC160] =	vst v63  }
0x92: {  	_ =	swait.ge [sflag:s17], $0x1870  }
0x93: {  	[sflag:s17] =	ssyncset.done $0x0  }
0x94: {  	[sflag:s17] =	ssyncadd.s32 $0xFFFFE790  }
0x95: {  	_ =	sfence.sel $0x180000  }
0x96: {  	[bflag:$0x0] =	sbarrier.arrive $0xFFFF  }
0x97: {  	_ =	strace $0x9000004A  }
0x98: {  	s0 =	stileid.u32;
	[bflag:$0x2] =	sbarrier.arrive $0xFFFF  }
0x99: {  	p0 =	sne.s32 s0, $0x0;
	s0 =	rddreg [dreg:$0x4]  }
0x9a: {  	s0 =	sadd.s32 @!p0 $0x100000, s0  }
0x9b: {  	[sflag:s0] =	ssyncadd.tile.s32 @!p0 $0x1;
	_ =	shalt  }
.Lfunc_end2:
_tile_overlayer_lowered:
.L_overlay_start_2:
0x9c: {  	(tag) =	ssettag $0x2  }
0x9d: {  	s0 =	rddreg [dreg:$0x0];
	s2 =	stileid.u32  }
0x9e: {  	s1 =	rddreg [dreg:$0x1];
	p0 =	sne.s32 s2, $0x0  }
0x9f: {  	s3 =	rddreg [dreg:$0x2];
	[bflag:$0x3] =	sbarrier.arrive $0xFFFF;
	s2 =	simm.s32 @!p0 $0x1C06  }
0xa0: {  	[timem:s3], [sflag:s2] =	dma.local @!p0 [hbm:s0], s1  }
0xa1: {  	s0 =	simm.s32 @!p0 $0x6  }
0xa2: {  	_ =	swait.ge @!p0 [sflag:s0], s1  }
0xa3: {  	s1 =	ssub.s32 @!p0 $0x0, s1;
	[sflag:s0] =	ssyncset.done @!p0 $0x0  }
0xa4: {  	[sflag:s0] =	ssyncadd.s32 @!p0 s1  }
0xa5: {  	[bflag:$0x3] =	sbarrier.arrive $0xFFFF  }
0xa6: {  	_ =	shalt  }

// kernel: kernel.14.cloned.1.call-start
scs
__scs_entry_jumppad:
0x0: {  	(pc) =	sbr.rel $0x88, $3  }
0x1: {  	(tag) =	ssettag $0x0;
	lr =	simm.s32 $0x1  }
0x2: {  	[smem:$0x3F9A] =	sst lr;
	_ =	strace $0xD0000000  }
0x3: {  	_ = 	snop  }
0x4: {  	_ = 	snop  }
0x5: {  	_ = 	snop  }
0x6: {  	_ = 	snop  }
0x7: {  	_ = 	snop  }
__scs_overlays_trampoline_lowered:
0x8: {  	[smem:$0x3FA9] =	sst s0  }
0x9: {  	[smem:$0x3FAA] =	sst s1  }
0xa: {  	[smem:$0x3FAB] =	sst s2  }
0xb: {  	[smem:$0x3FAC] =	sst s3  }
0xc: {  	[smem:$0x3FAD] =	sst s4  }
0xd: {  	[smem:$0x3FAE] =	sst s5  }
0xe: {  	[smem:$0x3FAF] =	sst s6  }
0xf: {  	[smem:$0x3FB0] =	sst s7  }
0x10: {  	[smem:$0x3FB1] =	sst s8  }
0x11: {  	[smem:$0x3FB2] =	sst s9;
	s0 =	simm.s32 @!p0 $0x0  }
0x12: {  	s1 =	sld [smem:$0x3F98];
	s0 =	simm.s32 @p0 $0x1  }
0x13: {  	[smem:$0x3FB3] =	sst s0;
	s0 =	simm.s32 @!p1 $0x0  }
0x14: {  	s2 =	sld [smem:$0x3F97];
	s0 =	simm.s32 @p1 $0x1  }
0x15: {  	[smem:$0x3FB4] =	sst s0;
	s0 =	simm.s32 @!p2 $0x0  }
0x16: {  	s3 =	sld [smem:$0x3FDB];
	s0 =	simm.s32 @p2 $0x1  }
0x17: {  	s4 =	simm.s32 $0x1BF5;
	[smem:$0x3FB6] =	sst s0  }
0x18: {  	s0 =	sld [smem:$0x3F99];
	_ =	swait.ge [sflag:s4], $0x0  }
0x19: {  	s7 =	sld [smem:$0x3F9A]  }
0x1a: {  	s8 =	sadd.s32 $0xFFFFE003, lr  }
0x1b: {  	s9 =	sadd.s32 $0xFFFFFEF7, lr;
	s5 =	simm.s32 $0xFFFFFFFF;
	p2 =	slt.u32 s8, $0xFFFFF086  }
0x1c: {  	p1 =	slt.u32 s9, $0xF7A;
	s5 =	simm.s32 @!p2 $0x0  }
0x1d: {  	s5 =	simm.s32 @p1 $0x1;
	p0 =	seq.s32 s7, s2  }
0x1e: {  	s7 =	smul.u32 @!p0 $0xF7A, s2;
	p2 =	seq.s32 @!p0 s5, $0x0  }
0x1f: {  	s9 =	smul.u32 $0xF7A, s1;
	s8 =	simm.s32 @!p0 $0x1BF5;
	p2 =	por !p2, p0  }
0x20: {  	[sflag:s8] =	ssyncset.s32 @!p0 $0xFFFFF086;
	s6 =	sadd.s32 @!p0 s3, s7;
	s7 =	simm.s32 @!p0 $0x108  }
0x21: {  	s3 =	sadd.s32 s3, s9;
	s6 =	sadd.s32 @!p0 $0x88, s6;
	s7 =	simm.s32 @p2 $0x1082  }
0x22: {  	[simem:s7], [sflag:s8] =	dma.local @!p0 [hbm:s6], $0xF7A  }
0x23: {  	s9 =	sor.u32 $0xD0000000, s2;
	s6 =	simm.s32 $0x108;
	_ =	swait.ge @!p0 [sflag:s8], $0x0  }
0x24: {  	s3 =	sadd.s32 $0x88, s3;
	s6 =	simm.s32 @!p1 $0x1082;
	[sflag:s4] =	ssyncset.s32 $0xFFFFF086  }
0x25: {  	[simem:s6], [sflag:s4] =	dma.local [hbm:s3], $0xF7A  }
0x26: {  	[smem:$0x3F9A] =	sst s1;
	(tag) =	ssettag s2;
	_ =	strace s9  }
0x27: {  	s1 =	sld [smem:$0x3FAA]  }
0x28: {  	s2 =	sld [smem:$0x3FAB]  }
0x29: {  	s4 =	sld [smem:$0x3FAD]  }
0x2a: {  	p0 =	seq.s32 s5, $0x0;
	s5 =	sld [smem:$0x3FAE]  }
0x2b: {  	s6 =	sld [smem:$0x3FAF]  }
0x2c: {  	s7 =	sld [smem:$0x3FB0]  }
0x2d: {  	s3 =	simm.s32 $0x108;
	s8 =	sld [smem:$0x3FB1]  }
0x2e: {  	s3 =	simm.s32 @!p0 $0x1082;
	s9 =	sld [smem:$0x3FB2]  }
0x2f: {  	lr =	sadd.s32 s0, s3;
	s0 =	sld [smem:$0x3FA9]  }
0x30: {  	s3 =	sld [smem:$0x3FAC]  }
0x31: {  	[smem:$0x3FB5] =	sst s10  }
0x32: {  	s10 =	sld [smem:$0x3FB3];
	_ =	sdelay $0x3  }
0x33: {  	p0 =	seq.s32 s10, $0x1;
	s10 =	sld [smem:$0x3FB5];
	_ =	sdelay $0x3  }
0x34: {  	[smem:$0x3FB5] =	sst s10  }
0x35: {  	s10 =	sld [smem:$0x3FB4];
	_ =	sdelay $0x3  }
0x36: {  	p1 =	seq.s32 s10, $0x1;
	s10 =	sld [smem:$0x3FB5];
	_ =	sdelay $0x3  }
0x37: {  	[smem:$0x3FB5] =	sst s10  }
0x38: {  	s10 =	sld [smem:$0x3FB6]  }
0x39: {  	_ = 	snop;
	(pc) =	sbr.ind lr, $3  }
0x3a: {  	_ = 	snop  }
0x3b: {  	_ = 	snop  }
0x3c: {  	p2 =	seq.s32 s10, $0x1;
	s10 =	sld [smem:$0x3FB5]  }
0x3d: {  	_ =	shalt  }
0x3e: {  	_ =	shalt  }
0x3f: {  	_ =	shalt  }
0x40: {  	_ =	shalt  }
0x41: {  	_ =	shalt  }
0x42: {  	_ =	shalt  }
0x43: {  	_ =	shalt  }
0x44: {  	_ =	shalt  }
0x45: {  	_ =	shalt  }
0x46: {  	_ =	shalt  }
0x47: {  	_ =	shalt  }
0x48: {  	_ =	shalt  }
0x49: {  	_ =	shalt  }
0x4a: {  	_ =	shalt  }
0x4b: {  	_ =	shalt  }
0x4c: {  	_ =	shalt  }
0x4d: {  	_ =	shalt  }
0x4e: {  	_ =	shalt  }
0x4f: {  	_ =	shalt  }
0x50: {  	_ =	shalt  }
0x51: {  	_ =	shalt  }
0x52: {  	_ =	shalt  }
0x53: {  	_ =	shalt  }
0x54: {  	_ =	shalt  }
0x55: {  	_ =	shalt  }
0x56: {  	_ =	shalt  }
0x57: {  	_ =	shalt  }
0x58: {  	_ =	shalt  }
0x59: {  	_ =	shalt  }
0x5a: {  	_ =	shalt  }
0x5b: {  	_ =	shalt  }
0x5c: {  	_ =	shalt  }
0x5d: {  	_ =	shalt  }
0x5e: {  	_ =	shalt  }
0x5f: {  	_ =	shalt  }
0x60: {  	_ =	shalt  }
0x61: {  	_ =	shalt  }
0x62: {  	_ =	shalt  }
0x63: {  	_ =	shalt  }
0x64: {  	_ =	shalt  }
0x65: {  	_ =	shalt  }
0x66: {  	_ =	shalt  }
0x67: {  	_ =	shalt  }
0x68: {  	_ =	shalt  }
0x69: {  	_ =	shalt  }
0x6a: {  	_ =	shalt  }
0x6b: {  	_ =	shalt  }
0x6c: {  	_ =	shalt  }
0x6d: {  	_ =	shalt  }
0x6e: {  	_ =	shalt  }
0x6f: {  	_ =	shalt  }
0x70: {  	_ =	shalt  }
0x71: {  	_ =	shalt  }
0x72: {  	_ =	shalt  }
0x73: {  	_ =	shalt  }
0x74: {  	_ =	shalt  }
0x75: {  	_ =	shalt  }
0x76: {  	_ =	shalt  }
0x77: {  	_ =	shalt  }
0x78: {  	_ =	shalt  }
0x79: {  	_ =	shalt  }
0x7a: {  	_ =	shalt  }
0x7b: {  	_ =	shalt  }
0x7c: {  	_ =	shalt  }
0x7d: {  	_ =	shalt  }
0x7e: {  	_ =	shalt  }
0x7f: {  	_ =	shalt  }
0x80: {  	_ =	shalt  }
0x81: {  	_ =	shalt  }
0x82: {  	_ =	shalt  }
0x83: {  	_ =	shalt  }
0x84: {  	_ =	shalt  }
0x85: {  	_ =	shalt  }
0x86: {  	_ =	shalt  }
0x87: {  	_ =	shalt  }
.Lfunc_end0:
.L_simem_size_0:
called_computation.2_lowered:
.L_overlay_start_0:
0x88: {  	s2 =	sld [smem:$0x3FD9]  }
0x89: {  	s3 =	sld [smem:$0x3FFE];
	_ =	sdelay $0x1  }
0x8a: {  	s1 =	srdreg.scid  }
0x8b: {  	s0 =	sand.u32 $0x1, s1  }
0x8c: {  	s17 =	sshll.u32 s0, $0xA;
	s2 =	sadd.s32 s3, s2  }
0x8d: {  	s2 =	sadd.s32 s2, s17  }
0x8e: {  	[smem:$0x3FC1] =	sst s2  }
0x8f: {  	_ = 	snop  }
0x90: {  	s2 =	sld [smem:$0x3FD0];
	(tm) =	ssettm $0x1  }
0x91: {  	s18 =	sld [smem:$0x3FFB];
	_ =	sdelay $0x3  }
0x92: {  	_ =	strace s18  }
0x93: {  	s3 =	sld [smem:$0x3FFC];
	_ =	sdelay $0x3  }
0x94: {  	_ =	strace s3  }
0x95: {  	s3 =	sld [smem:$0x3FFD];
	_ =	sdelay $0x3  }
0x96: {  	_ =	strace s3  }
0x97: {  	_ =	strace $0x8FFFFFFF  }
0x98: {  	s19 =	sld [smem:$0x3FDB];
	_ =	sdelay $0x1  }
0x99: {  	s4 =	simm.s32 $_scs_section_size  }
0x9a: {  	s5 =	simm.s32 $_size__tile_overlayer_lowered;
	s6 =	simm.s32 $_tile_overlayer_lowered  }
0x9b: {  	s22 =	simm.s32 $0x1BFF;
	s21 =	sshll.u32 s6, $0x1;
	s3 =	sadd.s32 s4, s19  }
0x9c: {  	s7 =	simm.s32 $0x0;
	s20 =	sshll.u32 s5, $0x1;
	s5 =	sadd.s32 s21, s3  }
0x9d: {  	[timem:s7], [sflag:s22] =	dma.local [hbm:s5], s20  }
0x9e: {  	_ =	swait.ge [sflag:s22], s20  }
0x9f: {  	s4 =	ssub.s32 $0x0, s20;
	[sflag:s22] =	ssyncset.done $0x0  }
0xa0: {  	[sflag:s22] =	ssyncadd.s32 s4;
	_ =	sdelay $0x1  }
0xa1: {  	s23 =	simm.s32 $0x1B8B  }
0xa2: {  	_ =	swait.ge [sflag:s23], $0x1  }
0xa3: {  	[sflag:s23] =	ssyncset.done $0x0  }
0xa4: {  	s25 =	simm.s32 $0x1B8E;
	s24 =	sld [smem:$0x3FFE];
	[sflag:s23] =	ssyncadd.s32 $0xFFFFFFFF  }
0xa5: {  	s26 =	simm.s32 $execute0_lowered;
	[smem:$0x3FD2] =	sst s25  }
0xa6: {  	s5 =	sshll.u32 s26, $0x1;
	_ =	strace $0x8000004C;
	[dreg:$0x1] =	wrdreg $0xFFFFFFFF  }
0xa7: {  	s28 =	simm.s32 $_size_execute0_lowered;
	s3 =	sadd.s32 s3, s5;
	[dreg:$0x0] =	wrdreg $0x0  }
0xa8: {  	s5 =	sshll.u32 s28, $0x1;
	[dreg:$0x2] =	wrdreg s3  }
0xa9: {  	[dreg:$0x3] =	wrdreg s5  }
0xaa: {  	[dreg:$0x4] =	wrdreg $0xC0  }
0xab: {  	_ =	task [dreg:s7], $0x5FFFF  }
0xac: {  	[dreg:$0x1] =	wrdreg $0xFFFFFFFF  }
0xad: {  	[dreg:$0x0] =	wrdreg $0x60  }
0xae: {  	[dreg:$0x2] =	wrdreg s24  }
0xaf: {  	[dreg:$0x3] =	wrdreg s2  }
0xb0: {  	[dreg:$0x4] =	wrdreg $0xE9600  }
0xb1: {  	[dreg:$0x5] =	wrdreg $0x101D00  }
0xb2: {  	[dreg:$0x6] =	wrdreg $0xB8800  }
0xb3: {  	[dreg:$0x7] =	wrdreg $0xD0F00  }
0xb4: {  	[dreg:$0x8] =	wrdreg $0x9  }
0xb5: {  	_ =	task.clear_ibuf [dreg:s7], $0x9FFFF;
	_ =	strace $0x9000004C  }
0xb6: {  	s29 =	simm.s32 $0x9;
	_ =	strace $0x8000004E  }
0xb7: {  	_ =	swait.ge [sflag:s29], $0x1  }
0xb8: {  	[sflag:s29] =	ssyncadd.s32 $0xFFFFFFFF  }
0xb9: {  	_ =	strace $0x9000004E  }
0xba: {  	_ =	sfence  }
0xbb: {  	s30 =	sld [smem:$0x0];
	_ =	sdelay $0x2  }
0xbc: {  	s31 =	sshll.u32 s1, $0xD;
	s1 =	sshrl.u32 s1, $0x2  }
0xbd: {  	s3 =	sand.u32 $0x4000, s31;
	s1 =	sadd.s32 s1, s30  }
0xbe: {  	s0 =	sor.u32 s3, s0;
	s1 =	sshll.u32 s1, $0x11  }
0xbf: {  	s0 =	sor.u32 s1, s0  }
0xc0: {  	s0 =	sadd.s32 $0x8F2B, s0  }
0xc1: {  	[sflag:s0] =	ssyncadd.remote.s32 $0x1  }
0xc2: {  	_ =	sfence.sel $0xFFFF  }
0xc3: {  	[dreg:$0x0] =	wrdreg $0xFFFFFFFF;
	(pc) =	sbr.abs _section_cstart, $3  }
0xc4: {  	[dreg:$0x1] =	wrdreg $0xFFFFFFFF  }
0xc5: {  	_ =	task.clear_ibuf [dreg:s7], $0x2FFFF;
	_ =	strace $0x9FFFFFFF  }
0xc6: {  	(tm) =	ssettm $0x7FFFFFFF  }
0xc7: {  	_ =	shalt  }
tec
execute0_lowered:
.L_overlay_start_1:
0x0: {  	(tag) =	ssettag $0x1  }
0x1: {  	s0 =	rddreg [dreg:$0x0]  }
0x2: {  	s3 =	rddreg [dreg:$0x1]  }
0x3: {  	s1 =	rddreg [dreg:$0x2]  }
0x4: {  	s2 =	rddreg [dreg:$0x3]  }
0x5: {  	s4 =	rddreg [dreg:$0x4]  }
0x6: {  	s5 =	rddreg [dreg:$0x5];
	s6 =	simm.s32 $0x0  }
0x7: {  	s14 =	stileid.u32;
	s7 =	srdreg.scid;
	s28 =	simm.s32 $0x1400  }
0x8: {  	s29 =	simm.s32 $0x3C00;
	s30 =	simm.s32 $0x3;
	s31 =	simm.s32 $0x2  }
0x9: {  	[smem:$0x7FF] =	sst s6;
	s11 =	smul.u32 $0x1870, s14;
	s9 =	sand.u32 $0x1, s7  }
0xa: {  	s7 =	sadd.s32 $0x1E00, s0;
	s8 =	sadd.s32 $0x33E00, s0;
	s14 =	sshll.u32 s14, $0x1  }
0xb: {  	_ =	strace $0x8000004D;
	s10 =	smul.u32 $0x18700, s9;
	s14 =	sor.u32 s9, s14  }
0xc: {  	s15 =	ssub.s32 $0x2, s9;
	s12 =	sshrl.u32 s11, $0x3;
	s18 =	smul.u32 $0x190, s14  }
0xd: {  	s21 =	sshrl.u32 s15, $0x1;
	s9 =	sadd.s32 s11, s1;
	s14 =	smul.u32 $0x1900, s14  }
0xe: {  	s22 =	sadd.s32 s11, s4;
	s24 =	sadd.s32 s11, s5;
	s13 =	sadd.s32 s12, s0  }
0xf: {  	s10 =	sadd.s32 s11, s10;
	s15 =	ssub.s32 s15, s21;
	[dreg:$0x8] =	wrdreg s22  }
0x10: {  	s3 =	sadd.s32 s3, s12;
	[dreg:$0xa] =	wrdreg s24;
	s22 =	simm.s32 $0xA000  }
0x11: {  	s24 =	simm.s32 $0x0;
	s10 =	sshrl.u32 s10, $0x3;
	[dreg:$0x7] =	wrdreg s3  }
0x12: {  	s23 =	sadd.s32 $0x65E00, s13;
	s25 =	sadd.s32 s7, s14;
	s26 =	sadd.s32 s8, s14  }
0x13: {  	s17 =	sadd.s32 $0x28, s18;
	s18 =	sadd.s32 $0x50, s18;
	[dreg:$0x9] =	wrdreg s23  }
0x14: {  	s21 =	smax.u32 s15, $0x1;
	s3 =	simm.s32 $0x5;
	[dreg:$0xb] =	wrdreg s25  }
0x15: {  	s0 =	sadd.s32 s10, s0;
	s10 =	sadd.s32 s11, s2;
	[dreg:$0xc] =	wrdreg s26  }
0x16: {  	s23 =	simm.s32 $0x6;
	s25 =	simm.s32 $0x1;
	s26 =	simm.s32 $0x80  }
0x17: {  	v0 =	vimm.f32 $0.0e+00;
	s19 =	sadd.s32 $0x69000, s0;
	s20 =	sadd.s32 $0x6F200, s0;
	s0 =	simm.s32 $0x4  }
.LBB2_1:
0x18: {  	s11 =	simm.s32 $0x40;
	s12 =	simm.s32 $0x0  }
.LBB2_2:
0x19: {  	p0 =	sne.s32 s11, $0x6180;
	[tilespmem:s12+$0xA000] =	vst v0;
	s12 =	smov.u32 s11;
	s11 =	sadd.s32 $0x40, s11  }
.Ltmp0:
0x1a: {  	(pc) =	sbr.rel @p0 .LBB2_2-.Ltmp0, $2  }
0x1b: {  	_ =	sdelay $0x2  }
0x1c: {  	s12 =	sshra.s32 s12, $0x2  }
0x1d: {  	[tilespmem:s12+$0xA000] =	vst v0  }
0x1e: {  	[spmem:s9] =	stream.linear.scatter [tilespmem:s22], [sflag:$0x6], $0x1870, $0x38;
	[tilespmem:$0x11A40] =	vst v63  }
0x1f: {  	_ =	swait.ge [sflag:s23], $0x1870  }
0x20: {  	[sflag:s23] =	ssyncset.done $0x0  }
0x21: {  	[sflag:s23] =	ssyncadd.s32 $0xFFFFE790  }
0x22: {  	[spmem:s10] =	stream.linear.scatter [tilespmem:s22], [sflag:$0x6], $0x1870, $0x38;
	[tilespmem:$0x11A40] =	vst v63  }
0x23: {  	_ =	swait.ge [sflag:s23], $0x1870  }
0x24: {  	[sflag:s23] =	ssyncset.done $0x0  }
0x25: {  	s11 =	simm.s32 $0x0;
	s15 =	rddreg [dreg:$0x7];
	[sflag:s23] =	ssyncadd.s32 $0xFFFFE790  }
0x26: {  	[tilespmem:s22], [sflag:$0x6] =	stream.linear.gather [hbm4b:s15+s11], $0x1870, $0x38;
	[tilespmem:$0x11A40] =	vst v63  }
0x27: {  	_ =	swait.ge [sflag:s23], $0x1870  }
0x28: {  	[sflag:s23] =	ssyncset.done $0x0  }
0x29: {  	s16 =	rddreg [dreg:$0x8];
	[sflag:s23] =	ssyncadd.s32 $0xFFFFE790  }
0x2a: {  	[spmem:s16] =	stream.linear.scatter [tilespmem:s22], [sflag:$0x6], $0x1870, $0x38;
	[tilespmem:$0x11A40] =	vst v63  }
0x2b: {  	_ =	swait.ge [sflag:s23], $0x1870  }
0x2c: {  	[sflag:s23] =	ssyncset.done $0x0  }
0x2d: {  	s13 =	rddreg [dreg:$0x9];
	[sflag:s23] =	ssyncadd.s32 $0xFFFFE790  }
0x2e: {  	[tilespmem:s22], [sflag:$0x6] =	stream.linear.gather [hbm4b:s13+s11], $0x1870, $0x38;
	[tilespmem:$0x11A40] =	vst v63  }
0x2f: {  	_ =	swait.ge [sflag:s23], $0x1870  }
0x30: {  	[sflag:s23] =	ssyncset.done $0x0  }
0x31: {  	s14 =	rddreg [dreg:$0xa];
	[sflag:s23] =	ssyncadd.s32 $0xFFFFE790  }
0x32: {  	[spmem:s14] =	stream.linear.scatter [tilespmem:s22], [sflag:$0x6], $0x1870, $0x38;
	[tilespmem:$0x11A40] =	vst v63  }
0x33: {  	_ =	swait.ge [sflag:s23], $0x1870  }
0x34: {  	[sflag:s23] =	ssyncset.done $0x0  }
0x35: {  	[sflag:s23] =	ssyncadd.s32 $0xFFFFE790  }
0x36: {  	[bflag:$0x0] =	sbarrier.arrive $0xFFFF  }
0x37: {  	s15 =	rddreg [dreg:$0xb]  }
0x38: {  	[tilespmem:s11], [sflag:$0x1] =	stream.linear.gather [hbm4b:s15+s11], $0x1400, $0x38;
	[tilespmem:$0x11A40] =	vst v63  }
0x39: {  	s13 =	simm.s32 $0x2800;
	s16 =	rddreg [dreg:$0xc]  }
0x3a: {  	[tilespmem:s13], [sflag:$0x1] =	stream.linear.gather [hbm4b:s16+s11], $0x1400, $0x38;
	[tilespmem:$0x11A40] =	vst v63  }
.LBB2_5:
0x3b: {  	_ =	swait.ge [sflag:s25], $0x1400  }
0x3c: {  	[sflag:s25] =	ssyncset.done $0x0  }
0x3d: {  	[sflag:s25] =	ssyncadd.s32 $0xFFFFEC00  }
0x3e: {  	_ =	swait.ge [sflag:s25], $0x1400  }
0x3f: {  	[sflag:s25] =	ssyncset.done $0x0  }
0x40: {  	s13 =	simm.s32 $0x0;
	s12 =	simm.s32 $0x5000;
	[sflag:s25] =	ssyncadd.s32 $0xFFFFEC00  }
0x41: {  	[tilespmem:s12], [sflag:$0x3] =	stream.indirect.gather [spmem:s4], $0x1, s13, s26, $0xb8;
	[tilespmem:$0x11A40] =	vst v63  }
0x42: {  	s14 =	simm.s32 $0x6400;
	s12 =	simm.s32 $0x200  }
.LBB2_6:
0x43: {  	[tilespmem:s14], [sflag:$0x3] =	stream.indirect.gather [spmem:s5], $0x1, s13, s26, $0xb8;
	[tilespmem:$0x11A40] =	vst v63  }
0x44: {  	s13 =	smov.u32 s12;
	p0 =	sne.s32 s12, $0x4E00  }
.Ltmp1:
0x45: {  	s12 =	sadd.s32 $0x200, s12;
	(pc) =	sbr.rel @p0 .LBB2_6-.Ltmp1, $4  }
0x46: {  	s13 =	sshra.s32 s13, $0x2  }
0x47: {  	s14 =	sadd.s32 $0x5000, s13  }
0x48: {  	[tilespmem:s14], [sflag:$0x3] =	stream.indirect.gather [spmem:s4], $0x1, s13, s26, $0xb8;
	[tilespmem:$0x11A40] =	vst v63  }
0x49: {  	s14 =	sadd.s32 $0x6400, s13  }
0x4a: {  	p0 =	seq.s32 s11, $0x0  }
.Ltmp2:
0x4b: {  	_ = 	snop;
	(pc) =	sbr.rel @p0 .LBB2_11-.Ltmp2, $3  }
0x4c: {  	_ =	sdelay $0x1  }
0x4d: {  	[tilespmem:s14], [sflag:$0x3] =	stream.indirect.gather [spmem:s5], $0x1, s13, s26, $0xb8;
	[tilespmem:$0x11A40] =	vst v63  }
0x4e: {  	s12 =	simm.s32 $0x28  }
0x4f: {  	_ =	swait.ge [sflag:s3], $0x80  }
0x50: {  	[sflag:s3] =	ssyncset.done $0x0  }
0x51: {  	[sflag:s3] =	ssyncadd.s32 $0xFFFFFF80  }
0x52: {  	_ =	swait.ge [sflag:s3], $0x80  }
0x53: {  	s12 =	sadd.s32 $0xFFFFFFFF, s12;
	[sflag:s3] =	ssyncset.done $0x0  }
.LBB2_9:
0x54: {  	p0 =	sne.s32 s12, $0x1;
	s12 =	sadd.s32 $0xFFFFFFFF, s12;
	[sflag:s3] =	ssyncadd.s32 $0xFFFFFF80  }
.Ltmp3:
0x55: {  	_ =	swait.ge [sflag:s3], $0x80;
	(pc) =	sbr.rel @p0 .LBB2_9-.Ltmp3, $4  }
0x56: {  	[sflag:s3] =	ssyncset.done $0x0  }
0x57: {  	[sflag:s3] =	ssyncadd.s32 $0xFFFFFF80  }
0x58: {  	_ =	swait.ge [sflag:s3], $0x80  }
0x59: {  	[sflag:s3] =	ssyncset.done $0x0  }
0x5a: {  	[sflag:s3] =	ssyncadd.s32 $0xFFFFFF80  }
.LBB2_11:
0x5b: {  	s12 =	smul.u32 $0x50, s11;
	_ =	sdelay $0x1  }
0x5c: {  	s13 =	sadd.s32 s12, s17  }
0x5d: {  	s13 =	sshll.u32 s13, $0x4  }
0x5e: {  	s14 =	sadd.s32 s7, s13  }
0x5f: {  	[tilespmem:s28], [sflag:$0x2] =	stream.linear.gather [hbm4b:s14+s6], $0x1400, $0x38;
	[tilespmem:$0x11A40] =	vst v63  }
0x60: {  	s13 =	sadd.s32 s8, s13  }
0x61: {  	[tilespmem:s29], [sflag:$0x2] =	stream.linear.gather [hbm4b:s13+s6], $0x1400, $0x38;
	[tilespmem:$0x11A40] =	vst v63  }
0x62: {  	_ =	swait.ge [sflag:s30], $0x80  }
0x63: {  	[sflag:s30] =	ssyncset.done $0x0  }
0x64: {  	[sflag:s30] =	ssyncadd.s32 $0xFFFFFF80  }
0x65: {  	_ =	swait.ge [sflag:s30], $0x80  }
0x66: {  	s13 =	simm.s32 $0x27;
	[sflag:s30] =	ssyncset.done $0x0  }
.LBB2_12:
0x67: {  	p0 =	sne.s32 s13, $0x1;
	s13 =	sadd.s32 $0xFFFFFFFF, s13;
	[sflag:s30] =	ssyncadd.s32 $0xFFFFFF80  }
.Ltmp4:
0x68: {  	_ =	swait.ge [sflag:s30], $0x80;
	(pc) =	sbr.rel @p0 .LBB2_12-.Ltmp4, $4  }
0x69: {  	[sflag:s30] =	ssyncset.done $0x0  }
0x6a: {  	[sflag:s30] =	ssyncadd.s32 $0xFFFFFF80  }
0x6b: {  	_ =	swait.ge [sflag:s30], $0x80  }
0x6c: {  	[sflag:s30] =	ssyncset.done $0x0  }
0x6d: {  	[sflag:s30] =	ssyncadd.s32 $0xFFFFFF80;
	s13 =	simm.s32 $0x5000;
	s14 =	simm.s32 $0x2800  }
0x6e: {  	[spmem:s1] =	stream.indirect.scatter.add.f32 [tilespmem:s13], [sflag:$0x4], $0x1, s14, s26, $0xb8;
	[tilespmem:$0x11A40] =	vst v63  }
0x6f: {  	s15 =	simm.s32 $0x6400;
	s13 =	simm.s32 $0x200  }
.LBB2_14:
0x70: {  	[spmem:s2] =	stream.indirect.scatter.add.f32 [tilespmem:s15], [sflag:$0x4], $0x1, s14, s26, $0xb8;
	[tilespmem:$0x11A40] =	vst v63  }
0x71: {  	s14 =	smov.u32 s13;
	p0 =	sne.s32 s13, $0x4E00  }
.Ltmp5:
0x72: {  	s13 =	sadd.s32 $0x200, s13;
	(pc) =	sbr.rel @p0 .LBB2_14-.Ltmp5, $4  }
0x73: {  	s15 =	sshra.s32 s14, $0x2  }
0x74: {  	s16 =	sadd.s32 $0x5000, s15;
	s14 =	sadd.s32 $0x2800, s15  }
0x75: {  	[spmem:s1] =	stream.indirect.scatter.add.f32 [tilespmem:s16], [sflag:$0x4], $0x1, s14, s26, $0xb8;
	[tilespmem:$0x11A40] =	vst v63  }
0x76: {  	s15 =	sadd.s32 $0x6400, s15  }
0x77: {  	[spmem:s2] =	stream.indirect.scatter.add.f32 [tilespmem:s15], [sflag:$0x4], $0x1, s14, s26, $0xb8;
	[tilespmem:$0x11A40] =	vst v63  }
0x78: {  	_ =	swait.ge [sflag:s31], $0x1400  }
0x79: {  	[sflag:s31] =	ssyncset.done $0x0  }
0x7a: {  	[sflag:s31] =	ssyncadd.s32 $0xFFFFEC00  }
0x7b: {  	_ =	swait.ge [sflag:s31], $0x1400  }
0x7c: {  	[sflag:s31] =	ssyncset.done $0x0  }
0x7d: {  	s13 =	simm.s32 $0x7800;
	s14 =	simm.s32 $0x1400;
	[sflag:s31] =	ssyncadd.s32 $0xFFFFEC00  }
0x7e: {  	[tilespmem:s13], [sflag:$0x3] =	stream.indirect.gather [spmem:s4], $0x1, s14, s26, $0xb8;
	[tilespmem:$0x11A40] =	vst v63  }
0x7f: {  	s15 =	simm.s32 $0x8C00;
	s13 =	simm.s32 $0x200  }
.LBB2_16:
0x80: {  	[tilespmem:s15], [sflag:$0x3] =	stream.indirect.gather [spmem:s5], $0x1, s14, s26, $0xb8;
	[tilespmem:$0x11A40] =	vst v63  }
0x81: {  	s14 =	smov.u32 s13;
	p0 =	sne.s32 s13, $0x4E00  }
.Ltmp6:
0x82: {  	s13 =	sadd.s32 $0x200, s13;
	(pc) =	sbr.rel @p0 .LBB2_16-.Ltmp6, $4  }
0x83: {  	s15 =	sshra.s32 s14, $0x2  }
0x84: {  	s16 =	sadd.s32 $0x7800, s15;
	s14 =	sadd.s32 $0x1400, s15  }
0x85: {  	[tilespmem:s16], [sflag:$0x3] =	stream.indirect.gather [spmem:s4], $0x1, s14, s26, $0xb8;
	[tilespmem:$0x11A40] =	vst v63  }
0x86: {  	s15 =	sadd.s32 $0x8C00, s15  }
0x87: {  	[tilespmem:s15], [sflag:$0x3] =	stream.indirect.gather [spmem:s5], $0x1, s14, s26, $0xb8;
	[tilespmem:$0x11A40] =	vst v63  }
0x88: {  	_ =	swait.ge [sflag:s0], $0x80  }
0x89: {  	[sflag:s0] =	ssyncset.done $0x0  }
0x8a: {  	[sflag:s0] =	ssyncadd.s32 $0xFFFFFF80  }
0x8b: {  	_ =	swait.ge [sflag:s0], $0x80  }
0x8c: {  	s13 =	simm.s32 $0x27;
	[sflag:s0] =	ssyncset.done $0x0  }
.LBB2_18:
0x8d: {  	p0 =	sne.s32 s13, $0x1;
	s13 =	sadd.s32 $0xFFFFFFFF, s13;
	[sflag:s0] =	ssyncadd.s32 $0xFFFFFF80  }
.Ltmp7:
0x8e: {  	_ =	swait.ge [sflag:s0], $0x80;
	(pc) =	sbr.rel @p0 .LBB2_18-.Ltmp7, $4  }
0x8f: {  	[sflag:s0] =	ssyncset.done $0x0  }
0x90: {  	[sflag:s0] =	ssyncadd.s32 $0xFFFFFF80  }
0x91: {  	_ =	swait.ge [sflag:s0], $0x80  }
0x92: {  	[sflag:s0] =	ssyncset.done $0x0  }
0x93: {  	p0 =	seq.s32 s11, $0x4  }
0x94: {  	s12 =	sadd.s32 @!p0 s12, s18  }
0x95: {  	s12 =	sshll.u32 @!p0 s12, $0x4  }
0x96: {  	[sflag:s0] =	ssyncadd.s32 $0xFFFFFF80;
	s14 =	simm.s32 @!p0 $0x0;
	s13 =	sadd.s32 @!p0 s7, s12  }
0x97: {  	[tilespmem:s14], [sflag:$0x1] =	stream.linear.gather @!p0 [hbm4b:s13+s14], $0x1400, $0x38;
	[tilespmem:$0x11A40] =	vst v63  }
0x98: {  	s12 =	sadd.s32 @!p0 s8, s12;
	s13 =	simm.s32 @!p0 $0x2800  }
0x99: {  	[tilespmem:s13], [sflag:$0x1] =	stream.linear.gather @!p0 [hbm4b:s12+s14], $0x1400, $0x38;
	[tilespmem:$0x11A40] =	vst v63  }
0x9a: {  	_ =	swait.ge [sflag:s30], $0x80  }
0x9b: {  	[sflag:s30] =	ssyncset.done $0x0  }
0x9c: {  	[sflag:s30] =	ssyncadd.s32 $0xFFFFFF80  }
0x9d: {  	_ =	swait.ge [sflag:s30], $0x80  }
0x9e: {  	s11 =	sadd.s32 $0x1, s11;
	s12 =	simm.s32 $0x27;
	[sflag:s30] =	ssyncset.done $0x0  }
.LBB2_20:
0x9f: {  	p0 =	sne.s32 s12, $0x1;
	s12 =	sadd.s32 $0xFFFFFFFF, s12;
	[sflag:s30] =	ssyncadd.s32 $0xFFFFFF80  }
.Ltmp8:
0xa0: {  	_ =	swait.ge [sflag:s30], $0x80;
	(pc) =	sbr.rel @p0 .LBB2_20-.Ltmp8, $4  }
0xa1: {  	[sflag:s30] =	ssyncset.done $0x0  }
0xa2: {  	[sflag:s30] =	ssyncadd.s32 $0xFFFFFF80  }
0xa3: {  	_ =	swait.ge [sflag:s30], $0x80  }
0xa4: {  	[sflag:s30] =	ssyncset.done $0x0  }
0xa5: {  	[sflag:s30] =	ssyncadd.s32 $0xFFFFFF80;
	s12 =	simm.s32 $0x7800;
	s13 =	simm.s32 $0x3C00  }
0xa6: {  	[spmem:s1] =	stream.indirect.scatter.add.f32 [tilespmem:s12], [sflag:$0x5], $0x1, s13, s26, $0xb8;
	[tilespmem:$0x11A40] =	vst v63  }
0xa7: {  	s14 =	simm.s32 $0x8C00;
	s12 =	simm.s32 $0x200  }
.LBB2_22:
0xa8: {  	[spmem:s2] =	stream.indirect.scatter.add.f32 [tilespmem:s14], [sflag:$0x5], $0x1, s13, s26, $0xb8;
	[tilespmem:$0x11A40] =	vst v63  }
0xa9: {  	s13 =	smov.u32 s12;
	p0 =	seq.s32 s12, $0x4E00  }
.Ltmp9:
0xaa: {  	s12 =	sadd.s32 $0x200, s12;
	(pc) =	sbr.rel @!p0 .LBB2_22-.Ltmp9, $4  }
0xab: {  	s14 =	sshra.s32 s13, $0x2  }
0xac: {  	s15 =	sadd.s32 $0x7800, s14;
	s13 =	sadd.s32 $0x3C00, s14  }
0xad: {  	[spmem:s1] =	stream.indirect.scatter.add.f32 [tilespmem:s15], [sflag:$0x5], $0x1, s13, s26, $0xb8;
	[tilespmem:$0x11A40] =	vst v63  }
0xae: {  	s14 =	sadd.s32 $0x8C00, s14  }
0xaf: {  	[spmem:s2] =	stream.indirect.scatter.add.f32 [tilespmem:s14], [sflag:$0x5], $0x1, s13, s26, $0xb8;
	[tilespmem:$0x11A40] =	vst v63  }
0xb0: {  	p0 =	seq.s32 s11, $0x5  }
.Ltmp10:
0xb1: {  	_ = 	snop;
	(pc) =	sbr.rel @!p0 .LBB2_5-.Ltmp10, $1  }
0xb2: {  	_ =	sdelay $0x3  }
0xb3: {  	_ =	swait.ge [sflag:s3], $0x80  }
0xb4: {  	[sflag:s3] =	ssyncset.done $0x0  }
0xb5: {  	[sflag:s3] =	ssyncadd.s32 $0xFFFFFF80  }
0xb6: {  	_ =	swait.ge [sflag:s3], $0x80  }
0xb7: {  	s11 =	simm.s32 $0x27;
	[sflag:s3] =	ssyncset.done $0x0  }
.LBB2_25:
0xb8: {  	p0 =	sne.s32 s11, $0x1;
	s11 =	sadd.s32 $0xFFFFFFFF, s11;
	[sflag:s3] =	ssyncadd.s32 $0xFFFFFF80  }
.Ltmp11:
0xb9: {  	_ =	swait.ge [sflag:s3], $0x80;
	(pc) =	sbr.rel @p0 .LBB2_25-.Ltmp11, $4  }
0xba: {  	[sflag:s3] =	ssyncset.done $0x0  }
0xbb: {  	[sflag:s3] =	ssyncadd.s32 $0xFFFFFF80  }
0xbc: {  	_ =	swait.ge [sflag:s3], $0x80  }
0xbd: {  	[sflag:s3] =	ssyncset.done $0x0  }
0xbe: {  	[sflag:s3] =	ssyncadd.s32 $0xFFFFFF80  }
0xbf: {  	[bflag:$0x0] =	sbarrier.arrive $0xFFFF  }
0xc0: {  	[tilespmem:s22], [sflag:$0x6] =	stream.linear.gather [spmem:s9], $0x1870, $0x38;
	[tilespmem:$0x11A40] =	vst v63  }
0xc1: {  	_ =	swait.ge [sflag:s23], $0x1870  }
0xc2: {  	[sflag:s23] =	ssyncset.done $0x0  }
0xc3: {  	[sflag:s23] =	ssyncadd.s32 $0xFFFFE790  }
0xc4: {  	[hbm4b:s19+s6] =	stream.linear.scatter [tilespmem:s22], [sflag:$0x6], $0x1870, $0x38;
	[tilespmem:$0x11A40] =	vst v63  }
0xc5: {  	_ =	swait.ge [sflag:s23], $0x1870  }
0xc6: {  	[sflag:s23] =	ssyncset.done $0x0  }
0xc7: {  	[sflag:s23] =	ssyncadd.s32 $0xFFFFE790  }
0xc8: {  	[tilespmem:s22], [sflag:$0x6] =	stream.linear.gather [spmem:s10], $0x1870, $0x38;
	[tilespmem:$0x11A40] =	vst v63  }
0xc9: {  	s24 =	sadd.s32 $0x1, s24;
	_ =	swait.ge [sflag:s23], $0x1870  }
0xca: {  	p0 =	sne.s32 s24, s21;
	[sflag:s23] =	ssyncset.done $0x0  }
.Ltmp12:
0xcb: {  	[sflag:s23] =	ssyncadd.s32 $0xFFFFE790;
	(pc) =	sbr.rel @p0 .LBB2_1-.Ltmp12, $4  }
0xcc: {  	[hbm4b:s20+s6] =	stream.linear.scatter [tilespmem:s22], [sflag:$0x6], $0x1870, $0x38;
	[tilespmem:$0x11A40] =	vst v63  }
0xcd: {  	_ =	swait.ge [sflag:s23], $0x1870  }
0xce: {  	[sflag:s23] =	ssyncset.done $0x0  }
0xcf: {  	[sflag:s23] =	ssyncadd.s32 $0xFFFFE790  }
0xd0: {  	_ =	sfence.sel $0x180000  }
0xd1: {  	[bflag:$0x0] =	sbarrier.arrive $0xFFFF  }
0xd2: {  	_ =	strace $0x9000004D  }
0xd3: {  	s0 =	stileid.u32;
	[bflag:$0x2] =	sbarrier.arrive $0xFFFF  }
0xd4: {  	p0 =	sne.s32 s0, $0x0;
	s0 =	rddreg [dreg:$0x6]  }
0xd5: {  	s0 =	sadd.s32 @!p0 $0x100000, s0  }
0xd6: {  	[sflag:s0] =	ssyncadd.tile.s32 @!p0 $0x1;
	_ =	shalt  }
.Lfunc_end2:
_tile_overlayer_lowered:
.L_overlay_start_2:
0xd7: {  	(tag) =	ssettag $0x2  }
0xd8: {  	s0 =	rddreg [dreg:$0x0];
	s2 =	stileid.u32  }
0xd9: {  	s1 =	rddreg [dreg:$0x1];
	p0 =	sne.s32 s2, $0x0  }
0xda: {  	s3 =	rddreg [dreg:$0x2];
	[bflag:$0x3] =	sbarrier.arrive $0xFFFF;
	s2 =	simm.s32 @!p0 $0x1C06  }
0xdb: {  	[timem:s3], [sflag:s2] =	dma.local @!p0 [hbm:s0], s1  }
0xdc: {  	s0 =	simm.s32 @!p0 $0x6  }
0xdd: {  	_ =	swait.ge @!p0 [sflag:s0], s1  }
0xde: {  	s1 =	ssub.s32 @!p0 $0x0, s1;
	[sflag:s0] =	ssyncset.done @!p0 $0x0  }
0xdf: {  	[sflag:s0] =	ssyncadd.s32 @!p0 s1  }
0xe0: {  	[bflag:$0x3] =	sbarrier.arrive $0xFFFF  }
0xe1: {  	_ =	shalt  }

// kernel: kernel.8.cloned.1.call-start
scs
__scs_entry_jumppad:
0x0: {  	(pc) =	sbr.rel $0x88, $3  }
0x1: {  	(tag) =	ssettag $0x0;
	lr =	simm.s32 $0x1  }
0x2: {  	[smem:$0x3F9A] =	sst lr;
	_ =	strace $0xD0000000  }
0x3: {  	_ = 	snop  }
0x4: {  	_ = 	snop  }
0x5: {  	_ = 	snop  }
0x6: {  	_ = 	snop  }
0x7: {  	_ = 	snop  }
__scs_overlays_trampoline_lowered:
0x8: {  	[smem:$0x3FA9] =	sst s0  }
0x9: {  	[smem:$0x3FAA] =	sst s1  }
0xa: {  	[smem:$0x3FAB] =	sst s2  }
0xb: {  	[smem:$0x3FAC] =	sst s3  }
0xc: {  	[smem:$0x3FAD] =	sst s4  }
0xd: {  	[smem:$0x3FAE] =	sst s5  }
0xe: {  	[smem:$0x3FAF] =	sst s6  }
0xf: {  	[smem:$0x3FB0] =	sst s7  }
0x10: {  	[smem:$0x3FB1] =	sst s8  }
0x11: {  	[smem:$0x3FB2] =	sst s9;
	s0 =	simm.s32 @!p0 $0x0  }
0x12: {  	s1 =	sld [smem:$0x3F98];
	s0 =	simm.s32 @p0 $0x1  }
0x13: {  	[smem:$0x3FB3] =	sst s0;
	s0 =	simm.s32 @!p1 $0x0  }
0x14: {  	s2 =	sld [smem:$0x3F97];
	s0 =	simm.s32 @p1 $0x1  }
0x15: {  	[smem:$0x3FB4] =	sst s0;
	s0 =	simm.s32 @!p2 $0x0  }
0x16: {  	s3 =	sld [smem:$0x3FDB];
	s0 =	simm.s32 @p2 $0x1  }
0x17: {  	s4 =	simm.s32 $0x1BF5;
	[smem:$0x3FB6] =	sst s0  }
0x18: {  	s0 =	sld [smem:$0x3F99];
	_ =	swait.ge [sflag:s4], $0x0  }
0x19: {  	s7 =	sld [smem:$0x3F9A]  }
0x1a: {  	s8 =	sadd.s32 $0xFFFFE003, lr  }
0x1b: {  	s9 =	sadd.s32 $0xFFFFFEF7, lr;
	s5 =	simm.s32 $0xFFFFFFFF;
	p2 =	slt.u32 s8, $0xFFFFF086  }
0x1c: {  	p1 =	slt.u32 s9, $0xF7A;
	s5 =	simm.s32 @!p2 $0x0  }
0x1d: {  	s5 =	simm.s32 @p1 $0x1;
	p0 =	seq.s32 s7, s2  }
0x1e: {  	s7 =	smul.u32 @!p0 $0xF7A, s2;
	p2 =	seq.s32 @!p0 s5, $0x0  }
0x1f: {  	s9 =	smul.u32 $0xF7A, s1;
	s8 =	simm.s32 @!p0 $0x1BF5;
	p2 =	por !p2, p0  }
0x20: {  	[sflag:s8] =	ssyncset.s32 @!p0 $0xFFFFF086;
	s6 =	sadd.s32 @!p0 s3, s7;
	s7 =	simm.s32 @!p0 $0x108  }
0x21: {  	s3 =	sadd.s32 s3, s9;
	s6 =	sadd.s32 @!p0 $0x88, s6;
	s7 =	simm.s32 @p2 $0x1082  }
0x22: {  	[simem:s7], [sflag:s8] =	dma.local @!p0 [hbm:s6], $0xF7A  }
0x23: {  	s9 =	sor.u32 $0xD0000000, s2;
	s6 =	simm.s32 $0x108;
	_ =	swait.ge @!p0 [sflag:s8], $0x0  }
0x24: {  	s3 =	sadd.s32 $0x88, s3;
	s6 =	simm.s32 @!p1 $0x1082;
	[sflag:s4] =	ssyncset.s32 $0xFFFFF086  }
0x25: {  	[simem:s6], [sflag:s4] =	dma.local [hbm:s3], $0xF7A  }
0x26: {  	[smem:$0x3F9A] =	sst s1;
	(tag) =	ssettag s2;
	_ =	strace s9  }
0x27: {  	s1 =	sld [smem:$0x3FAA]  }
0x28: {  	s2 =	sld [smem:$0x3FAB]  }
0x29: {  	s4 =	sld [smem:$0x3FAD]  }
0x2a: {  	p0 =	seq.s32 s5, $0x0;
	s5 =	sld [smem:$0x3FAE]  }
0x2b: {  	s6 =	sld [smem:$0x3FAF]  }
0x2c: {  	s7 =	sld [smem:$0x3FB0]  }
0x2d: {  	s3 =	simm.s32 $0x108;
	s8 =	sld [smem:$0x3FB1]  }
0x2e: {  	s3 =	simm.s32 @!p0 $0x1082;
	s9 =	sld [smem:$0x3FB2]  }
0x2f: {  	lr =	sadd.s32 s0, s3;
	s0 =	sld [smem:$0x3FA9]  }
0x30: {  	s3 =	sld [smem:$0x3FAC]  }
0x31: {  	[smem:$0x3FB5] =	sst s10  }
0x32: {  	s10 =	sld [smem:$0x3FB3];
	_ =	sdelay $0x3  }
0x33: {  	p0 =	seq.s32 s10, $0x1;
	s10 =	sld [smem:$0x3FB5];
	_ =	sdelay $0x3  }
0x34: {  	[smem:$0x3FB5] =	sst s10  }
0x35: {  	s10 =	sld [smem:$0x3FB4];
	_ =	sdelay $0x3  }
0x36: {  	p1 =	seq.s32 s10, $0x1;
	s10 =	sld [smem:$0x3FB5];
	_ =	sdelay $0x3  }
0x37: {  	[smem:$0x3FB5] =	sst s10  }
0x38: {  	s10 =	sld [smem:$0x3FB6]  }
0x39: {  	_ = 	snop;
	(pc) =	sbr.ind lr, $3  }
0x3a: {  	_ = 	snop  }
0x3b: {  	_ = 	snop  }
0x3c: {  	p2 =	seq.s32 s10, $0x1;
	s10 =	sld [smem:$0x3FB5]  }
0x3d: {  	_ =	shalt  }
0x3e: {  	_ =	shalt  }
0x3f: {  	_ =	shalt  }
0x40: {  	_ =	shalt  }
0x41: {  	_ =	shalt  }
0x42: {  	_ =	shalt  }
0x43: {  	_ =	shalt  }
0x44: {  	_ =	shalt  }
0x45: {  	_ =	shalt  }
0x46: {  	_ =	shalt  }
0x47: {  	_ =	shalt  }
0x48: {  	_ =	shalt  }
0x49: {  	_ =	shalt  }
0x4a: {  	_ =	shalt  }
0x4b: {  	_ =	shalt  }
0x4c: {  	_ =	shalt  }
0x4d: {  	_ =	shalt  }
0x4e: {  	_ =	shalt  }
0x4f: {  	_ =	shalt  }
0x50: {  	_ =	shalt  }
0x51: {  	_ =	shalt  }
0x52: {  	_ =	shalt  }
0x53: {  	_ =	shalt  }
0x54: {  	_ =	shalt  }
0x55: {  	_ =	shalt  }
0x56: {  	_ =	shalt  }
0x57: {  	_ =	shalt  }
0x58: {  	_ =	shalt  }
0x59: {  	_ =	shalt  }
0x5a: {  	_ =	shalt  }
0x5b: {  	_ =	shalt  }
0x5c: {  	_ =	shalt  }
0x5d: {  	_ =	shalt  }
0x5e: {  	_ =	shalt  }
0x5f: {  	_ =	shalt  }
0x60: {  	_ =	shalt  }
0x61: {  	_ =	shalt  }
0x62: {  	_ =	shalt  }
0x63: {  	_ =	shalt  }
0x64: {  	_ =	shalt  }
0x65: {  	_ =	shalt  }
0x66: {  	_ =	shalt  }
0x67: {  	_ =	shalt  }
0x68: {  	_ =	shalt  }
0x69: {  	_ =	shalt  }
0x6a: {  	_ =	shalt  }
0x6b: {  	_ =	shalt  }
0x6c: {  	_ =	shalt  }
0x6d: {  	_ =	shalt  }
0x6e: {  	_ =	shalt  }
0x6f: {  	_ =	shalt  }
0x70: {  	_ =	shalt  }
0x71: {  	_ =	shalt  }
0x72: {  	_ =	shalt  }
0x73: {  	_ =	shalt  }
0x74: {  	_ =	shalt  }
0x75: {  	_ =	shalt  }
0x76: {  	_ =	shalt  }
0x77: {  	_ =	shalt  }
0x78: {  	_ =	shalt  }
0x79: {  	_ =	shalt  }
0x7a: {  	_ =	shalt  }
0x7b: {  	_ =	shalt  }
0x7c: {  	_ =	shalt  }
0x7d: {  	_ =	shalt  }
0x7e: {  	_ =	shalt  }
0x7f: {  	_ =	shalt  }
0x80: {  	_ =	shalt  }
0x81: {  	_ =	shalt  }
0x82: {  	_ =	shalt  }
0x83: {  	_ =	shalt  }
0x84: {  	_ =	shalt  }
0x85: {  	_ =	shalt  }
0x86: {  	_ =	shalt  }
0x87: {  	_ =	shalt  }
.Lfunc_end0:
.L_simem_size_0:
called_computation_lowered:
.L_overlay_start_0:
0x88: {  	s2 =	sld [smem:$0x3FD9]  }
0x89: {  	s3 =	sld [smem:$0x3FFE];
	_ =	sdelay $0x1  }
0x8a: {  	s1 =	srdreg.scid  }
0x8b: {  	s0 =	sand.u32 $0x1, s1  }
0x8c: {  	s16 =	sshll.u32 s0, $0xA;
	s2 =	sadd.s32 s3, s2  }
0x8d: {  	s2 =	sadd.s32 s2, s16  }
0x8e: {  	[smem:$0x3FC1] =	sst s2  }
0x8f: {  	_ = 	snop  }
0x90: {  	(tm) =	ssettm $0x1  }
0x91: {  	s17 =	sld [smem:$0x3FFB];
	_ =	sdelay $0x3  }
0x92: {  	_ =	strace s17  }
0x93: {  	s2 =	sld [smem:$0x3FFC];
	_ =	sdelay $0x3  }
0x94: {  	_ =	strace s2  }
0x95: {  	s2 =	sld [smem:$0x3FFD];
	_ =	sdelay $0x3  }
0x96: {  	_ =	strace s2  }
0x97: {  	_ =	strace $0x8FFFFFFF  }
0x98: {  	s18 =	sld [smem:$0x3FDB];
	_ =	sdelay $0x1  }
0x99: {  	s19 =	simm.s32 $_scs_section_size  }
0x9a: {  	s4 =	simm.s32 $_size__tile_overlayer_lowered;
	s5 =	simm.s32 $_tile_overlayer_lowered  }
0x9b: {  	s22 =	simm.s32 $0x1BFF;
	s21 =	sshll.u32 s5, $0x1;
	s2 =	sadd.s32 s19, s18  }
0x9c: {  	s6 =	simm.s32 $0x0;
	s20 =	sshll.u32 s4, $0x1;
	s4 =	sadd.s32 s21, s2  }
0x9d: {  	[timem:s6], [sflag:s22] =	dma.local [hbm:s4], s20  }
0x9e: {  	_ =	swait.ge [sflag:s22], s20  }
0x9f: {  	s3 =	ssub.s32 $0x0, s20;
	[sflag:s22] =	ssyncset.done $0x0  }
0xa0: {  	[sflag:s22] =	ssyncadd.s32 s3;
	_ =	sdelay $0x1  }
0xa1: {  	s23 =	simm.s32 $0x1B8B  }
0xa2: {  	_ =	swait.ge [sflag:s23], $0x1  }
0xa3: {  	[sflag:s23] =	ssyncset.done $0x0  }
0xa4: {  	s25 =	simm.s32 $0x1B8E;
	s24 =	sld [smem:$0x3FFE];
	[sflag:s23] =	ssyncadd.s32 $0xFFFFFFFF  }
0xa5: {  	s26 =	simm.s32 $execute0_lowered;
	[smem:$0x3FD2] =	sst s25  }
0xa6: {  	s4 =	sshll.u32 s26, $0x1;
	_ =	strace $0x80000046;
	[dreg:$0x1] =	wrdreg $0xFFFFFFFF  }
0xa7: {  	s28 =	simm.s32 $_size_execute0_lowered;
	s2 =	sadd.s32 s2, s4;
	[dreg:$0x0] =	wrdreg $0x0  }
0xa8: {  	s4 =	sshll.u32 s28, $0x1;
	[dreg:$0x2] =	wrdreg s2  }
0xa9: {  	[dreg:$0x3] =	wrdreg s4  }
0xaa: {  	[dreg:$0x4] =	wrdreg $0xC0  }
0xab: {  	_ =	task [dreg:s6], $0x5FFFF  }
0xac: {  	[dreg:$0x1] =	wrdreg $0xFFFFFFFF  }
0xad: {  	[dreg:$0x0] =	wrdreg $0x60  }
0xae: {  	[dreg:$0x2] =	wrdreg s24  }
0xaf: {  	[dreg:$0x3] =	wrdreg $0x41000  }
0xb0: {  	[dreg:$0x4] =	wrdreg $0x9  }
0xb1: {  	_ =	task.clear_ibuf [dreg:s6], $0x5FFFF;
	_ =	strace $0x90000046  }
0xb2: {  	s29 =	simm.s32 $0x9;
	_ =	strace $0x80000048  }
0xb3: {  	_ =	swait.ge [sflag:s29], $0x1  }
0xb4: {  	[sflag:s29] =	ssyncadd.s32 $0xFFFFFFFF  }
0xb5: {  	_ =	strace $0x90000048  }
0xb6: {  	_ =	sfence  }
0xb7: {  	s30 =	sld [smem:$0x0];
	_ =	sdelay $0x2  }
0xb8: {  	s31 =	sshll.u32 s1, $0xD;
	s1 =	sshrl.u32 s1, $0x2  }
0xb9: {  	s3 =	sand.u32 $0x4000, s31;
	s1 =	sadd.s32 s1, s30  }
0xba: {  	s0 =	sor.u32 s3, s0;
	s1 =	sshll.u32 s1, $0x11  }
0xbb: {  	s0 =	sor.u32 s1, s0  }
0xbc: {  	s0 =	sadd.s32 $0x8F2B, s0  }
0xbd: {  	[sflag:s0] =	ssyncadd.remote.s32 $0x1  }
0xbe: {  	_ =	sfence.sel $0xFFFF  }
0xbf: {  	[dreg:$0x0] =	wrdreg $0xFFFFFFFF;
	(pc) =	sbr.abs _section_cstart, $3  }
0xc0: {  	[dreg:$0x1] =	wrdreg $0xFFFFFFFF  }
0xc1: {  	_ =	task.clear_ibuf [dreg:s6], $0x2FFFF;
	_ =	strace $0x9FFFFFFF  }
0xc2: {  	(tm) =	ssettm $0x7FFFFFFF  }
0xc3: {  	_ =	shalt  }
tec
execute0_lowered:
.L_overlay_start_1:
0x0: {  	(tag) =	ssettag $0x1  }
0x1: {  	s1 =	srdreg.scid;
	s4 =	rddreg [dreg:$0x0]  }
0x2: {  	s0 =	stileid.u32;
	s2 =	rddreg [dreg:$0x1];
	s3 =	simm.s32 $0x0  }
0x3: {  	s12 =	simm.s32 $0x2880;
	s13 =	simm.s32 $0x2;
	s14 =	simm.s32 $0x80  }
0x4: {  	s15 =	simm.s32 $0x2800;
	s16 =	simm.s32 $0x1;
	s17 =	simm.s32 $0x0  }
0x5: {  	s5 =	sand.u32 $0x1, s1;
	s6 =	smul.u32 $0x1870, s0;
	s7 =	sshll.u32 s0, $0x1  }
0x6: {  	s1 =	rddreg [dreg:$0x2];
	s8 =	smul.u32 $0x18700, s5;
	s7 =	sor.u32 s5, s7  }
0x7: {  	[smem:$0x7FF] =	sst s3;
	s5 =	ssub.s32 $0x2, s5;
	s7 =	smul.u32 $0x1900, s7  }
0x8: {  	_ =	strace $0x80000047;
	s30 =	sshrl.u32 s5, $0x1;
	s8 =	sadd.s32 s6, s8  }
0x9: {  	s31 =	ssub.s32 s5, s30;
	s8 =	sshrl.u32 s8, $0x3;
	s11 =	sadd.s32 s7, s4  }
0xa: {  	s29 =	sadd.s32 s8, s4;
	s4 =	sadd.s32 s6, s2;
	s6 =	smax.u32 s31, $0x1  }
0xb: {  	s7 =	sadd.s32 $0x33E00, s11;
	s8 =	sadd.s32 $0x34300, s11;
	s9 =	sadd.s32 $0x34800, s11  }
0xc: {  	v0 =	vimm.f32 $0.0e+00;
	v1 =	vimm.f32 $1.000000000e+00;
	s10 =	sadd.s32 $0x34D00, s11;
	s11 =	sadd.s32 $0x35200, s11;
	s5 =	sadd.s32 $0x65E00, s29  }
.LBB2_1:
0xd: {  	s18 =	simm.s32 $0x40;
	s19 =	simm.s32 $0x0  }
.LBB2_2:
0xe: {  	p0 =	sne.s32 s18, $0x6180;
	[tilespmem:s19+$0x2880] =	vst v0;
	s19 =	smov.u32 s18;
	s18 =	sadd.s32 $0x40, s18  }
.Ltmp0:
0xf: {  	(pc) =	sbr.rel @p0 .LBB2_2-.Ltmp0, $2  }
0x10: {  	_ =	sdelay $0x2  }
0x11: {  	s19 =	sshra.s32 s19, $0x2  }
0x12: {  	[tilespmem:s19+$0x2880] =	vst v0  }
0x13: {  	[spmem:s4] =	stream.linear.scatter [tilespmem:s12], [sflag:$0x2], $0x1870, $0x38;
	[tilespmem:$0x5970] =	vst v63  }
0x14: {  	_ =	swait.ge [sflag:s13], $0x1870  }
0x15: {  	[sflag:s13] =	ssyncset.done $0x0  }
0x16: {  	[sflag:s13] =	ssyncadd.s32 $0xFFFFE790  }
0x17: {  	[tilespmem:$0x2800] =	vst v1  }
0x18: {  	[tilespmem:$0x2810] =	vst v1  }
0x19: {  	[tilespmem:$0x2820] =	vst v1  }
0x1a: {  	[tilespmem:$0x2830] =	vst v1  }
0x1b: {  	[tilespmem:$0x2840] =	vst v1  }
0x1c: {  	[tilespmem:$0x2850] =	vst v1  }
0x1d: {  	[tilespmem:$0x2860] =	vst v1  }
0x1e: {  	[tilespmem:$0x2870] =	vst v1  }
0x1f: {  	s18 =	simm.s32 $0x0;
	[bflag:$0x0] =	sbarrier.arrive $0xFFFF  }
0x20: {  	[tilespmem:s18], [sflag:$0x2] =	stream.linear.gather [hbm4b:s7+s18], $0x2800, $0x38;
	[tilespmem:$0x5970] =	vst v63  }
0x21: {  	_ =	swait.ge [sflag:s13], $0x2800  }
0x22: {  	[sflag:s13] =	ssyncset.done $0x0  }
0x23: {  	[sflag:s13] =	ssyncadd.s32 $0xFFFFD800  }
.LBB2_4:
0x24: {  	p0 =	sne.s32 s18, $0x9E00  }
.Ltmp1:
0x25: {  	_ = 	snop;
	(pc) =	sbr.rel @p0 .LBB2_4-.Ltmp1, $3  }
0x26: {  	_ =	sdelay $0x1  }
0x27: {  	s19 =	sshra.s32 s18, $0x2;
	s18 =	sadd.s32 $0x200, s18  }
0x28: {  	[spmem:s2] =	stream.indirect.scatter.add.f32 [tilespmem:s15], [sflag:$0x1], $0x1, s19, s14, $0xb8;
	[tilespmem:$0x5970] =	vst v63  }
0x29: {  	_ =	swait.ge [sflag:s16], $0x80  }
0x2a: {  	s18 =	simm.s32 $0x4F;
	[sflag:s16] =	ssyncset.done $0x0  }
.LBB2_6:
0x2b: {  	p0 =	sne.s32 s18, $0x1;
	s18 =	sadd.s32 $0xFFFFFFFF, s18;
	[sflag:s16] =	ssyncadd.s32 $0xFFFFFF80  }
.Ltmp2:
0x2c: {  	(pc) =	sbr.rel @p0 .LBB2_6-.Ltmp2, $3  }
0x2d: {  	_ =	sdelay $0x1  }
0x2e: {  	_ =	swait.ge [sflag:s16], $0x80  }
0x2f: {  	[sflag:s16] =	ssyncset.done $0x0  }
0x30: {  	[sflag:s16] =	ssyncadd.s32 $0xFFFFFF80;
	s18 =	simm.s32 $0x0  }
0x31: {  	[tilespmem:s18], [sflag:$0x2] =	stream.linear.gather [hbm4b:s8+s18], $0x2800, $0x38;
	[tilespmem:$0x5970] =	vst v63  }
0x32: {  	_ =	swait.ge [sflag:s13], $0x2800  }
0x33: {  	[sflag:s13] =	ssyncset.done $0x0  }
0x34: {  	[sflag:s13] =	ssyncadd.s32 $0xFFFFD800  }
.LBB2_8:
0x35: {  	p0 =	sne.s32 s18, $0x9E00  }
.Ltmp3:
0x36: {  	_ = 	snop;
	(pc) =	sbr.rel @p0 .LBB2_8-.Ltmp3, $3  }
0x37: {  	_ =	sdelay $0x1  }
0x38: {  	s19 =	sshra.s32 s18, $0x2;
	s18 =	sadd.s32 $0x200, s18  }
0x39: {  	[spmem:s2] =	stream.indirect.scatter.add.f32 [tilespmem:s15], [sflag:$0x1], $0x1, s19, s14, $0xb8;
	[tilespmem:$0x5970] =	vst v63  }
0x3a: {  	_ =	swait.ge [sflag:s16], $0x80  }
0x3b: {  	s18 =	simm.s32 $0x4F;
	[sflag:s16] =	ssyncset.done $0x0  }
.LBB2_10:
0x3c: {  	p0 =	sne.s32 s18, $0x1;
	s18 =	sadd.s32 $0xFFFFFFFF, s18;
	[sflag:s16] =	ssyncadd.s32 $0xFFFFFF80  }
.Ltmp4:
0x3d: {  	(pc) =	sbr.rel @p0 .LBB2_10-.Ltmp4, $3  }
0x3e: {  	_ =	sdelay $0x1  }
0x3f: {  	_ =	swait.ge [sflag:s16], $0x80  }
0x40: {  	[sflag:s16] =	ssyncset.done $0x0  }
0x41: {  	[sflag:s16] =	ssyncadd.s32 $0xFFFFFF80;
	s18 =	simm.s32 $0x0  }
0x42: {  	[tilespmem:s18], [sflag:$0x2] =	stream.linear.gather [hbm4b:s9+s18], $0x2800, $0x38;
	[tilespmem:$0x5970] =	vst v63  }
0x43: {  	_ =	swait.ge [sflag:s13], $0x2800  }
0x44: {  	[sflag:s13] =	ssyncset.done $0x0  }
0x45: {  	[sflag:s13] =	ssyncadd.s32 $0xFFFFD800  }
.LBB2_12:
0x46: {  	p0 =	sne.s32 s18, $0x9E00  }
.Ltmp5:
0x47: {  	_ = 	snop;
	(pc) =	sbr.rel @p0 .LBB2_12-.Ltmp5, $3  }
0x48: {  	_ =	sdelay $0x1  }
0x49: {  	s19 =	sshra.s32 s18, $0x2;
	s18 =	sadd.s32 $0x200, s18  }
0x4a: {  	[spmem:s2] =	stream.indirect.scatter.add.f32 [tilespmem:s15], [sflag:$0x1], $0x1, s19, s14, $0xb8;
	[tilespmem:$0x5970] =	vst v63  }
0x4b: {  	_ =	swait.ge [sflag:s16], $0x80  }
0x4c: {  	s18 =	simm.s32 $0x4F;
	[sflag:s16] =	ssyncset.done $0x0  }
.LBB2_14:
0x4d: {  	p0 =	sne.s32 s18, $0x1;
	s18 =	sadd.s32 $0xFFFFFFFF, s18;
	[sflag:s16] =	ssyncadd.s32 $0xFFFFFF80  }
.Ltmp6:
0x4e: {  	(pc) =	sbr.rel @p0 .LBB2_14-.Ltmp6, $3  }
0x4f: {  	_ =	sdelay $0x1  }
0x50: {  	_ =	swait.ge [sflag:s16], $0x80  }
0x51: {  	[sflag:s16] =	ssyncset.done $0x0  }
0x52: {  	[sflag:s16] =	ssyncadd.s32 $0xFFFFFF80;
	s18 =	simm.s32 $0x0  }
0x53: {  	[tilespmem:s18], [sflag:$0x2] =	stream.linear.gather [hbm4b:s10+s18], $0x2800, $0x38;
	[tilespmem:$0x5970] =	vst v63  }
0x54: {  	_ =	swait.ge [sflag:s13], $0x2800  }
0x55: {  	[sflag:s13] =	ssyncset.done $0x0  }
0x56: {  	[sflag:s13] =	ssyncadd.s32 $0xFFFFD800  }
.LBB2_16:
0x57: {  	p0 =	sne.s32 s18, $0x9E00  }
.Ltmp7:
0x58: {  	_ = 	snop;
	(pc) =	sbr.rel @p0 .LBB2_16-.Ltmp7, $3  }
0x59: {  	_ =	sdelay $0x1  }
0x5a: {  	s19 =	sshra.s32 s18, $0x2;
	s18 =	sadd.s32 $0x200, s18  }
0x5b: {  	[spmem:s2] =	stream.indirect.scatter.add.f32 [tilespmem:s15], [sflag:$0x1], $0x1, s19, s14, $0xb8;
	[tilespmem:$0x5970] =	vst v63  }
0x5c: {  	_ =	swait.ge [sflag:s16], $0x80  }
0x5d: {  	s18 =	simm.s32 $0x4F;
	[sflag:s16] =	ssyncset.done $0x0  }
.LBB2_18:
0x5e: {  	p0 =	sne.s32 s18, $0x1;
	s18 =	sadd.s32 $0xFFFFFFFF, s18;
	[sflag:s16] =	ssyncadd.s32 $0xFFFFFF80  }
.Ltmp8:
0x5f: {  	(pc) =	sbr.rel @p0 .LBB2_18-.Ltmp8, $3  }
0x60: {  	_ =	sdelay $0x1  }
0x61: {  	_ =	swait.ge [sflag:s16], $0x80  }
0x62: {  	[sflag:s16] =	ssyncset.done $0x0  }
0x63: {  	[sflag:s16] =	ssyncadd.s32 $0xFFFFFF80;
	s18 =	simm.s32 $0x0  }
0x64: {  	[tilespmem:s18], [sflag:$0x2] =	stream.linear.gather [hbm4b:s11+s18], $0x2800, $0x38;
	[tilespmem:$0x5970] =	vst v63  }
0x65: {  	_ =	swait.ge [sflag:s13], $0x2800  }
0x66: {  	[sflag:s13] =	ssyncset.done $0x0  }
0x67: {  	[sflag:s13] =	ssyncadd.s32 $0xFFFFD800  }
.LBB2_20:
0x68: {  	p0 =	sne.s32 s18, $0x9E00  }
.Ltmp9:
0x69: {  	_ = 	snop;
	(pc) =	sbr.rel @p0 .LBB2_20-.Ltmp9, $3  }
0x6a: {  	_ =	sdelay $0x1  }
0x6b: {  	s19 =	sshra.s32 s18, $0x2;
	s18 =	sadd.s32 $0x200, s18  }
0x6c: {  	[spmem:s2] =	stream.indirect.scatter.add.f32 [tilespmem:s15], [sflag:$0x1], $0x1, s19, s14, $0xb8;
	[tilespmem:$0x5970] =	vst v63  }
0x6d: {  	_ =	swait.ge [sflag:s16], $0x80  }
0x6e: {  	s18 =	simm.s32 $0x4F;
	[sflag:s16] =	ssyncset.done $0x0  }
.LBB2_22:
0x6f: {  	p0 =	sne.s32 s18, $0x1;
	s18 =	sadd.s32 $0xFFFFFFFF, s18;
	[sflag:s16] =	ssyncadd.s32 $0xFFFFFF80  }
.Ltmp10:
0x70: {  	(pc) =	sbr.rel @p0 .LBB2_22-.Ltmp10, $3  }
0x71: {  	_ =	sdelay $0x1  }
0x72: {  	_ =	swait.ge [sflag:s16], $0x80  }
0x73: {  	[sflag:s16] =	ssyncset.done $0x0  }
0x74: {  	[sflag:s16] =	ssyncadd.s32 $0xFFFFFF80  }
0x75: {  	[bflag:$0x0] =	sbarrier.arrive $0xFFFF  }
0x76: {  	[tilespmem:s12], [sflag:$0x2] =	stream.linear.gather [spmem:s4], $0x1870, $0x38;
	[tilespmem:$0x5970] =	vst v63  }
0x77: {  	s17 =	sadd.s32 $0x1, s17;
	_ =	swait.ge [sflag:s13], $0x1870  }
0x78: {  	p0 =	sne.s32 s17, s6;
	[sflag:s13] =	ssyncset.done $0x0  }
.Ltmp11:
0x79: {  	[sflag:s13] =	ssyncadd.s32 $0xFFFFE790;
	(pc) =	sbr.rel @p0 .LBB2_1-.Ltmp11, $4  }
0x7a: {  	[hbm4b:s5+s3] =	stream.linear.scatter [tilespmem:s12], [sflag:$0x2], $0x1870, $0x38;
	[tilespmem:$0x5970] =	vst v63  }
0x7b: {  	_ =	swait.ge [sflag:s13], $0x1870  }
0x7c: {  	[sflag:s13] =	ssyncset.done $0x0  }
0x7d: {  	[sflag:s13] =	ssyncadd.s32 $0xFFFFE790  }
0x7e: {  	_ =	sfence.sel $0x180000  }
0x7f: {  	[bflag:$0x0] =	sbarrier.arrive $0xFFFF  }
0x80: {  	p0 =	sne.s32 s0, $0x0;
	_ =	strace $0x90000047  }
0x81: {  	s0 =	sadd.s32 @!p0 $0x100000, s1;
	[bflag:$0x2] =	sbarrier.arrive $0xFFFF  }
0x82: {  	[sflag:s0] =	ssyncadd.tile.s32 @!p0 $0x1;
	_ =	shalt  }
.Lfunc_end2:
_tile_overlayer_lowered:
.L_overlay_start_2:
0x83: {  	(tag) =	ssettag $0x2  }
0x84: {  	s0 =	rddreg [dreg:$0x0];
	s2 =	stileid.u32  }
0x85: {  	s1 =	rddreg [dreg:$0x1];
	p0 =	sne.s32 s2, $0x0  }
0x86: {  	s3 =	rddreg [dreg:$0x2];
	[bflag:$0x3] =	sbarrier.arrive $0xFFFF;
	s2 =	simm.s32 @!p0 $0x1C02  }
0x87: {  	[timem:s3], [sflag:s2] =	dma.local @!p0 [hbm:s0], s1  }
0x88: {  	s0 =	simm.s32 @!p0 $0x2  }
0x89: {  	_ =	swait.ge @!p0 [sflag:s0], s1  }
0x8a: {  	s1 =	ssub.s32 @!p0 $0x0, s1;
	[sflag:s0] =	ssyncset.done @!p0 $0x0  }
0x8b: {  	[sflag:s0] =	ssyncadd.s32 @!p0 s1  }
0x8c: {  	[bflag:$0x3] =	sbarrier.arrive $0xFFFF  }
0x8d: {  	_ =	shalt  }

</sc_bundles>
